<compile_context>
chip_gen: v7x
topology: tpu7x:2x2x1
jax: 0.10.2.dev20260603
libtpu: 0.0.44.dev20260713+nightly
codegen_flags: <defaults>
</compile_context>

<pallas_src>
import functools

import jax
import jax.numpy as jnp
from jax import lax
from jax.experimental import pallas as pl
from jax.experimental.pallas import tpu as pltpu
from jax.experimental.pallas import tpu_sc as plsc

N = 10000
E = 320000
F_IN = 128
HEADS = 8
HID = 8
HD = HEADS * HID
C = 40

NP = 10240
NC = 2
NS = 16
NW = NC * NS
K = 288
NB0 = 36
NB1 = 36
NBMX = max(NB0, NB1)
EWMX = K * NBMX
EP = NS * (NB0 + NB1) * K
RW1 = 80
RW2 = 48
BN = 2048
NBLK = NP // BN

_NEG = -1e30


def _prep1_body(x_ref, w1_ref, asm_ref, adm_ref, tab_ref, adt_ref, mx_ref):
    i = pl.program_id(0)
    h = jnp.dot(x_ref[...], w1_ref[...], preferred_element_type=jnp.float32)
    asr = jnp.dot(h, asm_ref[...], preferred_element_type=jnp.float32)
    adr = jnp.dot(h, adm_ref[...], preferred_element_type=jnp.float32)
    tab_ref[...] = jnp.concatenate(
        [h, asr, jnp.zeros((BN, 8), jnp.float32)], axis=1)
    rows = i * BN + lax.broadcasted_iota(jnp.int32, (BN, 1), 0)
    mask = rows < N
    adr_m = jnp.where(mask, adr, _NEG)
    adt_ref[...] = jnp.concatenate(
        [adr_m, jnp.full((BN, 8), _NEG, jnp.float32)], axis=1)
    asr_mx = jnp.max(jnp.where(mask, asr, _NEG), axis=0)
    adr_mx = jnp.max(adr_m, axis=0)
    mx_ref[...] = jnp.concatenate([asr_mx, adr_mx]).reshape(1, 1, 16)


def _prep1(xp, w1, asm, adm):
    return pl.pallas_call(
        _prep1_body,
        grid=(NBLK,),
        in_specs=[
            pl.BlockSpec((BN, F_IN), lambda i: (i, 0)),
            pl.BlockSpec((F_IN, HD), lambda i: (0, 0)),
            pl.BlockSpec((HD, HEADS), lambda i: (0, 0)),
            pl.BlockSpec((HD, HEADS), lambda i: (0, 0)),
        ],
        out_specs=[
            pl.BlockSpec((BN, RW1), lambda i: (i, 0)),
            pl.BlockSpec((BN, 16), lambda i: (i, 0)),
            pl.BlockSpec((1, 1, 16), lambda i: (i, 0, 0)),
        ],
        out_shape=[
            jax.ShapeDtypeStruct((NP, RW1), jnp.float32),
            jax.ShapeDtypeStruct((NP, 16), jnp.float32),
            jax.ShapeDtypeStruct((NBLK, 1, 16), jnp.float32),
        ],
    )(xp, w1, asm, adm)


def _edge_body(rw, compute_fn, tab_ref, adt_ref, src_ref, dst_ref, sv_ref,
               out_ref, sidx, didx, rows0, rows1, ad0, ad1, svv, acc,
               gsem0, gsem1, ssem0, ssem1):
    rows = (rows0, rows1)
    ad = (ad0, ad1)
    gsem = (gsem0, gsem1)
    ssem = (ssem0, ssem1)
    cid = lax.axis_index("c")
    sid = lax.axis_index("s")
    nbw = jnp.where(cid == 0, NB0, NB1)
    ebase = jnp.where(cid == 0, sid * (NB0 * K),
                      NS * NB0 * K + sid * (NB1 * K))
    nv = rw // 16

    z = jnp.zeros((16,), jnp.float32)

    @plsc.parallel_loop(0, K)
    def _(i):
        for j in range(nv):
            rows0[i, pl.ds(16 * j, 16)] = z

    rs = NP // NS
    base = sid * rs
    zdone = 0
    while zdone + K <= rs:
        pltpu.sync_copy(rows0.at[pl.ds(0, K)], acc.at[pl.ds(base + zdone, K)])
        zdone += K
    if zdone < rs:
        pltpu.sync_copy(rows0.at[pl.ds(0, rs - zdone)],
                        acc.at[pl.ds(base + zdone, rs - zdone)])
    pltpu.sync_copy(sv_ref, svv)
    pltpu.sync_copy(src_ref.at[pl.ds(ebase, EWMX)], sidx)
    pltpu.sync_copy(dst_ref.at[pl.ds(ebase, EWMX)], didx)
    plsc.subcore_barrier()

    svec = svv[...]
    iot = lax.iota(jnp.int32, 16)

    def start_gather(r, b):
        pltpu.async_copy(tab_ref.at[sidx.at[pl.ds(b * K, K)]], rows[r], gsem[r])
        pltpu.async_copy(adt_ref.at[didx.at[pl.ds(b * K, K)]], ad[r], gsem[r])

    def wait_gather(r, b):
        pltpu.make_async_copy(
            tab_ref.at[sidx.at[pl.ds(b * K, K)]], rows[r], gsem[r]).wait()
        pltpu.make_async_copy(
            adt_ref.at[didx.at[pl.ds(b * K, K)]], ad[r], gsem[r]).wait()

    def start_scatter(r, b):
        pltpu.async_copy(rows[r], acc.at[didx.at[pl.ds(b * K, K)]], ssem[r],
                         add=True)

    def wait_scatter(r, b):
        pltpu.make_async_copy(
            rows[r], acc.at[didx.at[pl.ds(b * K, K)]], ssem[r]).wait()

    start_gather(0, 0)

    def q_body(q, _):
        for r in range(2):
            b = 2 * q + r
            rn = (r + 1) % 2

            wait_gather(r, b)
            rowr = rows[r]
            adr = ad[r]

            @plsc.parallel_loop(0, K, unroll=2)
            def _(e):
                compute_fn(rowr, adr, e, svec, iot)

            @pl.when(b >= 1)
            def _():
                wait_scatter(rn, b - 1)

            @pl.when(b + 1 < nbw)
            def _():
                start_gather(rn, b + 1)

            start_scatter(r, b)
        return 0

    lax.fori_loop(0, nbw // 2, q_body, 0)
    wait_scatter(1, nbw - 1)
    plsc.subcore_barrier()
    pltpu.sync_copy(acc.at[pl.ds(base, rs)], out_ref.at[cid, pl.ds(base, rs)])


def _vgather(w, idx):
    dn = lax.GatherDimensionNumbers(
        offset_dims=(), collapsed_slice_dims=(0,), start_index_map=(0,))
    return lax.gather(w, idx[:, None], dn, slice_sizes=(1,),
                      mode=lax.GatherScatterMode.PROMISE_IN_BOUNDS)


def _cf1(rows, ad, e, svec, iot):
    a = rows[e, pl.ds(64, 16)] + ad[e, pl.ds(0, 16)]
    w = jnp.exp(jnp.maximum(a, 0.2 * a) - svec)
    hb = jnp.right_shift(iot, 3)
    for j in range(4):
        wb = _vgather(w, hb + 2 * j)
        rows[e, pl.ds(16 * j, 16)] = rows[e, pl.ds(16 * j, 16)] * wb
    rows[e, pl.ds(64, 16)] = w


def _cf2(rows, ad, e, svec, iot):
    a = rows[e, pl.ds(32, 16)] + ad[e, pl.ds(0, 16)]
    w = jnp.exp(jnp.maximum(a, 0.2 * a) - svec)
    wb = _vgather(w, jnp.right_shift(iot, 4) + 8)
    for j in range(2):
        rows[e, pl.ds(16 * j, 16)] = rows[e, pl.ds(16 * j, 16)] * wb
    m2 = rows[e, pl.ds(32, 16)] * wb
    rows[e, pl.ds(32, 16)] = jnp.where(iot == 8, wb, m2)


def _edge_pass(tab, adt, srcp, dstp, sv, rw, compute_fn):
    mesh = plsc.VectorSubcoreMesh(core_axis_name="c", subcore_axis_name="s")
    return pl.kernel(
        functools.partial(_edge_body, rw, compute_fn),
        out_type=jax.ShapeDtypeStruct((NC, NP, rw), jnp.float32),
        mesh=mesh,
        compiler_params=pltpu.CompilerParams(use_tc_tiling_on_sc=False),
        scratch_types=[
            pltpu.VMEM((EWMX,), jnp.int32),
            pltpu.VMEM((EWMX,), jnp.int32),
            pltpu.VMEM((K, rw), jnp.float32),
            pltpu.VMEM((K, rw), jnp.float32),
            pltpu.VMEM((K, 16), jnp.float32),
            pltpu.VMEM((K, 16), jnp.float32),
            pltpu.VMEM((16,), jnp.float32),
            pltpu.MemorySpace.VMEM_SHARED((NP, rw), jnp.float32),
        ] + [pltpu.SemaphoreType.DMA] * 4,
    )(tab, adt, srcp, dstp, sv)


def _comb1_body(p0_ref, p1_ref, rep_ref, b1_ref, w2_ref, as2_ref, ad2_ref,
                tab_ref, adt_ref, mx_ref):
    i = pl.program_id(0)
    acc = p0_ref[...] + p1_ref[...]
    num = acc[:, :HD]
    den = acc[:, HD:HD + HEADS]
    deni = 1.0 / (den + 1e-16)
    x2 = num * jnp.dot(deni, rep_ref[...], preferred_element_type=jnp.float32)
    x2 = x2 + b1_ref[...]
    x2 = jnp.where(x2 > 0, x2, jnp.exp(jnp.minimum(x2, 0.0)) - 1.0)
    h2 = jnp.dot(x2, w2_ref[...], preferred_element_type=jnp.float32)
    as2 = jnp.dot(h2, as2_ref[...], preferred_element_type=jnp.float32)
    ad2 = jnp.dot(h2, ad2_ref[...], preferred_element_type=jnp.float32)
    tab_ref[...] = jnp.concatenate(
        [h2, as2, jnp.zeros((BN, 7), jnp.float32)], axis=1)
    rows = i * BN + lax.broadcasted_iota(jnp.int32, (BN, 1), 0)
    mask = rows < N
    col = lax.broadcasted_iota(jnp.int32, (BN, 16), 1)
    adt_ref[...] = jnp.where((col == 8) & mask,
                             jnp.broadcast_to(ad2, (BN, 16)), _NEG)
    as_mx = jnp.max(jnp.where(mask, as2, _NEG))
    ad_mx = jnp.max(jnp.where(mask, ad2, _NEG))
    lane = lax.broadcasted_iota(jnp.int32, (1, 1, 16), 2)
    mx_ref[...] = jnp.where(lane == 0, as_mx, jnp.where(lane == 1, ad_mx, _NEG))


def _comb1(p0, p1, rep8, b1r, w2, as2v, ad2v):
    return pl.pallas_call(
        _comb1_body,
        grid=(NBLK,),
        in_specs=[
            pl.BlockSpec((BN, RW1), lambda i: (i, 0)),
            pl.BlockSpec((BN, RW1), lambda i: (i, 0)),
            pl.BlockSpec((HEADS, HD), lambda i: (0, 0)),
            pl.BlockSpec((1, HD), lambda i: (0, 0)),
            pl.BlockSpec((HD, C), lambda i: (0, 0)),
            pl.BlockSpec((C, 1), lambda i: (0, 0)),
            pl.BlockSpec((C, 1), lambda i: (0, 0)),
        ],
        out_specs=[
            pl.BlockSpec((BN, RW2), lambda i: (i, 0)),
            pl.BlockSpec((BN, 16), lambda i: (i, 0)),
            pl.BlockSpec((1, 1, 16), lambda i: (i, 0, 0)),
        ],
        out_shape=[
            jax.ShapeDtypeStruct((NP, RW2), jnp.float32),
            jax.ShapeDtypeStruct((NP, 16), jnp.float32),
            jax.ShapeDtypeStruct((NBLK, 1, 16), jnp.float32),
        ],
    )(p0, p1, rep8, b1r, w2, as2v, ad2v)


def _final_body(p0_ref, p1_ref, b2_ref, out_ref):
    acc = p0_ref[...] + p1_ref[...]
    num = acc[:, :C]
    den = acc[:, C:C + 1]
    o = num / (den + 1e-16) + b2_ref[...]
    m = jnp.max(o, axis=1, keepdims=True)
    lse = jnp.log(jnp.sum(jnp.exp(o - m), axis=1, keepdims=True))
    out_ref[...] = o - m - lse


def _final(p0, p1, b2r):
    return pl.pallas_call(
        _final_body,
        grid=(NBLK,),
        in_specs=[
            pl.BlockSpec((BN, RW2), lambda i: (i, 0)),
            pl.BlockSpec((BN, RW2), lambda i: (i, 0)),
            pl.BlockSpec((1, C), lambda i: (0, 0)),
        ],
        out_specs=pl.BlockSpec((BN, C), lambda i: (i, 0)),
        out_shape=jax.ShapeDtypeStruct((NP, C), jnp.float32),
    )(p0, p1, b2r)


def kernel(x, edge_index, W1, att_src1, att_dst1, b1, W2, att_src2, att_dst2,
           b2):
    f32 = jnp.float32
    xp = jnp.concatenate([x, jnp.zeros((NP - N, F_IN), f32)], axis=0)
    eye8 = jnp.eye(HEADS, dtype=f32)
    asm = (att_src1.reshape(HEADS, HID)[:, :, None]
           * eye8[:, None, :]).reshape(HD, HEADS)
    adm = (att_dst1.reshape(HEADS, HID)[:, :, None]
           * eye8[:, None, :]).reshape(HD, HEADS)
    loops = jnp.arange(N, dtype=jnp.int32)
    padi = jnp.full((EP - E - N + EWMX,), N, jnp.int32)
    srcp = jnp.concatenate([edge_index[0], loops, padi])
    dstp = jnp.concatenate([edge_index[1], loops, padi])

    tab1, adt1, mx1 = _prep1(xp, W1, asm, adm)
    s1 = jnp.max(mx1[:, 0, :8]) + jnp.max(mx1[:, 0, 8:])
    sv1 = jnp.full((16,), s1, f32)
    parts1 = _edge_pass(tab1, adt1, srcp, dstp, sv1, RW1, _cf1)

    rep8 = jnp.repeat(eye8, HID, axis=1)
    tab2, adt2, mx2 = _comb1(parts1[0], parts1[1], rep8, b1.reshape(1, HD),
                             W2, att_src2.reshape(C, 1), att_dst2.reshape(C, 1))
    s2 = jnp.max(mx2[:, 0, 0]) + jnp.max(mx2[:, 0, 1])
    sv2 = jnp.full((16,), s2, f32)
    parts2 = _edge_pass(tab2, adt2, srcp, dstp, sv2, RW2, _cf2)

    out = _final(parts2[0], parts2[1], b2.reshape(1, C))
    return out[:N]

# --- scband reference (transcript-rebuilt; emitter-appended) ---
"""Pipeline reference for scband-gat-47880295415974 (READ-ONLY COPY).

The authoritative reference and input builder live on the scoring server;
editing this copy changes nothing except your own understanding.
"""

import jax, jax.numpy as jnp
import numpy as np

N = 10000
E = 320000
F_IN = 128
HEADS = 8
HID = 8
NUM_CLASSES = 40


def setup_inputs(seed: int = 0) -> dict:
    key = jax.random.key(seed)
    ks = jax.random.split(key, 12)
    x = jax.random.normal(ks[0], (N, F_IN), dtype=jnp.float32)
    edge_index = jax.random.randint(ks[1], (2, E), 0, N, dtype=jnp.int32)
    W1 = jax.random.normal(ks[2], (F_IN, HEADS * HID), dtype=jnp.float32) * 0.1
    att_src1 = jax.random.normal(ks[3], (1, HEADS, HID), dtype=jnp.float32) * 0.1
    att_dst1 = jax.random.normal(ks[4], (1, HEADS, HID), dtype=jnp.float32) * 0.1
    b1 = jnp.zeros((HEADS * HID,), dtype=jnp.float32)
    W2 = jax.random.normal(ks[5], (HEADS * HID, 1 * NUM_CLASSES), dtype=jnp.float32) * 0.1
    att_src2 = jax.random.normal(ks[6], (1, 1, NUM_CLASSES), dtype=jnp.float32) * 0.1
    att_dst2 = jax.random.normal(ks[7], (1, 1, NUM_CLASSES), dtype=jnp.float32) * 0.1
    b2 = jnp.zeros((NUM_CLASSES,), dtype=jnp.float32)
    return {"x": x, "edge_index": edge_index, "W1": W1, "att_src1": att_src1,
            "att_dst1": att_dst1, "b1": b1, "W2": W2, "att_src2": att_src2,
            "att_dst2": att_dst2, "b2": b2}


def _gat_conv(x, src, dst, W, att_src, att_dst, bias, heads, out_ch, concat, n_nodes):
    # linear transform and reshape to per-head features
    h = (x @ W).reshape(n_nodes, heads, out_ch)
    # per-node attention logits
    alpha_src = (h * att_src).sum(axis=-1)  # [N, heads]
    alpha_dst = (h * att_dst).sum(axis=-1)  # [N, heads]
    # per-edge attention (gather)
    alpha = alpha_src[src] + alpha_dst[dst]  # [E, heads]
    alpha = jax.nn.leaky_relu(alpha, negative_slope=0.2)
    # segment softmax over incoming edges of each dst node
    amax = jax.ops.segment_max(alpha, dst, num_segments=n_nodes)
    amax = jnp.where(jnp.isfinite(amax), amax, 0.0)
    alpha = jnp.exp(alpha - amax[dst])
    denom = jax.ops.segment_sum(alpha, dst, num_segments=n_nodes)
    alpha = alpha / (denom[dst] + 1e-16)
    # message passing: weighted scatter-add of source features
    msg = h[src] * alpha[:, :, None]  # [E, heads, out_ch]
    out = jax.ops.segment_sum(msg, dst, num_segments=n_nodes)  # [N, heads, out_ch]
    if concat:
        out = out.reshape(n_nodes, heads * out_ch)
    else:
        out = out.mean(axis=1)
    return out + bias


def reference(x, edge_index, W1, att_src1, att_dst1, b1, W2, att_src2, att_dst2, b2):
    n_nodes = x.shape[0]
    # PyG GATConv adds self-loops by default
    loops = jnp.arange(n_nodes, dtype=edge_index.dtype)
    src = jnp.concatenate([edge_index[0], loops])
    dst = jnp.concatenate([edge_index[1], loops])
    # dropout is identity in eval mode
    h = _gat_conv(x, src, dst, W1, att_src1, att_dst1, b1, HEADS, HID, True, n_nodes)
    h = jax.nn.elu(h)
    out = _gat_conv(h, src, dst, W2, att_src2, att_dst2, b2, 1, NUM_CLASSES, False, n_nodes)
    return jax.nn.log_softmax(out, axis=1)

if __name__ == "__main__":
    import jax
    _d = setup_inputs()
    print(jax.jit(kernel)(*tuple(_d.values())))

</pallas_src>

<mosaic_0001>
#map = affine_map<(d0, d1) -> (0, 0)>
#map1 = affine_map<(d0, d1) -> (0)>
#map2 = affine_map<(d0, d1) -> (0, 0, 0)>
module attributes {stable_mosaic.version = 14 : i64} {
  func.func @_edge_body(%arg0: i32, %arg1: i32, %arg2: memref<10240x48xf32, #tpu.memory_space<hbm>>, %arg3: memref<10240x16xf32, #tpu.memory_space<hbm>>, %arg4: memref<342144xi32, #tpu.memory_space<hbm>>, %arg5: memref<342144xi32, #tpu.memory_space<hbm>>, %arg6: memref<16xf32, #tpu.memory_space<hbm>>, %arg7: memref<2x10240x48xf32, #tpu.memory_space<hbm>>, %arg8: memref<10368xi32, #tpu.memory_space<vmem>>, %arg9: memref<10368xi32, #tpu.memory_space<vmem>>, %arg10: memref<288x48xf32, #tpu.memory_space<vmem>>, %arg11: memref<288x48xf32, #tpu.memory_space<vmem>>, %arg12: memref<288x16xf32, #tpu.memory_space<vmem>>, %arg13: memref<288x16xf32, #tpu.memory_space<vmem>>, %arg14: memref<16xf32, #tpu.memory_space<vmem>>, %arg15: memref<10240x48xf32, #tpu.memory_space<vmem_shared>>, %arg16: memref<!tpu.dma_semaphore, #tpu.memory_space<semaphore_mem>>, %arg17: memref<!tpu.dma_semaphore, #tpu.memory_space<semaphore_mem>>, %arg18: memref<!tpu.dma_semaphore, #tpu.memory_space<semaphore_mem>>, %arg19: memref<!tpu.dma_semaphore, #tpu.memory_space<semaphore_mem>>) attributes {dimension_semantics = [#tpu.dimension_semantics<core_parallel>, #tpu.dimension_semantics<subcore_parallel>], iteration_bounds = array<i64: 2, 16>, scalar_prefetch = 0 : i64, scratch_operands = 12 : i64, tpu.core_type = #tpu.core_type<sc_vector_subcore>, window_params = [{transform_indices = #map}, {transform_indices = #map}, {transform_indices = #map1}, {transform_indices = #map1}, {transform_indices = #map1}, {transform_indices = #map2}]} {
    %eq3A = arith.constant 0 : i32
    %eq3A_0 = arith.cmpi eq, %arg0, %eq3A : i32
    %jit3A = arith.constant 36 : i32
    %jit3A_1 = arith.constant 36 : i32
    %select_n3A = arith.select %eq3A_0, %jit3A, %jit3A_1 : i32
    %eq3A_2 = arith.constant 0 : i32
    %eq3A_3 = arith.cmpi eq, %arg0, %eq3A_2 : i32
    %mul3A = arith.constant 10368 : i32
    %mul3A_4 = arith.muli %arg1, %mul3A : i32
    %mul3A_5 = arith.constant 10368 : i32
    %mul3A_6 = arith.muli %arg1, %mul3A_5 : i32
    %add3A = arith.constant 165888 : i32
    %add3A_7 = arith.addi %add3A, %mul3A_6 : i32
    %select_n3A_8 = arith.select %eq3A_3, %mul3A_4, %add3A_7 : i32
    %broadcast_in_dim3A = arith.constant 0.000000e+00 : f32
    %broadcast_in_dim3A_9 = vector.broadcast %broadcast_in_dim3A : f32 to vector<16xf32>
    %parallel_loop3A = arith.constant 0 : i32
    %parallel_loop3A_10 = arith.constant 288 : i32
    %parallel_loop3A_11 = arith.constant 1 : i32
    scf.for %parallel_loop3A_68 = %parallel_loop3A to %parallel_loop3A_10 step %parallel_loop3A_11  : i32 {
      %parallel_loop3A_69 = arith.index_cast %parallel_loop3A_68 : i32 to index
      %parallel_loop3A_70 = arith.constant 0 : index
      %parallel_loop3A_71 = tpu.vector_load %arg10[%parallel_loop3A_69, %parallel_loop3A_70] {strides = array<i32>} : memref<288x48xf32, #tpu.memory_space<vmem>>, vector<1x16xf32>,
      %parallel_loop3A_72 = vector.shape_cast %parallel_loop3A_71 : vector<1x16xf32> to vector<16xf32>
      %parallel_loop3A_73 = vector.shape_cast %broadcast_in_dim3A_9 : vector<16xf32> to vector<1x16xf32>
      tpu.vector_store %arg10[%parallel_loop3A_69, %parallel_loop3A_70], %parallel_loop3A_73 {strides = array<i32>} : memref<288x48xf32, #tpu.memory_space<vmem>>, vector<1x16xf32>,
      %parallel_loop3A_74 = arith.index_cast %parallel_loop3A_68 : i32 to index
      %parallel_loop3A_75 = arith.constant 16 : index
      %parallel_loop3A_76 = tpu.vector_load %arg10[%parallel_loop3A_74, %parallel_loop3A_75] {strides = array<i32>} : memref<288x48xf32, #tpu.memory_space<vmem>>, vector<1x16xf32>,
      %parallel_loop3A_77 = vector.shape_cast %parallel_loop3A_76 : vector<1x16xf32> to vector<16xf32>
      %parallel_loop3A_78 = vector.shape_cast %broadcast_in_dim3A_9 : vector<16xf32> to vector<1x16xf32>
      tpu.vector_store %arg10[%parallel_loop3A_74, %parallel_loop3A_75], %parallel_loop3A_78 {strides = array<i32>} : memref<288x48xf32, #tpu.memory_space<vmem>>, vector<1x16xf32>,
      %parallel_loop3A_79 = arith.index_cast %parallel_loop3A_68 : i32 to index
      %parallel_loop3A_80 = arith.constant 32 : index
      %parallel_loop3A_81 = tpu.vector_load %arg10[%parallel_loop3A_79, %parallel_loop3A_80] {strides = array<i32>} : memref<288x48xf32, #tpu.memory_space<vmem>>, vector<1x16xf32>,
      %parallel_loop3A_82 = vector.shape_cast %parallel_loop3A_81 : vector<1x16xf32> to vector<16xf32>
      %parallel_loop3A_83 = vector.shape_cast %broadcast_in_dim3A_9 : vector<16xf32> to vector<1x16xf32>
      tpu.vector_store %arg10[%parallel_loop3A_79, %parallel_loop3A_80], %parallel_loop3A_83 {strides = array<i32>} : memref<288x48xf32, #tpu.memory_space<vmem>>, vector<1x16xf32>,
    } {sc.loop_unroll_factor = 1 : i64, sc.parallel_access}
    %mul3A_12 = arith.constant 640 : i32
    %mul3A_13 = arith.muli %arg1, %mul3A_12 : i32
    %add3A_14 = arith.constant 0 : i32
    %add3A_15 = arith.addi %mul3A_13, %add3A_14 : i32
    "tpu.region"() ({
      %run_scoped3A = tpu.sem_alloc : memref<!tpu.dma_semaphore, #tpu.memory_space<semaphore_mem>>
      %dma_start3A_68 = arith.constant 0 : i32
      %dma_start3A_69 = arith.constant 0 : i32
      %dma_start3A_70 = tpu.memref_slice %arg10[%dma_start3A_68, %dma_start3A_69] : memref<288x48xf32, #tpu.memory_space<vmem>> -> memref<288x48xf32, #tpu.memory_space<vmem>>
      %dma_start3A_71 = arith.constant 0 : i32
      %dma_start3A_72 = tpu.memref_slice %arg15[%add3A_15, %dma_start3A_71] : memref<10240x48xf32, #tpu.memory_space<vmem_shared>> -> memref<288x48xf32, #tpu.memory_space<vmem_shared>>
      %dma_start3A_73 = arith.constant 0 : i32
      %dma_start3A_74 = tpu.memref_slice %arg15[%add3A_15, %dma_start3A_73] : memref<10240x48xf32, #tpu.memory_space<vmem_shared>> -> memref<288x48xf32, #tpu.memory_space<vmem_shared>>
      %dma_start3A_75 = arith.constant 0 : i32
      %dma_start3A_76 = arith.constant 0 : i32
      %dma_start3A_77 = tpu.memref_slice %arg10[%dma_start3A_75, %dma_start3A_76] : memref<288x48xf32, #tpu.memory_space<vmem>> -> memref<288x48xf32, #tpu.memory_space<vmem>>
      tpu.enqueue_dma source(%dma_start3A_77 : memref<288x48xf32, #tpu.memory_space<vmem>>) target(%dma_start3A_74 : memref<288x48xf32, #tpu.memory_space<vmem_shared>>) target_semaphore(%run_scoped3A : memref<!tpu.dma_semaphore, #tpu.memory_space<semaphore_mem>>)
      %dma_wait3A_78 = arith.constant 0 : i32
      %dma_wait3A_79 = arith.constant 0 : i32
      %dma_wait3A_80 = tpu.memref_slice %arg10[%dma_wait3A_78, %dma_wait3A_79] : memref<288x48xf32, #tpu.memory_space<vmem>> -> memref<288x48xf32, #tpu.memory_space<vmem>>
      %dma_wait3A_81 = arith.constant 0 : i32
      %dma_wait3A_82 = tpu.memref_slice %arg15[%add3A_15, %dma_wait3A_81] : memref<10240x48xf32, #tpu.memory_space<vmem_shared>> -> memref<288x48xf32, #tpu.memory_space<vmem_shared>>
      %dma_wait3A_83 = arith.constant 0 : i32
      %dma_wait3A_84 = tpu.memref_slice %arg15[%add3A_15, %dma_wait3A_83] : memref<10240x48xf32, #tpu.memory_space<vmem_shared>> -> memref<288x48xf32, #tpu.memory_space<vmem_shared>>
      %dma_wait3A_85 = arith.constant 0 : i32
      %dma_wait3A_86 = arith.constant 0 : i32
      %dma_wait3A_87 = tpu.memref_slice %arg10[%dma_wait3A_85, %dma_wait3A_86] : memref<288x48xf32, #tpu.memory_space<vmem>> -> memref<288x48xf32, #tpu.memory_space<vmem>>
      tpu.wait_dma2 semaphore(%run_scoped3A : memref<!tpu.dma_semaphore, #tpu.memory_space<semaphore_mem>>) src(%dma_wait3A_87 : memref<288x48xf32, #tpu.memory_space<vmem>>) dst(%dma_wait3A_84 : memref<288x48xf32, #tpu.memory_space<vmem_shared>>)
      tpu.yield
    }) : () -> ()
    %add3A_16 = arith.constant 288 : i32
    %add3A_17 = arith.addi %mul3A_13, %add3A_16 : i32
    "tpu.region"() ({
      %run_scoped3A = tpu.sem_alloc : memref<!tpu.dma_semaphore, #tpu.memory_space<semaphore_mem>>
      %dma_start3A_68 = arith.constant 0 : i32
      %dma_start3A_69 = arith.constant 0 : i32
      %dma_start3A_70 = tpu.memref_slice %arg10[%dma_start3A_68, %dma_start3A_69] : memref<288x48xf32, #tpu.memory_space<vmem>> -> memref<288x48xf32, #tpu.memory_space<vmem>>
      %dma_start3A_71 = arith.constant 0 : i32
      %dma_start3A_72 = tpu.memref_slice %arg15[%add3A_17, %dma_start3A_71] : memref<10240x48xf32, #tpu.memory_space<vmem_shared>> -> memref<288x48xf32, #tpu.memory_space<vmem_shared>>
      %dma_start3A_73 = arith.constant 0 : i32
      %dma_start3A_74 = tpu.memref_slice %arg15[%add3A_17, %dma_start3A_73] : memref<10240x48xf32, #tpu.memory_space<vmem_shared>> -> memref<288x48xf32, #tpu.memory_space<vmem_shared>>
      %dma_start3A_75 = arith.constant 0 : i32
      %dma_start3A_76 = arith.constant 0 : i32
      %dma_start3A_77 = tpu.memref_slice %arg10[%dma_start3A_75, %dma_start3A_76] : memref<288x48xf32, #tpu.memory_space<vmem>> -> memref<288x48xf32, #tpu.memory_space<vmem>>
      tpu.enqueue_dma source(%dma_start3A_77 : memref<288x48xf32, #tpu.memory_space<vmem>>) target(%dma_start3A_74 : memref<288x48xf32, #tpu.memory_space<vmem_shared>>) target_semaphore(%run_scoped3A : memref<!tpu.dma_semaphore, #tpu.memory_space<semaphore_mem>>)
      %dma_wait3A_78 = arith.constant 0 : i32
      %dma_wait3A_79 = arith.constant 0 : i32
      %dma_wait3A_80 = tpu.memref_slice %arg10[%dma_wait3A_78, %dma_wait3A_79] : memref<288x48xf32, #tpu.memory_space<vmem>> -> memref<288x48xf32, #tpu.memory_space<vmem>>
      %dma_wait3A_81 = arith.constant 0 : i32
      %dma_wait3A_82 = tpu.memref_slice %arg15[%add3A_17, %dma_wait3A_81] : memref<10240x48xf32, #tpu.memory_space<vmem_shared>> -> memref<288x48xf32, #tpu.memory_space<vmem_shared>>
      %dma_wait3A_83 = arith.constant 0 : i32
      %dma_wait3A_84 = tpu.memref_slice %arg15[%add3A_17, %dma_wait3A_83] : memref<10240x48xf32, #tpu.memory_space<vmem_shared>> -> memref<288x48xf32, #tpu.memory_space<vmem_shared>>
      %dma_wait3A_85 = arith.constant 0 : i32
      %dma_wait3A_86 = arith.constant 0 : i32
      %dma_wait3A_87 = tpu.memref_slice %arg10[%dma_wait3A_85, %dma_wait3A_86] : memref<288x48xf32, #tpu.memory_space<vmem>> -> memref<288x48xf32, #tpu.memory_space<vmem>>
      tpu.wait_dma2 semaphore(%run_scoped3A : memref<!tpu.dma_semaphore, #tpu.memory_space<semaphore_mem>>) src(%dma_wait3A_87 : memref<288x48xf32, #tpu.memory_space<vmem>>) dst(%dma_wait3A_84 : memref<288x48xf32, #tpu.memory_space<vmem_shared>>)
      tpu.yield
    }) : () -> ()
    %add3A_18 = arith.constant 576 : i32
    %add3A_19 = arith.addi %mul3A_13, %add3A_18 : i32
    "tpu.region"() ({
      %run_scoped3A = tpu.sem_alloc : memref<!tpu.dma_semaphore, #tpu.memory_space<semaphore_mem>>
      %dma_start3A_68 = arith.constant 0 : i32
      %dma_start3A_69 = arith.constant 0 : i32
      %dma_start3A_70 = tpu.memref_slice %arg10[%dma_start3A_68, %dma_start3A_69] : memref<288x48xf32, #tpu.memory_space<vmem>> -> memref<64x48xf32, #tpu.memory_space<vmem>>
      %dma_start3A_71 = arith.constant 0 : i32
      %dma_start3A_72 = tpu.memref_slice %arg15[%add3A_19, %dma_start3A_71] : memref<10240x48xf32, #tpu.memory_space<vmem_shared>> -> memref<64x48xf32, #tpu.memory_space<vmem_shared>>
      %dma_start3A_73 = arith.constant 0 : i32
      %dma_start3A_74 = tpu.memref_slice %arg15[%add3A_19, %dma_start3A_73] : memref<10240x48xf32, #tpu.memory_space<vmem_shared>> -> memref<64x48xf32, #tpu.memory_space<vmem_shared>>
      %dma_start3A_75 = arith.constant 0 : i32
      %dma_start3A_76 = arith.constant 0 : i32
      %dma_start3A_77 = tpu.memref_slice %arg10[%dma_start3A_75, %dma_start3A_76] : memref<288x48xf32, #tpu.memory_space<vmem>> -> memref<64x48xf32, #tpu.memory_space<vmem>>
      tpu.enqueue_dma source(%dma_start3A_77 : memref<64x48xf32, #tpu.memory_space<vmem>>) target(%dma_start3A_74 : memref<64x48xf32, #tpu.memory_space<vmem_shared>>) target_semaphore(%run_scoped3A : memref<!tpu.dma_semaphore, #tpu.memory_space<semaphore_mem>>)
      %dma_wait3A_78 = arith.constant 0 : i32
      %dma_wait3A_79 = arith.constant 0 : i32
      %dma_wait3A_80 = tpu.memref_slice %arg10[%dma_wait3A_78, %dma_wait3A_79] : memref<288x48xf32, #tpu.memory_space<vmem>> -> memref<64x48xf32, #tpu.memory_space<vmem>>
      %dma_wait3A_81 = arith.constant 0 : i32
      %dma_wait3A_82 = tpu.memref_slice %arg15[%add3A_19, %dma_wait3A_81] : memref<10240x48xf32, #tpu.memory_space<vmem_shared>> -> memref<64x48xf32, #tpu.memory_space<vmem_shared>>
      %dma_wait3A_83 = arith.constant 0 : i32
      %dma_wait3A_84 = tpu.memref_slice %arg15[%add3A_19, %dma_wait3A_83] : memref<10240x48xf32, #tpu.memory_space<vmem_shared>> -> memref<64x48xf32, #tpu.memory_space<vmem_shared>>
      %dma_wait3A_85 = arith.constant 0 : i32
      %dma_wait3A_86 = arith.constant 0 : i32
      %dma_wait3A_87 = tpu.memref_slice %arg10[%dma_wait3A_85, %dma_wait3A_86] : memref<288x48xf32, #tpu.memory_space<vmem>> -> memref<64x48xf32, #tpu.memory_space<vmem>>
      tpu.wait_dma2 semaphore(%run_scoped3A : memref<!tpu.dma_semaphore, #tpu.memory_space<semaphore_mem>>) src(%dma_wait3A_87 : memref<64x48xf32, #tpu.memory_space<vmem>>) dst(%dma_wait3A_84 : memref<64x48xf32, #tpu.memory_space<vmem_shared>>)
      tpu.yield
    }) : () -> ()
    "tpu.region"() ({
      %run_scoped3A = tpu.sem_alloc : memref<!tpu.dma_semaphore, #tpu.memory_space<semaphore_mem>>
      tpu.enqueue_dma source(%arg6 : memref<16xf32, #tpu.memory_space<hbm>>) target(%arg14 : memref<16xf32, #tpu.memory_space<vmem>>) target_semaphore(%run_scoped3A : memref<!tpu.dma_semaphore, #tpu.memory_space<semaphore_mem>>)
      tpu.wait_dma2 semaphore(%run_scoped3A : memref<!tpu.dma_semaphore, #tpu.memory_space<semaphore_mem>>) src(%arg6 : memref<16xf32, #tpu.memory_space<hbm>>) dst(%arg14 : memref<16xf32, #tpu.memory_space<vmem>>)
      tpu.yield
    }) : () -> ()
    "tpu.region"() ({
      %run_scoped3A = tpu.sem_alloc : memref<!tpu.dma_semaphore, #tpu.memory_space<semaphore_mem>>
      %dma_start3A_68 = tpu.memref_slice %arg4[%select_n3A_8] : memref<342144xi32, #tpu.memory_space<hbm>> -> memref<10368xi32, #tpu.memory_space<hbm>>
      %dma_start3A_69 = tpu.memref_slice %arg4[%select_n3A_8] : memref<342144xi32, #tpu.memory_space<hbm>> -> memref<10368xi32, #tpu.memory_space<hbm>>
      tpu.enqueue_dma source(%dma_start3A_69 : memref<10368xi32, #tpu.memory_space<hbm>>) target(%arg8 : memref<10368xi32, #tpu.memory_space<vmem>>) target_semaphore(%run_scoped3A : memref<!tpu.dma_semaphore, #tpu.memory_space<semaphore_mem>>)
      %dma_wait3A_70 = tpu.memref_slice %arg4[%select_n3A_8] : memref<342144xi32, #tpu.memory_space<hbm>> -> memref<10368xi32, #tpu.memory_space<hbm>>
      %dma_wait3A_71 = tpu.memref_slice %arg4[%select_n3A_8] : memref<342144xi32, #tpu.memory_space<hbm>> -> memref<10368xi32, #tpu.memory_space<hbm>>
      tpu.wait_dma2 semaphore(%run_scoped3A : memref<!tpu.dma_semaphore, #tpu.memory_space<semaphore_mem>>) src(%dma_wait3A_71 : memref<10368xi32, #tpu.memory_space<hbm>>) dst(%arg8 : memref<10368xi32, #tpu.memory_space<vmem>>)
      tpu.yield
    }) : () -> ()
    "tpu.region"() ({
      %run_scoped3A = tpu.sem_alloc : memref<!tpu.dma_semaphore, #tpu.memory_space<semaphore_mem>>
      %dma_start3A_68 = tpu.memref_slice %arg5[%select_n3A_8] : memref<342144xi32, #tpu.memory_space<hbm>> -> memref<10368xi32, #tpu.memory_space<hbm>>
      %dma_start3A_69 = tpu.memref_slice %arg5[%select_n3A_8] : memref<342144xi32, #tpu.memory_space<hbm>> -> memref<10368xi32, #tpu.memory_space<hbm>>
      tpu.enqueue_dma source(%dma_start3A_69 : memref<10368xi32, #tpu.memory_space<hbm>>) target(%arg9 : memref<10368xi32, #tpu.memory_space<vmem>>) target_semaphore(%run_scoped3A : memref<!tpu.dma_semaphore, #tpu.memory_space<semaphore_mem>>)
      %dma_wait3A_70 = tpu.memref_slice %arg5[%select_n3A_8] : memref<342144xi32, #tpu.memory_space<hbm>> -> memref<10368xi32, #tpu.memory_space<hbm>>
      %dma_wait3A_71 = tpu.memref_slice %arg5[%select_n3A_8] : memref<342144xi32, #tpu.memory_space<hbm>> -> memref<10368xi32, #tpu.memory_space<hbm>>
      tpu.wait_dma2 semaphore(%run_scoped3A : memref<!tpu.dma_semaphore, #tpu.memory_space<semaphore_mem>>) src(%dma_wait3A_71 : memref<10368xi32, #tpu.memory_space<hbm>>) dst(%arg9 : memref<10368xi32, #tpu.memory_space<vmem>>)
      tpu.yield
    }) : () -> ()
    %barrier3A = arith.constant 0 : index
    tpu.barrier barrier_id(%barrier3A)
    %get3A = arith.constant 0 : index
    %get3A_20 = tpu.vector_load %arg14[%get3A] {strides = array<i32>} : memref<16xf32, #tpu.memory_space<vmem>>, vector<16xf32>,
    %get3A_21 = vector.shape_cast %get3A_20 : vector<16xf32> to vector<16xf32>
    %iota3A = tpu.iota {dimensions = array<i32: 0>} : vector<16xi32>
    %dma_start3A = arith.constant 0 : i32
    %dma_start3A_22 = tpu.memref_slice %arg8[%dma_start3A] : memref<10368xi32, #tpu.memory_space<vmem>> -> memref<288xi32, #tpu.memory_space<vmem>>
    %dma_start3A_23 = arith.constant 0 : i32
    %dma_start3A_24 = arith.constant 0 : i32
    %dma_start3A_25 = tpu.memref_slice %arg2[%dma_start3A_23, %dma_start3A_24] : memref<10240x48xf32, #tpu.memory_space<hbm>> -> memref<10240x48xf32, #tpu.memory_space<hbm>>
    tpu.enqueue_indirect_dma source(%dma_start3A_25 : memref<10240x48xf32, #tpu.memory_space<hbm>>) target(%arg10 : memref<288x48xf32, #tpu.memory_space<vmem>>) offsets(%dma_start3A_22 : memref<288xi32, #tpu.memory_space<vmem>>) semaphore(%arg16 : memref<!tpu.dma_semaphore, #tpu.memory_space<semaphore_mem>>)
    %dma_start3A_26 = arith.constant 0 : i32
    %dma_start3A_27 = tpu.memref_slice %arg9[%dma_start3A_26] : memref<10368xi32, #tpu.memory_space<vmem>> -> memref<288xi32, #tpu.memory_space<vmem>>
    %dma_start3A_28 = arith.constant 0 : i32
    %dma_start3A_29 = arith.constant 0 : i32
    %dma_start3A_30 = tpu.memref_slice %arg3[%dma_start3A_28, %dma_start3A_29] : memref<10240x16xf32, #tpu.memory_space<hbm>> -> memref<10240x16xf32, #tpu.memory_space<hbm>>
    tpu.enqueue_indirect_dma source(%dma_start3A_30 : memref<10240x16xf32, #tpu.memory_space<hbm>>) target(%arg12 : memref<288x16xf32, #tpu.memory_space<vmem>>) offsets(%dma_start3A_27 : memref<288xi32, #tpu.memory_space<vmem>>) semaphore(%arg16 : memref<!tpu.dma_semaphore, #tpu.memory_space<semaphore_mem>>)
    %jit3A_31 = arith.constant 2 : i32
    %div3A = arith.divsi %select_n3A, %jit3A_31 : i32
    %sign3A = arith.constant 0 : i32
    %sign3A_32 = arith.cmpi sgt, %select_n3A, %sign3A : i32
    %sign3A_33 = arith.extui %sign3A_32 : i1 to i32
    %sign3A_34 = arith.constant 0 : i32
    %sign3A_35 = arith.cmpi slt, %select_n3A, %sign3A_34 : i32
    %sign3A_36 = arith.extui %sign3A_35 : i1 to i32
    %sign3A_37 = arith.subi %sign3A_33, %sign3A_36 : i32
    %sign3A_38 = arith.constant 0 : i32
    %sign3A_39 = arith.cmpi sgt, %jit3A_31, %sign3A_38 : i32
    %sign3A_40 = arith.extui %sign3A_39 : i1 to i32
    %sign3A_41 = arith.constant 0 : i32
    %sign3A_42 = arith.cmpi slt, %jit3A_31, %sign3A_41 : i32
    %sign3A_43 = arith.extui %sign3A_42 : i1 to i32
    %sign3A_44 = arith.subi %sign3A_40, %sign3A_43 : i32
    %ne3A = arith.cmpi ne, %sign3A_37, %sign3A_44 : i32
    %rem3A = arith.remsi %select_n3A, %jit3A_31 : i32
    %ne3A_45 = arith.constant 0 : i32
    %ne3A_46 = arith.cmpi ne, %rem3A, %ne3A_45 : i32
    %and3A = arith.andi %ne3A, %ne3A_46 : i1
    %sub3A = arith.constant 1 : i32
    %sub3A_47 = arith.subi %div3A, %sub3A : i32
    %select_n3A_48 = arith.select %and3A, %sub3A_47, %div3A : i32
    %while3A = arith.constant 0 : i32
    %while3A_49 = arith.constant 0 : i32
    %while3A_50 = arith.subi %select_n3A_48, %while3A : i32
    %while3A_51 = arith.addi %while3A, %while3A_50 : i32
    %while3A_52 = arith.constant 1 : i32
    %while3A_53 = arith.divsi %while3A_50, %while3A_52 : i32
    %while3A_54 = arith.muli %while3A_53, %while3A_52 : i32
    %while3A_55 = arith.addi %while3A, %while3A_54 : i32
    %while3A_56 = arith.constant 1 : i32
    %while3A_57 = scf.for %while3A_68 = %while3A to %while3A_55 step %while3A_56 iter_args(%while3A_69 = %while3A_49) -> (i32)  : i32 {
      %mul3A_70 = arith.constant 2 : i32
      %mul3A_71 = arith.muli %mul3A_70, %while3A_68 : i32
      %add3A_72 = arith.constant 0 : i32
      %add3A_73 = arith.addi %mul3A_71, %add3A_72 : i32
      %mul3A_74 = arith.constant 288 : i32
      %mul3A_75 = arith.muli %add3A_73, %mul3A_74 : i32
      %dma_wait3A_76 = tpu.memref_slice %arg8[%mul3A_75] : memref<10368xi32, #tpu.memory_space<vmem>> -> memref<288xi32, #tpu.memory_space<vmem>>
      %dma_wait3A_77 = arith.constant 0 : i32
      %dma_wait3A_78 = arith.constant 0 : i32
      %dma_wait3A_79 = tpu.memref_slice %arg2[%dma_wait3A_77, %dma_wait3A_78] : memref<10240x48xf32, #tpu.memory_space<hbm>> -> memref<10240x48xf32, #tpu.memory_space<hbm>>
      tpu.wait_indirect_dma semaphore(%arg16 : memref<!tpu.dma_semaphore, #tpu.memory_space<semaphore_mem>>) src(%dma_wait3A_79 : memref<10240x48xf32, #tpu.memory_space<hbm>>) dst(%arg10 : memref<288x48xf32, #tpu.memory_space<vmem>>)
      %mul3A_80 = arith.constant 288 : i32
      %mul3A_81 = arith.muli %add3A_73, %mul3A_80 : i32
      %dma_wait3A_82 = tpu.memref_slice %arg9[%mul3A_81] : memref<10368xi32, #tpu.memory_space<vmem>> -> memref<288xi32, #tpu.memory_space<vmem>>
      %dma_wait3A_83 = arith.constant 0 : i32
      %dma_wait3A_84 = arith.constant 0 : i32
      %dma_wait3A_85 = tpu.memref_slice %arg3[%dma_wait3A_83, %dma_wait3A_84] : memref<10240x16xf32, #tpu.memory_space<hbm>> -> memref<10240x16xf32, #tpu.memory_space<hbm>>
      tpu.wait_indirect_dma semaphore(%arg16 : memref<!tpu.dma_semaphore, #tpu.memory_space<semaphore_mem>>) src(%dma_wait3A_85 : memref<10240x16xf32, #tpu.memory_space<hbm>>) dst(%arg12 : memref<288x16xf32, #tpu.memory_space<vmem>>)
      %parallel_loop3A_86 = arith.constant 0 : i32
      %parallel_loop3A_87 = arith.constant 288 : i32
      %parallel_loop3A_88 = arith.constant 1 : i32
      scf.for %parallel_loop3A_139 = %parallel_loop3A_86 to %parallel_loop3A_87 step %parallel_loop3A_88  : i32 {
        %parallel_loop3A_140 = arith.index_cast %parallel_loop3A_139 : i32 to index
        %parallel_loop3A_141 = arith.constant 32 : index
        %parallel_loop3A_142 = tpu.vector_load %arg10[%parallel_loop3A_140, %parallel_loop3A_141] {strides = array<i32>} : memref<288x48xf32, #tpu.memory_space<vmem>>, vector<1x16xf32>,
        %parallel_loop3A_143 = vector.shape_cast %parallel_loop3A_142 : vector<1x16xf32> to vector<16xf32>
        %parallel_loop3A_144 = arith.index_cast %parallel_loop3A_139 : i32 to index
        %parallel_loop3A_145 = arith.constant 0 : index
        %parallel_loop3A_146 = tpu.vector_load %arg12[%parallel_loop3A_144, %parallel_loop3A_145] {strides = array<i32>} : memref<288x16xf32, #tpu.memory_space<vmem>>, vector<1x16xf32>,
        %parallel_loop3A_147 = vector.shape_cast %parallel_loop3A_146 : vector<1x16xf32> to vector<16xf32>
        %parallel_loop3A_148 = arith.addf %parallel_loop3A_143, %parallel_loop3A_147 : vector<16xf32>
        %parallel_loop3A_149 = arith.constant 2.000000e-01 : f32
        %parallel_loop3A_150 = vector.broadcast %parallel_loop3A_149 : f32 to vector<16xf32>
        %parallel_loop3A_151 = arith.mulf %parallel_loop3A_150, %parallel_loop3A_148 : vector<16xf32>
        %parallel_loop3A_152 = arith.maximumf %parallel_loop3A_148, %parallel_loop3A_151 : vector<16xf32>
        %parallel_loop3A_153 = arith.subf %parallel_loop3A_152, %get3A_21 : vector<16xf32>
        %parallel_loop3A_154 = math.exp %parallel_loop3A_153 : vector<16xf32>
        %parallel_loop3A_155 = arith.constant 4 : i32
        %parallel_loop3A_156 = vector.broadcast %parallel_loop3A_155 : i32 to vector<16xi32>
        %parallel_loop3A_157 = arith.shrsi %iota3A, %parallel_loop3A_156 : vector<16xi32>
        %parallel_loop3A_158 = arith.constant 8 : i32
        %parallel_loop3A_159 = vector.broadcast %parallel_loop3A_158 : i32 to vector<16xi32>
        %parallel_loop3A_160 = arith.addi %parallel_loop3A_157, %parallel_loop3A_159 : vector<16xi32>
        %parallel_loop3A_161 = vector.shape_cast %parallel_loop3A_160 : vector<16xi32> to vector<16x1xi32>
        %parallel_loop3A_162 = vector.shape_cast %parallel_loop3A_161 : vector<16x1xi32> to vector<16xi32>
        %parallel_loop3A_163 = tpu.dynamic_gather %parallel_loop3A_154[%parallel_loop3A_162] in [0] : vector<16xf32>, vector<16xi32> -> vector<16xf32>
        %parallel_loop3A_164 = arith.index_cast %parallel_loop3A_139 : i32 to index
        %parallel_loop3A_165 = arith.constant 0 : index
        %parallel_loop3A_166 = tpu.vector_load %arg10[%parallel_loop3A_164, %parallel_loop3A_165] {strides = array<i32>} : memref<288x48xf32, #tpu.memory_space<vmem>>, vector<1x16xf32>,
        %parallel_loop3A_167 = vector.shape_cast %parallel_loop3A_166 : vector<1x16xf32> to vector<16xf32>
        %parallel_loop3A_168 = arith.mulf %parallel_loop3A_167, %parallel_loop3A_163 : vector<16xf32>
        %parallel_loop3A_169 = arith.index_cast %parallel_loop3A_139 : i32 to index
        %parallel_loop3A_170 = arith.constant 0 : index
        %parallel_loop3A_171 = tpu.vector_load %arg10[%parallel_loop3A_169, %parallel_loop3A_170] {strides = array<i32>} : memref<288x48xf32, #tpu.memory_space<vmem>>, vector<1x16xf32>,
        %parallel_loop3A_172 = vector.shape_cast %parallel_loop3A_171 : vector<1x16xf32> to vector<16xf32>
        %parallel_loop3A_173 = vector.shape_cast %parallel_loop3A_168 : vector<16xf32> to vector<1x16xf32>
        tpu.vector_store %arg10[%parallel_loop3A_169, %parallel_loop3A_170], %parallel_loop3A_173 {strides = array<i32>} : memref<288x48xf32, #tpu.memory_space<vmem>>, vector<1x16xf32>,
        %parallel_loop3A_174 = arith.index_cast %parallel_loop3A_139 : i32 to index
        %parallel_loop3A_175 = arith.constant 16 : index
        %parallel_loop3A_176 = tpu.vector_load %arg10[%parallel_loop3A_174, %parallel_loop3A_175] {strides = array<i32>} : memref<288x48xf32, #tpu.memory_space<vmem>>, vector<1x16xf32>,
        %parallel_loop3A_177 = vector.shape_cast %parallel_loop3A_176 : vector<1x16xf32> to vector<16xf32>
        %parallel_loop3A_178 = arith.mulf %parallel_loop3A_177, %parallel_loop3A_163 : vector<16xf32>
        %parallel_loop3A_179 = arith.index_cast %parallel_loop3A_139 : i32 to index
        %parallel_loop3A_180 = arith.constant 16 : index
        %parallel_loop3A_181 = tpu.vector_load %arg10[%parallel_loop3A_179, %parallel_loop3A_180] {strides = array<i32>} : memref<288x48xf32, #tpu.memory_space<vmem>>, vector<1x16xf32>,
        %parallel_loop3A_182 = vector.shape_cast %parallel_loop3A_181 : vector<1x16xf32> to vector<16xf32>
        %parallel_loop3A_183 = vector.shape_cast %parallel_loop3A_178 : vector<16xf32> to vector<1x16xf32>
        tpu.vector_store %arg10[%parallel_loop3A_179, %parallel_loop3A_180], %parallel_loop3A_183 {strides = array<i32>} : memref<288x48xf32, #tpu.memory_space<vmem>>, vector<1x16xf32>,
        %parallel_loop3A_184 = arith.index_cast %parallel_loop3A_139 : i32 to index
        %parallel_loop3A_185 = arith.constant 32 : index
        %parallel_loop3A_186 = tpu.vector_load %arg10[%parallel_loop3A_184, %parallel_loop3A_185] {strides = array<i32>} : memref<288x48xf32, #tpu.memory_space<vmem>>, vector<1x16xf32>,
        %parallel_loop3A_187 = vector.shape_cast %parallel_loop3A_186 : vector<1x16xf32> to vector<16xf32>
        %parallel_loop3A_188 = arith.mulf %parallel_loop3A_187, %parallel_loop3A_163 : vector<16xf32>
        %parallel_loop3A_189 = arith.constant 8 : i32
        %parallel_loop3A_190 = vector.broadcast %parallel_loop3A_189 : i32 to vector<16xi32>
        %parallel_loop3A_191 = arith.cmpi eq, %iota3A, %parallel_loop3A_190 : vector<16xi32>
        %parallel_loop3A_192 = arith.select %parallel_loop3A_191, %parallel_loop3A_163, %parallel_loop3A_188 : vector<16xi1>, vector<16xf32>
        %parallel_loop3A_193 = arith.index_cast %parallel_loop3A_139 : i32 to index
        %parallel_loop3A_194 = arith.constant 32 : index
        %parallel_loop3A_195 = tpu.vector_load %arg10[%parallel_loop3A_193, %parallel_loop3A_194] {strides = array<i32>} : memref<288x48xf32, #tpu.memory_space<vmem>>, vector<1x16xf32>,
        %parallel_loop3A_196 = vector.shape_cast %parallel_loop3A_195 : vector<1x16xf32> to vector<16xf32>
        %parallel_loop3A_197 = vector.shape_cast %parallel_loop3A_192 : vector<16xf32> to vector<1x16xf32>
        tpu.vector_store %arg10[%parallel_loop3A_193, %parallel_loop3A_194], %parallel_loop3A_197 {strides = array<i32>} : memref<288x48xf32, #tpu.memory_space<vmem>>, vector<1x16xf32>,
      } {sc.loop_unroll_factor = 2 : i64, sc.parallel_access}
      %ge3A = arith.constant 1 : i32
      %ge3A_89 = arith.cmpi sge, %add3A_73, %ge3A : i32
      %convert_element_type3A = arith.extui %ge3A_89 : i1 to i32
      %cond3A = arith.constant 0 : i32
      %cond3A_90 = arith.cmpi ne, %convert_element_type3A, %cond3A : i32
      scf.if %cond3A_90 {
        %sub3A_139 = arith.constant 1 : i32
        %sub3A_140 = arith.subi %add3A_73, %sub3A_139 : i32
        %mul3A_141 = arith.constant 288 : i32
        %mul3A_142 = arith.muli %sub3A_140, %mul3A_141 : i32
        %dma_wait3A_143 = tpu.memref_slice %arg9[%mul3A_142] : memref<10368xi32, #tpu.memory_space<vmem>> -> memref<288xi32, #tpu.memory_space<vmem>>
        %dma_wait3A_144 = arith.constant 0 : i32
        %dma_wait3A_145 = arith.constant 0 : i32
        %dma_wait3A_146 = tpu.memref_slice %arg15[%dma_wait3A_144, %dma_wait3A_145] : memref<10240x48xf32, #tpu.memory_space<vmem_shared>> -> memref<10240x48xf32, #tpu.memory_space<vmem_shared>>
        tpu.wait_indirect_dma semaphore(%arg19 : memref<!tpu.dma_semaphore, #tpu.memory_space<semaphore_mem>>) src(%arg11 : memref<288x48xf32, #tpu.memory_space<vmem>>) dst(%dma_wait3A_146 : memref<10240x48xf32, #tpu.memory_space<vmem_shared>>)
      } else {
      }
      %add3A_91 = arith.constant 1 : i32
      %add3A_92 = arith.addi %add3A_73, %add3A_91 : i32
      %lt3A = arith.cmpi slt, %add3A_92, %select_n3A : i32
      %convert_element_type3A_93 = arith.extui %lt3A : i1 to i32
      %cond3A_94 = arith.constant 0 : i32
      %cond3A_95 = arith.cmpi ne, %convert_element_type3A_93, %cond3A_94 : i32
      scf.if %cond3A_95 {
        %add3A_139 = arith.constant 1 : i32
        %add3A_140 = arith.addi %add3A_73, %add3A_139 : i32
        %mul3A_141 = arith.constant 288 : i32
        %mul3A_142 = arith.muli %add3A_140, %mul3A_141 : i32
        %dma_start3A_143 = tpu.memref_slice %arg8[%mul3A_142] : memref<10368xi32, #tpu.memory_space<vmem>> -> memref<288xi32, #tpu.memory_space<vmem>>
        %dma_start3A_144 = arith.constant 0 : i32
        %dma_start3A_145 = arith.constant 0 : i32
        %dma_start3A_146 = tpu.memref_slice %arg2[%dma_start3A_144, %dma_start3A_145] : memref<10240x48xf32, #tpu.memory_space<hbm>> -> memref<10240x48xf32, #tpu.memory_space<hbm>>
        tpu.enqueue_indirect_dma source(%dma_start3A_146 : memref<10240x48xf32, #tpu.memory_space<hbm>>) target(%arg11 : memref<288x48xf32, #tpu.memory_space<vmem>>) offsets(%dma_start3A_143 : memref<288xi32, #tpu.memory_space<vmem>>) semaphore(%arg17 : memref<!tpu.dma_semaphore, #tpu.memory_space<semaphore_mem>>)
        %mul3A_147 = arith.constant 288 : i32
        %mul3A_148 = arith.muli %add3A_140, %mul3A_147 : i32
        %dma_start3A_149 = tpu.memref_slice %arg9[%mul3A_148] : memref<10368xi32, #tpu.memory_space<vmem>> -> memref<288xi32, #tpu.memory_space<vmem>>
        %dma_start3A_150 = arith.constant 0 : i32
        %dma_start3A_151 = arith.constant 0 : i32
        %dma_start3A_152 = tpu.memref_slice %arg3[%dma_start3A_150, %dma_start3A_151] : memref<10240x16xf32, #tpu.memory_space<hbm>> -> memref<10240x16xf32, #tpu.memory_space<hbm>>
        tpu.enqueue_indirect_dma source(%dma_start3A_152 : memref<10240x16xf32, #tpu.memory_space<hbm>>) target(%arg13 : memref<288x16xf32, #tpu.memory_space<vmem>>) offsets(%dma_start3A_149 : memref<288xi32, #tpu.memory_space<vmem>>) semaphore(%arg17 : memref<!tpu.dma_semaphore, #tpu.memory_space<semaphore_mem>>)
      } else {
      }
      %mul3A_96 = arith.constant 288 : i32
      %mul3A_97 = arith.muli %add3A_73, %mul3A_96 : i32
      %dma_start3A_98 = tpu.memref_slice %arg9[%mul3A_97] : memref<10368xi32, #tpu.memory_space<vmem>> -> memref<288xi32, #tpu.memory_space<vmem>>
      %dma_start3A_99 = arith.constant 0 : i32
      %dma_start3A_100 = arith.constant 0 : i32
      %dma_start3A_101 = tpu.memref_slice %arg15[%dma_start3A_99, %dma_start3A_100] : memref<10240x48xf32, #tpu.memory_space<vmem_shared>> -> memref<10240x48xf32, #tpu.memory_space<vmem_shared>>
      tpu.enqueue_indirect_dma source(%arg10 : memref<288x48xf32, #tpu.memory_space<vmem>>) target(%dma_start3A_101 : memref<10240x48xf32, #tpu.memory_space<vmem_shared>>) offsets(%dma_start3A_98 : memref<288xi32, #tpu.memory_space<vmem>>) semaphore(%arg18 : memref<!tpu.dma_semaphore, #tpu.memory_space<semaphore_mem>>) {add = true}
      %mul3A_102 = arith.constant 2 : i32
      %mul3A_103 = arith.muli %mul3A_102, %while3A_68 : i32
      %add3A_104 = arith.constant 1 : i32
      %add3A_105 = arith.addi %mul3A_103, %add3A_104 : i32
      %mul3A_106 = arith.constant 288 : i32
      %mul3A_107 = arith.muli %add3A_105, %mul3A_106 : i32
      %dma_wait3A_108 = tpu.memref_slice %arg8[%mul3A_107] : memref<10368xi32, #tpu.memory_space<vmem>> -> memref<288xi32, #tpu.memory_space<vmem>>
      %dma_wait3A_109 = arith.constant 0 : i32
      %dma_wait3A_110 = arith.constant 0 : i32
      %dma_wait3A_111 = tpu.memref_slice %arg2[%dma_wait3A_109, %dma_wait3A_110] : memref<10240x48xf32, #tpu.memory_space<hbm>> -> memref<10240x48xf32, #tpu.memory_space<hbm>>
      tpu.wait_indirect_dma semaphore(%arg17 : memref<!tpu.dma_semaphore, #tpu.memory_space<semaphore_mem>>) src(%dma_wait3A_111 : memref<10240x48xf32, #tpu.memory_space<hbm>>) dst(%arg11 : memref<288x48xf32, #tpu.memory_space<vmem>>)
      %mul3A_112 = arith.constant 288 : i32
      %mul3A_113 = arith.muli %add3A_105, %mul3A_112 : i32
      %dma_wait3A_114 = tpu.memref_slice %arg9[%mul3A_113] : memref<10368xi32, #tpu.memory_space<vmem>> -> memref<288xi32, #tpu.memory_space<vmem>>
      %dma_wait3A_115 = arith.constant 0 : i32
      %dma_wait3A_116 = arith.constant 0 : i32
      %dma_wait3A_117 = tpu.memref_slice %arg3[%dma_wait3A_115, %dma_wait3A_116] : memref<10240x16xf32, #tpu.memory_space<hbm>> -> memref<10240x16xf32, #tpu.memory_space<hbm>>
      tpu.wait_indirect_dma semaphore(%arg17 : memref<!tpu.dma_semaphore, #tpu.memory_space<semaphore_mem>>) src(%dma_wait3A_117 : memref<10240x16xf32, #tpu.memory_space<hbm>>) dst(%arg13 : memref<288x16xf32, #tpu.memory_space<vmem>>)
      %parallel_loop3A_118 = arith.constant 0 : i32
      %parallel_loop3A_119 = arith.constant 288 : i32
      %parallel_loop3A_120 = arith.constant 1 : i32
      scf.for %parallel_loop3A_139 = %parallel_loop3A_118 to %parallel_loop3A_119 step %parallel_loop3A_120  : i32 {
        %parallel_loop3A_140 = arith.index_cast %parallel_loop3A_139 : i32 to index
        %parallel_loop3A_141 = arith.constant 32 : index
        %parallel_loop3A_142 = tpu.vector_load %arg11[%parallel_loop3A_140, %parallel_loop3A_141] {strides = array<i32>} : memref<288x48xf32, #tpu.memory_space<vmem>>, vector<1x16xf32>,
        %parallel_loop3A_143 = vector.shape_cast %parallel_loop3A_142 : vector<1x16xf32> to vector<16xf32>
        %parallel_loop3A_144 = arith.index_cast %parallel_loop3A_139 : i32 to index
        %parallel_loop3A_145 = arith.constant 0 : index
        %parallel_loop3A_146 = tpu.vector_load %arg13[%parallel_loop3A_144, %parallel_loop3A_145] {strides = array<i32>} : memref<288x16xf32, #tpu.memory_space<vmem>>, vector<1x16xf32>,
        %parallel_loop3A_147 = vector.shape_cast %parallel_loop3A_146 : vector<1x16xf32> to vector<16xf32>
        %parallel_loop3A_148 = arith.addf %parallel_loop3A_143, %parallel_loop3A_147 : vector<16xf32>
        %parallel_loop3A_149 = arith.constant 2.000000e-01 : f32
        %parallel_loop3A_150 = vector.broadcast %parallel_loop3A_149 : f32 to vector<16xf32>
        %parallel_loop3A_151 = arith.mulf %parallel_loop3A_150, %parallel_loop3A_148 : vector<16xf32>
        %parallel_loop3A_152 = arith.maximumf %parallel_loop3A_148, %parallel_loop3A_151 : vector<16xf32>
        %parallel_loop3A_153 = arith.subf %parallel_loop3A_152, %get3A_21 : vector<16xf32>
        %parallel_loop3A_154 = math.exp %parallel_loop3A_153 : vector<16xf32>
        %parallel_loop3A_155 = arith.constant 4 : i32
        %parallel_loop3A_156 = vector.broadcast %parallel_loop3A_155 : i32 to vector<16xi32>
        %parallel_loop3A_157 = arith.shrsi %iota3A, %parallel_loop3A_156 : vector<16xi32>
        %parallel_loop3A_158 = arith.constant 8 : i32
        %parallel_loop3A_159 = vector.broadcast %parallel_loop3A_158 : i32 to vector<16xi32>
        %parallel_loop3A_160 = arith.addi %parallel_loop3A_157, %parallel_loop3A_159 : vector<16xi32>
        %parallel_loop3A_161 = vector.shape_cast %parallel_loop3A_160 : vector<16xi32> to vector<16x1xi32>
        %parallel_loop3A_162 = vector.shape_cast %parallel_loop3A_161 : vector<16x1xi32> to vector<16xi32>
        %parallel_loop3A_163 = tpu.dynamic_gather %parallel_loop3A_154[%parallel_loop3A_162] in [0] : vector<16xf32>, vector<16xi32> -> vector<16xf32>
        %parallel_loop3A_164 = arith.index_cast %parallel_loop3A_139 : i32 to index
        %parallel_loop3A_165 = arith.constant 0 : index
        %parallel_loop3A_166 = tpu.vector_load %arg11[%parallel_loop3A_164, %parallel_loop3A_165] {strides = array<i32>} : memref<288x48xf32, #tpu.memory_space<vmem>>, vector<1x16xf32>,
        %parallel_loop3A_167 = vector.shape_cast %parallel_loop3A_166 : vector<1x16xf32> to vector<16xf32>
        %parallel_loop3A_168 = arith.mulf %parallel_loop3A_167, %parallel_loop3A_163 : vector<16xf32>
        %parallel_loop3A_169 = arith.index_cast %parallel_loop3A_139 : i32 to index
        %parallel_loop3A_170 = arith.constant 0 : index
        %parallel_loop3A_171 = tpu.vector_load %arg11[%parallel_loop3A_169, %parallel_loop3A_170] {strides = array<i32>} : memref<288x48xf32, #tpu.memory_space<vmem>>, vector<1x16xf32>,
        %parallel_loop3A_172 = vector.shape_cast %parallel_loop3A_171 : vector<1x16xf32> to vector<16xf32>
        %parallel_loop3A_173 = vector.shape_cast %parallel_loop3A_168 : vector<16xf32> to vector<1x16xf32>
        tpu.vector_store %arg11[%parallel_loop3A_169, %parallel_loop3A_170], %parallel_loop3A_173 {strides = array<i32>} : memref<288x48xf32, #tpu.memory_space<vmem>>, vector<1x16xf32>,
        %parallel_loop3A_174 = arith.index_cast %parallel_loop3A_139 : i32 to index
        %parallel_loop3A_175 = arith.constant 16 : index
        %parallel_loop3A_176 = tpu.vector_load %arg11[%parallel_loop3A_174, %parallel_loop3A_175] {strides = array<i32>} : memref<288x48xf32, #tpu.memory_space<vmem>>, vector<1x16xf32>,
        %parallel_loop3A_177 = vector.shape_cast %parallel_loop3A_176 : vector<1x16xf32> to vector<16xf32>
        %parallel_loop3A_178 = arith.mulf %parallel_loop3A_177, %parallel_loop3A_163 : vector<16xf32>
        %parallel_loop3A_179 = arith.index_cast %parallel_loop3A_139 : i32 to index
        %parallel_loop3A_180 = arith.constant 16 : index
        %parallel_loop3A_181 = tpu.vector_load %arg11[%parallel_loop3A_179, %parallel_loop3A_180] {strides = array<i32>} : memref<288x48xf32, #tpu.memory_space<vmem>>, vector<1x16xf32>,
        %parallel_loop3A_182 = vector.shape_cast %parallel_loop3A_181 : vector<1x16xf32> to vector<16xf32>
        %parallel_loop3A_183 = vector.shape_cast %parallel_loop3A_178 : vector<16xf32> to vector<1x16xf32>
        tpu.vector_store %arg11[%parallel_loop3A_179, %parallel_loop3A_180], %parallel_loop3A_183 {strides = array<i32>} : memref<288x48xf32, #tpu.memory_space<vmem>>, vector<1x16xf32>,
        %parallel_loop3A_184 = arith.index_cast %parallel_loop3A_139 : i32 to index
        %parallel_loop3A_185 = arith.constant 32 : index
        %parallel_loop3A_186 = tpu.vector_load %arg11[%parallel_loop3A_184, %parallel_loop3A_185] {strides = array<i32>} : memref<288x48xf32, #tpu.memory_space<vmem>>, vector<1x16xf32>,
        %parallel_loop3A_187 = vector.shape_cast %parallel_loop3A_186 : vector<1x16xf32> to vector<16xf32>
        %parallel_loop3A_188 = arith.mulf %parallel_loop3A_187, %parallel_loop3A_163 : vector<16xf32>
        %parallel_loop3A_189 = arith.constant 8 : i32
        %parallel_loop3A_190 = vector.broadcast %parallel_loop3A_189 : i32 to vector<16xi32>
        %parallel_loop3A_191 = arith.cmpi eq, %iota3A, %parallel_loop3A_190 : vector<16xi32>
        %parallel_loop3A_192 = arith.select %parallel_loop3A_191, %parallel_loop3A_163, %parallel_loop3A_188 : vector<16xi1>, vector<16xf32>
        %parallel_loop3A_193 = arith.index_cast %parallel_loop3A_139 : i32 to index
        %parallel_loop3A_194 = arith.constant 32 : index
        %parallel_loop3A_195 = tpu.vector_load %arg11[%parallel_loop3A_193, %parallel_loop3A_194] {strides = array<i32>} : memref<288x48xf32, #tpu.memory_space<vmem>>, vector<1x16xf32>,
        %parallel_loop3A_196 = vector.shape_cast %parallel_loop3A_195 : vector<1x16xf32> to vector<16xf32>
        %parallel_loop3A_197 = vector.shape_cast %parallel_loop3A_192 : vector<16xf32> to vector<1x16xf32>
        tpu.vector_store %arg11[%parallel_loop3A_193, %parallel_loop3A_194], %parallel_loop3A_197 {strides = array<i32>} : memref<288x48xf32, #tpu.memory_space<vmem>>, vector<1x16xf32>,
      } {sc.loop_unroll_factor = 2 : i64, sc.parallel_access}
      %ge3A_121 = arith.constant 1 : i32
      %ge3A_122 = arith.cmpi sge, %add3A_105, %ge3A_121 : i32
      %convert_element_type3A_123 = arith.extui %ge3A_122 : i1 to i32
      %cond3A_124 = arith.constant 0 : i32
      %cond3A_125 = arith.cmpi ne, %convert_element_type3A_123, %cond3A_124 : i32
      scf.if %cond3A_125 {
        %sub3A_139 = arith.constant 1 : i32
        %sub3A_140 = arith.subi %add3A_105, %sub3A_139 : i32
        %mul3A_141 = arith.constant 288 : i32
        %mul3A_142 = arith.muli %sub3A_140, %mul3A_141 : i32
        %dma_wait3A_143 = tpu.memref_slice %arg9[%mul3A_142] : memref<10368xi32, #tpu.memory_space<vmem>> -> memref<288xi32, #tpu.memory_space<vmem>>
        %dma_wait3A_144 = arith.constant 0 : i32
        %dma_wait3A_145 = arith.constant 0 : i32
        %dma_wait3A_146 = tpu.memref_slice %arg15[%dma_wait3A_144, %dma_wait3A_145] : memref<10240x48xf32, #tpu.memory_space<vmem_shared>> -> memref<10240x48xf32, #tpu.memory_space<vmem_shared>>
        tpu.wait_indirect_dma semaphore(%arg18 : memref<!tpu.dma_semaphore, #tpu.memory_space<semaphore_mem>>) src(%arg10 : memref<288x48xf32, #tpu.memory_space<vmem>>) dst(%dma_wait3A_146 : memref<10240x48xf32, #tpu.memory_space<vmem_shared>>)
      } else {
      }
      %add3A_126 = arith.constant 1 : i32
      %add3A_127 = arith.addi %add3A_105, %add3A_126 : i32
      %lt3A_128 = arith.cmpi slt, %add3A_127, %select_n3A : i32
      %convert_element_type3A_129 = arith.extui %lt3A_128 : i1 to i32
      %cond3A_130 = arith.constant 0 : i32
      %cond3A_131 = arith.cmpi ne, %convert_element_type3A_129, %cond3A_130 : i32
      scf.if %cond3A_131 {
        %add3A_139 = arith.constant 1 : i32
        %add3A_140 = arith.addi %add3A_105, %add3A_139 : i32
        %mul3A_141 = arith.constant 288 : i32
        %mul3A_142 = arith.muli %add3A_140, %mul3A_141 : i32
        %dma_start3A_143 = tpu.memref_slice %arg8[%mul3A_142] : memref<10368xi32, #tpu.memory_space<vmem>> -> memref<288xi32, #tpu.memory_space<vmem>>
        %dma_start3A_144 = arith.constant 0 : i32
        %dma_start3A_145 = arith.constant 0 : i32
        %dma_start3A_146 = tpu.memref_slice %arg2[%dma_start3A_144, %dma_start3A_145] : memref<10240x48xf32, #tpu.memory_space<hbm>> -> memref<10240x48xf32, #tpu.memory_space<hbm>>
        tpu.enqueue_indirect_dma source(%dma_start3A_146 : memref<10240x48xf32, #tpu.memory_space<hbm>>) target(%arg10 : memref<288x48xf32, #tpu.memory_space<vmem>>) offsets(%dma_start3A_143 : memref<288xi32, #tpu.memory_space<vmem>>) semaphore(%arg16 : memref<!tpu.dma_semaphore, #tpu.memory_space<semaphore_mem>>)
        %mul3A_147 = arith.constant 288 : i32
        %mul3A_148 = arith.muli %add3A_140, %mul3A_147 : i32
        %dma_start3A_149 = tpu.memref_slice %arg9[%mul3A_148] : memref<10368xi32, #tpu.memory_space<vmem>> -> memref<288xi32, #tpu.memory_space<vmem>>
        %dma_start3A_150 = arith.constant 0 : i32
        %dma_start3A_151 = arith.constant 0 : i32
        %dma_start3A_152 = tpu.memref_slice %arg3[%dma_start3A_150, %dma_start3A_151] : memref<10240x16xf32, #tpu.memory_space<hbm>> -> memref<10240x16xf32, #tpu.memory_space<hbm>>
        tpu.enqueue_indirect_dma source(%dma_start3A_152 : memref<10240x16xf32, #tpu.memory_space<hbm>>) target(%arg12 : memref<288x16xf32, #tpu.memory_space<vmem>>) offsets(%dma_start3A_149 : memref<288xi32, #tpu.memory_space<vmem>>) semaphore(%arg16 : memref<!tpu.dma_semaphore, #tpu.memory_space<semaphore_mem>>)
      } else {
      }
      %mul3A_132 = arith.constant 288 : i32
      %mul3A_133 = arith.muli %add3A_105, %mul3A_132 : i32
      %dma_start3A_134 = tpu.memref_slice %arg9[%mul3A_133] : memref<10368xi32, #tpu.memory_space<vmem>> -> memref<288xi32, #tpu.memory_space<vmem>>
      %dma_start3A_135 = arith.constant 0 : i32
      %dma_start3A_136 = arith.constant 0 : i32
      %dma_start3A_137 = tpu.memref_slice %arg15[%dma_start3A_135, %dma_start3A_136] : memref<10240x48xf32, #tpu.memory_space<vmem_shared>> -> memref<10240x48xf32, #tpu.memory_space<vmem_shared>>
      tpu.enqueue_indirect_dma source(%arg11 : memref<288x48xf32, #tpu.memory_space<vmem>>) target(%dma_start3A_137 : memref<10240x48xf32, #tpu.memory_space<vmem_shared>>) offsets(%dma_start3A_134 : memref<288xi32, #tpu.memory_space<vmem>>) semaphore(%arg19 : memref<!tpu.dma_semaphore, #tpu.memory_space<semaphore_mem>>) {add = true}
      %while3A_138 = arith.constant 0 : i32
      scf.yield %while3A_138 : i32
    }
    %while3A_58 = arith.constant 1 : i32
    %while3A_59 = scf.for %while3A_68 = %while3A_55 to %while3A_51 step %while3A_58 iter_args(%while3A_69 = %while3A_57) -> (i32)  : i32 {
      %mul3A_70 = arith.constant 2 : i32
      %mul3A_71 = arith.muli %mul3A_70, %while3A_68 : i32
      %add3A_72 = arith.constant 0 : i32
      %add3A_73 = arith.addi %mul3A_71, %add3A_72 : i32
      %mul3A_74 = arith.constant 288 : i32
      %mul3A_75 = arith.muli %add3A_73, %mul3A_74 : i32
      %dma_wait3A_76 = tpu.memref_slice %arg8[%mul3A_75] : memref<10368xi32, #tpu.memory_space<vmem>> -> memref<288xi32, #tpu.memory_space<vmem>>
      %dma_wait3A_77 = arith.constant 0 : i32
      %dma_wait3A_78 = arith.constant 0 : i32
      %dma_wait3A_79 = tpu.memref_slice %arg2[%dma_wait3A_77, %dma_wait3A_78] : memref<10240x48xf32, #tpu.memory_space<hbm>> -> memref<10240x48xf32, #tpu.memory_space<hbm>>
      tpu.wait_indirect_dma semaphore(%arg16 : memref<!tpu.dma_semaphore, #tpu.memory_space<semaphore_mem>>) src(%dma_wait3A_79 : memref<10240x48xf32, #tpu.memory_space<hbm>>) dst(%arg10 : memref<288x48xf32, #tpu.memory_space<vmem>>)
      %mul3A_80 = arith.constant 288 : i32
      %mul3A_81 = arith.muli %add3A_73, %mul3A_80 : i32
      %dma_wait3A_82 = tpu.memref_slice %arg9[%mul3A_81] : memref<10368xi32, #tpu.memory_space<vmem>> -> memref<288xi32, #tpu.memory_space<vmem>>
      %dma_wait3A_83 = arith.constant 0 : i32
      %dma_wait3A_84 = arith.constant 0 : i32
      %dma_wait3A_85 = tpu.memref_slice %arg3[%dma_wait3A_83, %dma_wait3A_84] : memref<10240x16xf32, #tpu.memory_space<hbm>> -> memref<10240x16xf32, #tpu.memory_space<hbm>>
      tpu.wait_indirect_dma semaphore(%arg16 : memref<!tpu.dma_semaphore, #tpu.memory_space<semaphore_mem>>) src(%dma_wait3A_85 : memref<10240x16xf32, #tpu.memory_space<hbm>>) dst(%arg12 : memref<288x16xf32, #tpu.memory_space<vmem>>)
      %parallel_loop3A_86 = arith.constant 0 : i32
      %parallel_loop3A_87 = arith.constant 288 : i32
      %parallel_loop3A_88 = arith.constant 1 : i32
      scf.for %parallel_loop3A_139 = %parallel_loop3A_86 to %parallel_loop3A_87 step %parallel_loop3A_88  : i32 {
        %parallel_loop3A_140 = arith.index_cast %parallel_loop3A_139 : i32 to index
        %parallel_loop3A_141 = arith.constant 32 : index
        %parallel_loop3A_142 = tpu.vector_load %arg10[%parallel_loop3A_140, %parallel_loop3A_141] {strides = array<i32>} : memref<288x48xf32, #tpu.memory_space<vmem>>, vector<1x16xf32>,
        %parallel_loop3A_143 = vector.shape_cast %parallel_loop3A_142 : vector<1x16xf32> to vector<16xf32>
        %parallel_loop3A_144 = arith.index_cast %parallel_loop3A_139 : i32 to index
        %parallel_loop3A_145 = arith.constant 0 : index
        %parallel_loop3A_146 = tpu.vector_load %arg12[%parallel_loop3A_144, %parallel_loop3A_145] {strides = array<i32>} : memref<288x16xf32, #tpu.memory_space<vmem>>, vector<1x16xf32>,
        %parallel_loop3A_147 = vector.shape_cast %parallel_loop3A_146 : vector<1x16xf32> to vector<16xf32>
        %parallel_loop3A_148 = arith.addf %parallel_loop3A_143, %parallel_loop3A_147 : vector<16xf32>
        %parallel_loop3A_149 = arith.constant 2.000000e-01 : f32
        %parallel_loop3A_150 = vector.broadcast %parallel_loop3A_149 : f32 to vector<16xf32>
        %parallel_loop3A_151 = arith.mulf %parallel_loop3A_150, %parallel_loop3A_148 : vector<16xf32>
        %parallel_loop3A_152 = arith.maximumf %parallel_loop3A_148, %parallel_loop3A_151 : vector<16xf32>
        %parallel_loop3A_153 = arith.subf %parallel_loop3A_152, %get3A_21 : vector<16xf32>
        %parallel_loop3A_154 = math.exp %parallel_loop3A_153 : vector<16xf32>
        %parallel_loop3A_155 = arith.constant 4 : i32
        %parallel_loop3A_156 = vector.broadcast %parallel_loop3A_155 : i32 to vector<16xi32>
        %parallel_loop3A_157 = arith.shrsi %iota3A, %parallel_loop3A_156 : vector<16xi32>
        %parallel_loop3A_158 = arith.constant 8 : i32
        %parallel_loop3A_159 = vector.broadcast %parallel_loop3A_158 : i32 to vector<16xi32>
        %parallel_loop3A_160 = arith.addi %parallel_loop3A_157, %parallel_loop3A_159 : vector<16xi32>
        %parallel_loop3A_161 = vector.shape_cast %parallel_loop3A_160 : vector<16xi32> to vector<16x1xi32>
        %parallel_loop3A_162 = vector.shape_cast %parallel_loop3A_161 : vector<16x1xi32> to vector<16xi32>
        %parallel_loop3A_163 = tpu.dynamic_gather %parallel_loop3A_154[%parallel_loop3A_162] in [0] : vector<16xf32>, vector<16xi32> -> vector<16xf32>
        %parallel_loop3A_164 = arith.index_cast %parallel_loop3A_139 : i32 to index
        %parallel_loop3A_165 = arith.constant 0 : index
        %parallel_loop3A_166 = tpu.vector_load %arg10[%parallel_loop3A_164, %parallel_loop3A_165] {strides = array<i32>} : memref<288x48xf32, #tpu.memory_space<vmem>>, vector<1x16xf32>,
        %parallel_loop3A_167 = vector.shape_cast %parallel_loop3A_166 : vector<1x16xf32> to vector<16xf32>
        %parallel_loop3A_168 = arith.mulf %parallel_loop3A_167, %parallel_loop3A_163 : vector<16xf32>
        %parallel_loop3A_169 = arith.index_cast %parallel_loop3A_139 : i32 to index
        %parallel_loop3A_170 = arith.constant 0 : index
        %parallel_loop3A_171 = tpu.vector_load %arg10[%parallel_loop3A_169, %parallel_loop3A_170] {strides = array<i32>} : memref<288x48xf32, #tpu.memory_space<vmem>>, vector<1x16xf32>,
        %parallel_loop3A_172 = vector.shape_cast %parallel_loop3A_171 : vector<1x16xf32> to vector<16xf32>
        %parallel_loop3A_173 = vector.shape_cast %parallel_loop3A_168 : vector<16xf32> to vector<1x16xf32>
        tpu.vector_store %arg10[%parallel_loop3A_169, %parallel_loop3A_170], %parallel_loop3A_173 {strides = array<i32>} : memref<288x48xf32, #tpu.memory_space<vmem>>, vector<1x16xf32>,
        %parallel_loop3A_174 = arith.index_cast %parallel_loop3A_139 : i32 to index
        %parallel_loop3A_175 = arith.constant 16 : index
        %parallel_loop3A_176 = tpu.vector_load %arg10[%parallel_loop3A_174, %parallel_loop3A_175] {strides = array<i32>} : memref<288x48xf32, #tpu.memory_space<vmem>>, vector<1x16xf32>,
        %parallel_loop3A_177 = vector.shape_cast %parallel_loop3A_176 : vector<1x16xf32> to vector<16xf32>
        %parallel_loop3A_178 = arith.mulf %parallel_loop3A_177, %parallel_loop3A_163 : vector<16xf32>
        %parallel_loop3A_179 = arith.index_cast %parallel_loop3A_139 : i32 to index
        %parallel_loop3A_180 = arith.constant 16 : index
        %parallel_loop3A_181 = tpu.vector_load %arg10[%parallel_loop3A_179, %parallel_loop3A_180] {strides = array<i32>} : memref<288x48xf32, #tpu.memory_space<vmem>>, vector<1x16xf32>,
        %parallel_loop3A_182 = vector.shape_cast %parallel_loop3A_181 : vector<1x16xf32> to vector<16xf32>
        %parallel_loop3A_183 = vector.shape_cast %parallel_loop3A_178 : vector<16xf32> to vector<1x16xf32>
        tpu.vector_store %arg10[%parallel_loop3A_179, %parallel_loop3A_180], %parallel_loop3A_183 {strides = array<i32>} : memref<288x48xf32, #tpu.memory_space<vmem>>, vector<1x16xf32>,
        %parallel_loop3A_184 = arith.index_cast %parallel_loop3A_139 : i32 to index
        %parallel_loop3A_185 = arith.constant 32 : index
        %parallel_loop3A_186 = tpu.vector_load %arg10[%parallel_loop3A_184, %parallel_loop3A_185] {strides = array<i32>} : memref<288x48xf32, #tpu.memory_space<vmem>>, vector<1x16xf32>,
        %parallel_loop3A_187 = vector.shape_cast %parallel_loop3A_186 : vector<1x16xf32> to vector<16xf32>
        %parallel_loop3A_188 = arith.mulf %parallel_loop3A_187, %parallel_loop3A_163 : vector<16xf32>
        %parallel_loop3A_189 = arith.constant 8 : i32
        %parallel_loop3A_190 = vector.broadcast %parallel_loop3A_189 : i32 to vector<16xi32>
        %parallel_loop3A_191 = arith.cmpi eq, %iota3A, %parallel_loop3A_190 : vector<16xi32>
        %parallel_loop3A_192 = arith.select %parallel_loop3A_191, %parallel_loop3A_163, %parallel_loop3A_188 : vector<16xi1>, vector<16xf32>
        %parallel_loop3A_193 = arith.index_cast %parallel_loop3A_139 : i32 to index
        %parallel_loop3A_194 = arith.constant 32 : index
        %parallel_loop3A_195 = tpu.vector_load %arg10[%parallel_loop3A_193, %parallel_loop3A_194] {strides = array<i32>} : memref<288x48xf32, #tpu.memory_space<vmem>>, vector<1x16xf32>,
        %parallel_loop3A_196 = vector.shape_cast %parallel_loop3A_195 : vector<1x16xf32> to vector<16xf32>
        %parallel_loop3A_197 = vector.shape_cast %parallel_loop3A_192 : vector<16xf32> to vector<1x16xf32>
        tpu.vector_store %arg10[%parallel_loop3A_193, %parallel_loop3A_194], %parallel_loop3A_197 {strides = array<i32>} : memref<288x48xf32, #tpu.memory_space<vmem>>, vector<1x16xf32>,
      } {sc.loop_unroll_factor = 2 : i64, sc.parallel_access}
      %ge3A = arith.constant 1 : i32
      %ge3A_89 = arith.cmpi sge, %add3A_73, %ge3A : i32
      %convert_element_type3A = arith.extui %ge3A_89 : i1 to i32
      %cond3A = arith.constant 0 : i32
      %cond3A_90 = arith.cmpi ne, %convert_element_type3A, %cond3A : i32
      scf.if %cond3A_90 {
        %sub3A_139 = arith.constant 1 : i32
        %sub3A_140 = arith.subi %add3A_73, %sub3A_139 : i32
        %mul3A_141 = arith.constant 288 : i32
        %mul3A_142 = arith.muli %sub3A_140, %mul3A_141 : i32
        %dma_wait3A_143 = tpu.memref_slice %arg9[%mul3A_142] : memref<10368xi32, #tpu.memory_space<vmem>> -> memref<288xi32, #tpu.memory_space<vmem>>
        %dma_wait3A_144 = arith.constant 0 : i32
        %dma_wait3A_145 = arith.constant 0 : i32
        %dma_wait3A_146 = tpu.memref_slice %arg15[%dma_wait3A_144, %dma_wait3A_145] : memref<10240x48xf32, #tpu.memory_space<vmem_shared>> -> memref<10240x48xf32, #tpu.memory_space<vmem_shared>>
        tpu.wait_indirect_dma semaphore(%arg19 : memref<!tpu.dma_semaphore, #tpu.memory_space<semaphore_mem>>) src(%arg11 : memref<288x48xf32, #tpu.memory_space<vmem>>) dst(%dma_wait3A_146 : memref<10240x48xf32, #tpu.memory_space<vmem_shared>>)
      } else {
      }
      %add3A_91 = arith.constant 1 : i32
      %add3A_92 = arith.addi %add3A_73, %add3A_91 : i32
      %lt3A = arith.cmpi slt, %add3A_92, %select_n3A : i32
      %convert_element_type3A_93 = arith.extui %lt3A : i1 to i32
      %cond3A_94 = arith.constant 0 : i32
      %cond3A_95 = arith.cmpi ne, %convert_element_type3A_93, %cond3A_94 : i32
      scf.if %cond3A_95 {
        %add3A_139 = arith.constant 1 : i32
        %add3A_140 = arith.addi %add3A_73, %add3A_139 : i32
        %mul3A_141 = arith.constant 288 : i32
        %mul3A_142 = arith.muli %add3A_140, %mul3A_141 : i32
        %dma_start3A_143 = tpu.memref_slice %arg8[%mul3A_142] : memref<10368xi32, #tpu.memory_space<vmem>> -> memref<288xi32, #tpu.memory_space<vmem>>
        %dma_start3A_144 = arith.constant 0 : i32
        %dma_start3A_145 = arith.constant 0 : i32
        %dma_start3A_146 = tpu.memref_slice %arg2[%dma_start3A_144, %dma_start3A_145] : memref<10240x48xf32, #tpu.memory_space<hbm>> -> memref<10240x48xf32, #tpu.memory_space<hbm>>
        tpu.enqueue_indirect_dma source(%dma_start3A_146 : memref<10240x48xf32, #tpu.memory_space<hbm>>) target(%arg11 : memref<288x48xf32, #tpu.memory_space<vmem>>) offsets(%dma_start3A_143 : memref<288xi32, #tpu.memory_space<vmem>>) semaphore(%arg17 : memref<!tpu.dma_semaphore, #tpu.memory_space<semaphore_mem>>)
        %mul3A_147 = arith.constant 288 : i32
        %mul3A_148 = arith.muli %add3A_140, %mul3A_147 : i32
        %dma_start3A_149 = tpu.memref_slice %arg9[%mul3A_148] : memref<10368xi32, #tpu.memory_space<vmem>> -> memref<288xi32, #tpu.memory_space<vmem>>
        %dma_start3A_150 = arith.constant 0 : i32
        %dma_start3A_151 = arith.constant 0 : i32
        %dma_start3A_152 = tpu.memref_slice %arg3[%dma_start3A_150, %dma_start3A_151] : memref<10240x16xf32, #tpu.memory_space<hbm>> -> memref<10240x16xf32, #tpu.memory_space<hbm>>
        tpu.enqueue_indirect_dma source(%dma_start3A_152 : memref<10240x16xf32, #tpu.memory_space<hbm>>) target(%arg13 : memref<288x16xf32, #tpu.memory_space<vmem>>) offsets(%dma_start3A_149 : memref<288xi32, #tpu.memory_space<vmem>>) semaphore(%arg17 : memref<!tpu.dma_semaphore, #tpu.memory_space<semaphore_mem>>)
      } else {
      }
      %mul3A_96 = arith.constant 288 : i32
      %mul3A_97 = arith.muli %add3A_73, %mul3A_96 : i32
      %dma_start3A_98 = tpu.memref_slice %arg9[%mul3A_97] : memref<10368xi32, #tpu.memory_space<vmem>> -> memref<288xi32, #tpu.memory_space<vmem>>
      %dma_start3A_99 = arith.constant 0 : i32
      %dma_start3A_100 = arith.constant 0 : i32
      %dma_start3A_101 = tpu.memref_slice %arg15[%dma_start3A_99, %dma_start3A_100] : memref<10240x48xf32, #tpu.memory_space<vmem_shared>> -> memref<10240x48xf32, #tpu.memory_space<vmem_shared>>
      tpu.enqueue_indirect_dma source(%arg10 : memref<288x48xf32, #tpu.memory_space<vmem>>) target(%dma_start3A_101 : memref<10240x48xf32, #tpu.memory_space<vmem_shared>>) offsets(%dma_start3A_98 : memref<288xi32, #tpu.memory_space<vmem>>) semaphore(%arg18 : memref<!tpu.dma_semaphore, #tpu.memory_space<semaphore_mem>>) {add = true}
      %mul3A_102 = arith.constant 2 : i32
      %mul3A_103 = arith.muli %mul3A_102, %while3A_68 : i32
      %add3A_104 = arith.constant 1 : i32
      %add3A_105 = arith.addi %mul3A_103, %add3A_104 : i32
      %mul3A_106 = arith.constant 288 : i32
      %mul3A_107 = arith.muli %add3A_105, %mul3A_106 : i32
      %dma_wait3A_108 = tpu.memref_slice %arg8[%mul3A_107] : memref<10368xi32, #tpu.memory_space<vmem>> -> memref<288xi32, #tpu.memory_space<vmem>>
      %dma_wait3A_109 = arith.constant 0 : i32
      %dma_wait3A_110 = arith.constant 0 : i32
      %dma_wait3A_111 = tpu.memref_slice %arg2[%dma_wait3A_109, %dma_wait3A_110] : memref<10240x48xf32, #tpu.memory_space<hbm>> -> memref<10240x48xf32, #tpu.memory_space<hbm>>
      tpu.wait_indirect_dma semaphore(%arg17 : memref<!tpu.dma_semaphore, #tpu.memory_space<semaphore_mem>>) src(%dma_wait3A_111 : memref<10240x48xf32, #tpu.memory_space<hbm>>) dst(%arg11 : memref<288x48xf32, #tpu.memory_space<vmem>>)
      %mul3A_112 = arith.constant 288 : i32
      %mul3A_113 = arith.muli %add3A_105, %mul3A_112 : i32
      %dma_wait3A_114 = tpu.memref_slice %arg9[%mul3A_113] : memref<10368xi32, #tpu.memory_space<vmem>> -> memref<288xi32, #tpu.memory_space<vmem>>
      %dma_wait3A_115 = arith.constant 0 : i32
      %dma_wait3A_116 = arith.constant 0 : i32
      %dma_wait3A_117 = tpu.memref_slice %arg3[%dma_wait3A_115, %dma_wait3A_116] : memref<10240x16xf32, #tpu.memory_space<hbm>> -> memref<10240x16xf32, #tpu.memory_space<hbm>>
      tpu.wait_indirect_dma semaphore(%arg17 : memref<!tpu.dma_semaphore, #tpu.memory_space<semaphore_mem>>) src(%dma_wait3A_117 : memref<10240x16xf32, #tpu.memory_space<hbm>>) dst(%arg13 : memref<288x16xf32, #tpu.memory_space<vmem>>)
      %parallel_loop3A_118 = arith.constant 0 : i32
      %parallel_loop3A_119 = arith.constant 288 : i32
      %parallel_loop3A_120 = arith.constant 1 : i32
      scf.for %parallel_loop3A_139 = %parallel_loop3A_118 to %parallel_loop3A_119 step %parallel_loop3A_120  : i32 {
        %parallel_loop3A_140 = arith.index_cast %parallel_loop3A_139 : i32 to index
        %parallel_loop3A_141 = arith.constant 32 : index
        %parallel_loop3A_142 = tpu.vector_load %arg11[%parallel_loop3A_140, %parallel_loop3A_141] {strides = array<i32>} : memref<288x48xf32, #tpu.memory_space<vmem>>, vector<1x16xf32>,
        %parallel_loop3A_143 = vector.shape_cast %parallel_loop3A_142 : vector<1x16xf32> to vector<16xf32>
        %parallel_loop3A_144 = arith.index_cast %parallel_loop3A_139 : i32 to index
        %parallel_loop3A_145 = arith.constant 0 : index
        %parallel_loop3A_146 = tpu.vector_load %arg13[%parallel_loop3A_144, %parallel_loop3A_145] {strides = array<i32>} : memref<288x16xf32, #tpu.memory_space<vmem>>, vector<1x16xf32>,
        %parallel_loop3A_147 = vector.shape_cast %parallel_loop3A_146 : vector<1x16xf32> to vector<16xf32>
        %parallel_loop3A_148 = arith.addf %parallel_loop3A_143, %parallel_loop3A_147 : vector<16xf32>
        %parallel_loop3A_149 = arith.constant 2.000000e-01 : f32
        %parallel_loop3A_150 = vector.broadcast %parallel_loop3A_149 : f32 to vector<16xf32>
        %parallel_loop3A_151 = arith.mulf %parallel_loop3A_150, %parallel_loop3A_148 : vector<16xf32>
        %parallel_loop3A_152 = arith.maximumf %parallel_loop3A_148, %parallel_loop3A_151 : vector<16xf32>
        %parallel_loop3A_153 = arith.subf %parallel_loop3A_152, %get3A_21 : vector<16xf32>
        %parallel_loop3A_154 = math.exp %parallel_loop3A_153 : vector<16xf32>
        %parallel_loop3A_155 = arith.constant 4 : i32
        %parallel_loop3A_156 = vector.broadcast %parallel_loop3A_155 : i32 to vector<16xi32>
        %parallel_loop3A_157 = arith.shrsi %iota3A, %parallel_loop3A_156 : vector<16xi32>
        %parallel_loop3A_158 = arith.constant 8 : i32
        %parallel_loop3A_159 = vector.broadcast %parallel_loop3A_158 : i32 to vector<16xi32>
        %parallel_loop3A_160 = arith.addi %parallel_loop3A_157, %parallel_loop3A_159 : vector<16xi32>
        %parallel_loop3A_161 = vector.shape_cast %parallel_loop3A_160 : vector<16xi32> to vector<16x1xi32>
        %parallel_loop3A_162 = vector.shape_cast %parallel_loop3A_161 : vector<16x1xi32> to vector<16xi32>
        %parallel_loop3A_163 = tpu.dynamic_gather %parallel_loop3A_154[%parallel_loop3A_162] in [0] : vector<16xf32>, vector<16xi32> -> vector<16xf32>
        %parallel_loop3A_164 = arith.index_cast %parallel_loop3A_139 : i32 to index
        %parallel_loop3A_165 = arith.constant 0 : index
        %parallel_loop3A_166 = tpu.vector_load %arg11[%parallel_loop3A_164, %parallel_loop3A_165] {strides = array<i32>} : memref<288x48xf32, #tpu.memory_space<vmem>>, vector<1x16xf32>,
        %parallel_loop3A_167 = vector.shape_cast %parallel_loop3A_166 : vector<1x16xf32> to vector<16xf32>
        %parallel_loop3A_168 = arith.mulf %parallel_loop3A_167, %parallel_loop3A_163 : vector<16xf32>
        %parallel_loop3A_169 = arith.index_cast %parallel_loop3A_139 : i32 to index
        %parallel_loop3A_170 = arith.constant 0 : index
        %parallel_loop3A_171 = tpu.vector_load %arg11[%parallel_loop3A_169, %parallel_loop3A_170] {strides = array<i32>} : memref<288x48xf32, #tpu.memory_space<vmem>>, vector<1x16xf32>,
        %parallel_loop3A_172 = vector.shape_cast %parallel_loop3A_171 : vector<1x16xf32> to vector<16xf32>
        %parallel_loop3A_173 = vector.shape_cast %parallel_loop3A_168 : vector<16xf32> to vector<1x16xf32>
        tpu.vector_store %arg11[%parallel_loop3A_169, %parallel_loop3A_170], %parallel_loop3A_173 {strides = array<i32>} : memref<288x48xf32, #tpu.memory_space<vmem>>, vector<1x16xf32>,
        %parallel_loop3A_174 = arith.index_cast %parallel_loop3A_139 : i32 to index
        %parallel_loop3A_175 = arith.constant 16 : index
        %parallel_loop3A_176 = tpu.vector_load %arg11[%parallel_loop3A_174, %parallel_loop3A_175] {strides = array<i32>} : memref<288x48xf32, #tpu.memory_space<vmem>>, vector<1x16xf32>,
        %parallel_loop3A_177 = vector.shape_cast %parallel_loop3A_176 : vector<1x16xf32> to vector<16xf32>
        %parallel_loop3A_178 = arith.mulf %parallel_loop3A_177, %parallel_loop3A_163 : vector<16xf32>
        %parallel_loop3A_179 = arith.index_cast %parallel_loop3A_139 : i32 to index
        %parallel_loop3A_180 = arith.constant 16 : index
        %parallel_loop3A_181 = tpu.vector_load %arg11[%parallel_loop3A_179, %parallel_loop3A_180] {strides = array<i32>} : memref<288x48xf32, #tpu.memory_space<vmem>>, vector<1x16xf32>,
        %parallel_loop3A_182 = vector.shape_cast %parallel_loop3A_181 : vector<1x16xf32> to vector<16xf32>
        %parallel_loop3A_183 = vector.shape_cast %parallel_loop3A_178 : vector<16xf32> to vector<1x16xf32>
        tpu.vector_store %arg11[%parallel_loop3A_179, %parallel_loop3A_180], %parallel_loop3A_183 {strides = array<i32>} : memref<288x48xf32, #tpu.memory_space<vmem>>, vector<1x16xf32>,
        %parallel_loop3A_184 = arith.index_cast %parallel_loop3A_139 : i32 to index
        %parallel_loop3A_185 = arith.constant 32 : index
        %parallel_loop3A_186 = tpu.vector_load %arg11[%parallel_loop3A_184, %parallel_loop3A_185] {strides = array<i32>} : memref<288x48xf32, #tpu.memory_space<vmem>>, vector<1x16xf32>,
        %parallel_loop3A_187 = vector.shape_cast %parallel_loop3A_186 : vector<1x16xf32> to vector<16xf32>
        %parallel_loop3A_188 = arith.mulf %parallel_loop3A_187, %parallel_loop3A_163 : vector<16xf32>
        %parallel_loop3A_189 = arith.constant 8 : i32
        %parallel_loop3A_190 = vector.broadcast %parallel_loop3A_189 : i32 to vector<16xi32>
        %parallel_loop3A_191 = arith.cmpi eq, %iota3A, %parallel_loop3A_190 : vector<16xi32>
        %parallel_loop3A_192 = arith.select %parallel_loop3A_191, %parallel_loop3A_163, %parallel_loop3A_188 : vector<16xi1>, vector<16xf32>
        %parallel_loop3A_193 = arith.index_cast %parallel_loop3A_139 : i32 to index
        %parallel_loop3A_194 = arith.constant 32 : index
        %parallel_loop3A_195 = tpu.vector_load %arg11[%parallel_loop3A_193, %parallel_loop3A_194] {strides = array<i32>} : memref<288x48xf32, #tpu.memory_space<vmem>>, vector<1x16xf32>,
        %parallel_loop3A_196 = vector.shape_cast %parallel_loop3A_195 : vector<1x16xf32> to vector<16xf32>
        %parallel_loop3A_197 = vector.shape_cast %parallel_loop3A_192 : vector<16xf32> to vector<1x16xf32>
        tpu.vector_store %arg11[%parallel_loop3A_193, %parallel_loop3A_194], %parallel_loop3A_197 {strides = array<i32>} : memref<288x48xf32, #tpu.memory_space<vmem>>, vector<1x16xf32>,
      } {sc.loop_unroll_factor = 2 : i64, sc.parallel_access}
      %ge3A_121 = arith.constant 1 : i32
      %ge3A_122 = arith.cmpi sge, %add3A_105, %ge3A_121 : i32
      %convert_element_type3A_123 = arith.extui %ge3A_122 : i1 to i32
      %cond3A_124 = arith.constant 0 : i32
      %cond3A_125 = arith.cmpi ne, %convert_element_type3A_123, %cond3A_124 : i32
      scf.if %cond3A_125 {
        %sub3A_139 = arith.constant 1 : i32
        %sub3A_140 = arith.subi %add3A_105, %sub3A_139 : i32
        %mul3A_141 = arith.constant 288 : i32
        %mul3A_142 = arith.muli %sub3A_140, %mul3A_141 : i32
        %dma_wait3A_143 = tpu.memref_slice %arg9[%mul3A_142] : memref<10368xi32, #tpu.memory_space<vmem>> -> memref<288xi32, #tpu.memory_space<vmem>>
        %dma_wait3A_144 = arith.constant 0 : i32
        %dma_wait3A_145 = arith.constant 0 : i32
        %dma_wait3A_146 = tpu.memref_slice %arg15[%dma_wait3A_144, %dma_wait3A_145] : memref<10240x48xf32, #tpu.memory_space<vmem_shared>> -> memref<10240x48xf32, #tpu.memory_space<vmem_shared>>
        tpu.wait_indirect_dma semaphore(%arg18 : memref<!tpu.dma_semaphore, #tpu.memory_space<semaphore_mem>>) src(%arg10 : memref<288x48xf32, #tpu.memory_space<vmem>>) dst(%dma_wait3A_146 : memref<10240x48xf32, #tpu.memory_space<vmem_shared>>)
      } else {
      }
      %add3A_126 = arith.constant 1 : i32
      %add3A_127 = arith.addi %add3A_105, %add3A_126 : i32
      %lt3A_128 = arith.cmpi slt, %add3A_127, %select_n3A : i32
      %convert_element_type3A_129 = arith.extui %lt3A_128 : i1 to i32
      %cond3A_130 = arith.constant 0 : i32
      %cond3A_131 = arith.cmpi ne, %convert_element_type3A_129, %cond3A_130 : i32
      scf.if %cond3A_131 {
        %add3A_139 = arith.constant 1 : i32
        %add3A_140 = arith.addi %add3A_105, %add3A_139 : i32
        %mul3A_141 = arith.constant 288 : i32
        %mul3A_142 = arith.muli %add3A_140, %mul3A_141 : i32
        %dma_start3A_143 = tpu.memref_slice %arg8[%mul3A_142] : memref<10368xi32, #tpu.memory_space<vmem>> -> memref<288xi32, #tpu.memory_space<vmem>>
        %dma_start3A_144 = arith.constant 0 : i32
        %dma_start3A_145 = arith.constant 0 : i32
        %dma_start3A_146 = tpu.memref_slice %arg2[%dma_start3A_144, %dma_start3A_145] : memref<10240x48xf32, #tpu.memory_space<hbm>> -> memref<10240x48xf32, #tpu.memory_space<hbm>>
        tpu.enqueue_indirect_dma source(%dma_start3A_146 : memref<10240x48xf32, #tpu.memory_space<hbm>>) target(%arg10 : memref<288x48xf32, #tpu.memory_space<vmem>>) offsets(%dma_start3A_143 : memref<288xi32, #tpu.memory_space<vmem>>) semaphore(%arg16 : memref<!tpu.dma_semaphore, #tpu.memory_space<semaphore_mem>>)
        %mul3A_147 = arith.constant 288 : i32
        %mul3A_148 = arith.muli %add3A_140, %mul3A_147 : i32
        %dma_start3A_149 = tpu.memref_slice %arg9[%mul3A_148] : memref<10368xi32, #tpu.memory_space<vmem>> -> memref<288xi32, #tpu.memory_space<vmem>>
        %dma_start3A_150 = arith.constant 0 : i32
        %dma_start3A_151 = arith.constant 0 : i32
        %dma_start3A_152 = tpu.memref_slice %arg3[%dma_start3A_150, %dma_start3A_151] : memref<10240x16xf32, #tpu.memory_space<hbm>> -> memref<10240x16xf32, #tpu.memory_space<hbm>>
        tpu.enqueue_indirect_dma source(%dma_start3A_152 : memref<10240x16xf32, #tpu.memory_space<hbm>>) target(%arg12 : memref<288x16xf32, #tpu.memory_space<vmem>>) offsets(%dma_start3A_149 : memref<288xi32, #tpu.memory_space<vmem>>) semaphore(%arg16 : memref<!tpu.dma_semaphore, #tpu.memory_space<semaphore_mem>>)
      } else {
      }
      %mul3A_132 = arith.constant 288 : i32
      %mul3A_133 = arith.muli %add3A_105, %mul3A_132 : i32
      %dma_start3A_134 = tpu.memref_slice %arg9[%mul3A_133] : memref<10368xi32, #tpu.memory_space<vmem>> -> memref<288xi32, #tpu.memory_space<vmem>>
      %dma_start3A_135 = arith.constant 0 : i32
      %dma_start3A_136 = arith.constant 0 : i32
      %dma_start3A_137 = tpu.memref_slice %arg15[%dma_start3A_135, %dma_start3A_136] : memref<10240x48xf32, #tpu.memory_space<vmem_shared>> -> memref<10240x48xf32, #tpu.memory_space<vmem_shared>>
      tpu.enqueue_indirect_dma source(%arg11 : memref<288x48xf32, #tpu.memory_space<vmem>>) target(%dma_start3A_137 : memref<10240x48xf32, #tpu.memory_space<vmem_shared>>) offsets(%dma_start3A_134 : memref<288xi32, #tpu.memory_space<vmem>>) semaphore(%arg19 : memref<!tpu.dma_semaphore, #tpu.memory_space<semaphore_mem>>) {add = true}
      %while3A_138 = arith.constant 0 : i32
      scf.yield %while3A_138 : i32
    }
    %sub3A_60 = arith.constant 1 : i32
    %sub3A_61 = arith.subi %select_n3A, %sub3A_60 : i32
    %mul3A_62 = arith.constant 288 : i32
    %mul3A_63 = arith.muli %sub3A_61, %mul3A_62 : i32
    %dma_wait3A = tpu.memref_slice %arg9[%mul3A_63] : memref<10368xi32, #tpu.memory_space<vmem>> -> memref<288xi32, #tpu.memory_space<vmem>>
    %dma_wait3A_64 = arith.constant 0 : i32
    %dma_wait3A_65 = arith.constant 0 : i32
    %dma_wait3A_66 = tpu.memref_slice %arg15[%dma_wait3A_64, %dma_wait3A_65] : memref<10240x48xf32, #tpu.memory_space<vmem_shared>> -> memref<10240x48xf32, #tpu.memory_space<vmem_shared>>
    tpu.wait_indirect_dma semaphore(%arg19 : memref<!tpu.dma_semaphore, #tpu.memory_space<semaphore_mem>>) src(%arg11 : memref<288x48xf32, #tpu.memory_space<vmem>>) dst(%dma_wait3A_66 : memref<10240x48xf32, #tpu.memory_space<vmem_shared>>)
    %barrier3A_67 = arith.constant 0 : index
    tpu.barrier barrier_id(%barrier3A_67)
    "tpu.region"() ({
      %run_scoped3A = tpu.sem_alloc : memref<!tpu.dma_semaphore, #tpu.memory_space<semaphore_mem>>
      %dma_start3A_68 = arith.constant 0 : i32
      %dma_start3A_69 = tpu.memref_slice %arg7[%arg0, %mul3A_13, %dma_start3A_68] : memref<2x10240x48xf32, #tpu.memory_space<hbm>> -> memref<1x640x48xf32, #tpu.memory_space<hbm>>
      %dma_start3A_70 = tpu.memref_squeeze %dma_start3A_69 : memref<1x640x48xf32, #tpu.memory_space<hbm>> -> memref<640x48xf32, #tpu.memory_space<hbm>>
      %dma_start3A_71 = arith.constant 0 : i32
      %dma_start3A_72 = tpu.memref_slice %arg15[%mul3A_13, %dma_start3A_71] : memref<10240x48xf32, #tpu.memory_space<vmem_shared>> -> memref<640x48xf32, #tpu.memory_space<vmem_shared>>
      tpu.enqueue_dma source(%dma_start3A_72 : memref<640x48xf32, #tpu.memory_space<vmem_shared>>) target(%dma_start3A_70 : memref<640x48xf32, #tpu.memory_space<hbm>>) target_semaphore(%run_scoped3A : memref<!tpu.dma_semaphore, #tpu.memory_space<semaphore_mem>>)
      %dma_wait3A_73 = arith.constant 0 : i32
      %dma_wait3A_74 = tpu.memref_slice %arg7[%arg0, %mul3A_13, %dma_wait3A_73] : memref<2x10240x48xf32, #tpu.memory_space<hbm>> -> memref<1x640x48xf32, #tpu.memory_space<hbm>>
      %dma_wait3A_75 = tpu.memref_squeeze %dma_wait3A_74 : memref<1x640x48xf32, #tpu.memory_space<hbm>> -> memref<640x48xf32, #tpu.memory_space<hbm>>
      %dma_wait3A_76 = arith.constant 0 : i32
      %dma_wait3A_77 = tpu.memref_slice %arg15[%mul3A_13, %dma_wait3A_76] : memref<10240x48xf32, #tpu.memory_space<vmem_shared>> -> memref<640x48xf32, #tpu.memory_space<vmem_shared>>
      tpu.wait_dma2 semaphore(%run_scoped3A : memref<!tpu.dma_semaphore, #tpu.memory_space<semaphore_mem>>) src(%dma_wait3A_77 : memref<640x48xf32, #tpu.memory_space<vmem_shared>>) dst(%dma_wait3A_75 : memref<640x48xf32, #tpu.memory_space<hbm>>)
      tpu.yield
    }) : () -> ()
    return
  }
}

#map = affine_map<(d0, d1) -> (0, 0)>
#map1 = affine_map<(d0, d1) -> (0)>
#map2 = affine_map<(d0, d1) -> (0, 0, 0)>
module attributes {stable_mosaic.version = 14 : i64} {
  func.func @_edge_body(%arg0: i32, %arg1: i32, %arg2: memref<10240x80xf32, #tpu.memory_space<hbm>>, %arg3: memref<10240x16xf32, #tpu.memory_space<hbm>>, %arg4: memref<342144xi32, #tpu.memory_space<hbm>>, %arg5: memref<342144xi32, #tpu.memory_space<hbm>>, %arg6: memref<16xf32, #tpu.memory_space<hbm>>, %arg7: memref<2x10240x80xf32, #tpu.memory_space<hbm>>, %arg8: memref<10368xi32, #tpu.memory_space<vmem>>, %arg9: memref<10368xi32, #tpu.memory_space<vmem>>, %arg10: memref<288x80xf32, #tpu.memory_space<vmem>>, %arg11: memref<288x80xf32, #tpu.memory_space<vmem>>, %arg12: memref<288x16xf32, #tpu.memory_space<vmem>>, %arg13: memref<288x16xf32, #tpu.memory_space<vmem>>, %arg14: memref<16xf32, #tpu.memory_space<vmem>>, %arg15: memref<10240x80xf32, #tpu.memory_space<vmem_shared>>, %arg16: memref<!tpu.dma_semaphore, #tpu.memory_space<semaphore_mem>>, %arg17: memref<!tpu.dma_semaphore, #tpu.memory_space<semaphore_mem>>, %arg18: memref<!tpu.dma_semaphore, #tpu.memory_space<semaphore_mem>>, %arg19: memref<!tpu.dma_semaphore, #tpu.memory_space<semaphore_mem>>) attributes {dimension_semantics = [#tpu.dimension_semantics<core_parallel>, #tpu.dimension_semantics<subcore_parallel>], iteration_bounds = array<i64: 2, 16>, scalar_prefetch = 0 : i64, scratch_operands = 12 : i64, tpu.core_type = #tpu.core_type<sc_vector_subcore>, window_params = [{transform_indices = #map}, {transform_indices = #map}, {transform_indices = #map1}, {transform_indices = #map1}, {transform_indices = #map1}, {transform_indices = #map2}]} {
    %eq3A = arith.constant 0 : i32
    %eq3A_0 = arith.cmpi eq, %arg0, %eq3A : i32
    %jit3A = arith.constant 36 : i32
    %jit3A_1 = arith.constant 36 : i32
    %select_n3A = arith.select %eq3A_0, %jit3A, %jit3A_1 : i32
    %eq3A_2 = arith.constant 0 : i32
    %eq3A_3 = arith.cmpi eq, %arg0, %eq3A_2 : i32
    %mul3A = arith.constant 10368 : i32
    %mul3A_4 = arith.muli %arg1, %mul3A : i32
    %mul3A_5 = arith.constant 10368 : i32
    %mul3A_6 = arith.muli %arg1, %mul3A_5 : i32
    %add3A = arith.constant 165888 : i32
    %add3A_7 = arith.addi %add3A, %mul3A_6 : i32
    %select_n3A_8 = arith.select %eq3A_3, %mul3A_4, %add3A_7 : i32
    %broadcast_in_dim3A = arith.constant 0.000000e+00 : f32
    %broadcast_in_dim3A_9 = vector.broadcast %broadcast_in_dim3A : f32 to vector<16xf32>
    %parallel_loop3A = arith.constant 0 : i32
    %parallel_loop3A_10 = arith.constant 288 : i32
    %parallel_loop3A_11 = arith.constant 1 : i32
    scf.for %parallel_loop3A_68 = %parallel_loop3A to %parallel_loop3A_10 step %parallel_loop3A_11  : i32 {
      %parallel_loop3A_69 = arith.index_cast %parallel_loop3A_68 : i32 to index
      %parallel_loop3A_70 = arith.constant 0 : index
      %parallel_loop3A_71 = tpu.vector_load %arg10[%parallel_loop3A_69, %parallel_loop3A_70] {strides = array<i32>} : memref<288x80xf32, #tpu.memory_space<vmem>>, vector<1x16xf32>,
      %parallel_loop3A_72 = vector.shape_cast %parallel_loop3A_71 : vector<1x16xf32> to vector<16xf32>
      %parallel_loop3A_73 = vector.shape_cast %broadcast_in_dim3A_9 : vector<16xf32> to vector<1x16xf32>
      tpu.vector_store %arg10[%parallel_loop3A_69, %parallel_loop3A_70], %parallel_loop3A_73 {strides = array<i32>} : memref<288x80xf32, #tpu.memory_space<vmem>>, vector<1x16xf32>,
      %parallel_loop3A_74 = arith.index_cast %parallel_loop3A_68 : i32 to index
      %parallel_loop3A_75 = arith.constant 16 : index
      %parallel_loop3A_76 = tpu.vector_load %arg10[%parallel_loop3A_74, %parallel_loop3A_75] {strides = array<i32>} : memref<288x80xf32, #tpu.memory_space<vmem>>, vector<1x16xf32>,
      %parallel_loop3A_77 = vector.shape_cast %parallel_loop3A_76 : vector<1x16xf32> to vector<16xf32>
      %parallel_loop3A_78 = vector.shape_cast %broadcast_in_dim3A_9 : vector<16xf32> to vector<1x16xf32>
      tpu.vector_store %arg10[%parallel_loop3A_74, %parallel_loop3A_75], %parallel_loop3A_78 {strides = array<i32>} : memref<288x80xf32, #tpu.memory_space<vmem>>, vector<1x16xf32>,
      %parallel_loop3A_79 = arith.index_cast %parallel_loop3A_68 : i32 to index
      %parallel_loop3A_80 = arith.constant 32 : index
      %parallel_loop3A_81 = tpu.vector_load %arg10[%parallel_loop3A_79, %parallel_loop3A_80] {strides = array<i32>} : memref<288x80xf32, #tpu.memory_space<vmem>>, vector<1x16xf32>,
      %parallel_loop3A_82 = vector.shape_cast %parallel_loop3A_81 : vector<1x16xf32> to vector<16xf32>
      %parallel_loop3A_83 = vector.shape_cast %broadcast_in_dim3A_9 : vector<16xf32> to vector<1x16xf32>
      tpu.vector_store %arg10[%parallel_loop3A_79, %parallel_loop3A_80], %parallel_loop3A_83 {strides = array<i32>} : memref<288x80xf32, #tpu.memory_space<vmem>>, vector<1x16xf32>,
      %parallel_loop3A_84 = arith.index_cast %parallel_loop3A_68 : i32 to index
      %parallel_loop3A_85 = arith.constant 48 : index
      %parallel_loop3A_86 = tpu.vector_load %arg10[%parallel_loop3A_84, %parallel_loop3A_85] {strides = array<i32>} : memref<288x80xf32, #tpu.memory_space<vmem>>, vector<1x16xf32>,
      %parallel_loop3A_87 = vector.shape_cast %parallel_loop3A_86 : vector<1x16xf32> to vector<16xf32>
      %parallel_loop3A_88 = vector.shape_cast %broadcast_in_dim3A_9 : vector<16xf32> to vector<1x16xf32>
      tpu.vector_store %arg10[%parallel_loop3A_84, %parallel_loop3A_85], %parallel_loop3A_88 {strides = array<i32>} : memref<288x80xf32, #tpu.memory_space<vmem>>, vector<1x16xf32>,
      %parallel_loop3A_89 = arith.index_cast %parallel_loop3A_68 : i32 to index
      %parallel_loop3A_90 = arith.constant 64 : index
      %parallel_loop3A_91 = tpu.vector_load %arg10[%parallel_loop3A_89, %parallel_loop3A_90] {strides = array<i32>} : memref<288x80xf32, #tpu.memory_space<vmem>>, vector<1x16xf32>,
      %parallel_loop3A_92 = vector.shape_cast %parallel_loop3A_91 : vector<1x16xf32> to vector<16xf32>
      %parallel_loop3A_93 = vector.shape_cast %broadcast_in_dim3A_9 : vector<16xf32> to vector<1x16xf32>
      tpu.vector_store %arg10[%parallel_loop3A_89, %parallel_loop3A_90], %parallel_loop3A_93 {strides = array<i32>} : memref<288x80xf32, #tpu.memory_space<vmem>>, vector<1x16xf32>,
    } {sc.loop_unroll_factor = 1 : i64, sc.parallel_access}
    %mul3A_12 = arith.constant 640 : i32
    %mul3A_13 = arith.muli %arg1, %mul3A_12 : i32
    %add3A_14 = arith.constant 0 : i32
    %add3A_15 = arith.addi %mul3A_13, %add3A_14 : i32
    "tpu.region"() ({
      %run_scoped3A = tpu.sem_alloc : memref<!tpu.dma_semaphore, #tpu.memory_space<semaphore_mem>>
      %dma_start3A_68 = arith.constant 0 : i32
      %dma_start3A_69 = arith.constant 0 : i32
      %dma_start3A_70 = tpu.memref_slice %arg10[%dma_start3A_68, %dma_start3A_69] : memref<288x80xf32, #tpu.memory_space<vmem>> -> memref<288x80xf32, #tpu.memory_space<vmem>>
      %dma_start3A_71 = arith.constant 0 : i32
      %dma_start3A_72 = tpu.memref_slice %arg15[%add3A_15, %dma_start3A_71] : memref<10240x80xf32, #tpu.memory_space<vmem_shared>> -> memref<288x80xf32, #tpu.memory_space<vmem_shared>>
      %dma_start3A_73 = arith.constant 0 : i32
      %dma_start3A_74 = tpu.memref_slice %arg15[%add3A_15, %dma_start3A_73] : memref<10240x80xf32, #tpu.memory_space<vmem_shared>> -> memref<288x80xf32, #tpu.memory_space<vmem_shared>>
      %dma_start3A_75 = arith.constant 0 : i32
      %dma_start3A_76 = arith.constant 0 : i32
      %dma_start3A_77 = tpu.memref_slice %arg10[%dma_start3A_75, %dma_start3A_76] : memref<288x80xf32, #tpu.memory_space<vmem>> -> memref<288x80xf32, #tpu.memory_space<vmem>>
      tpu.enqueue_dma source(%dma_start3A_77 : memref<288x80xf32, #tpu.memory_space<vmem>>) target(%dma_start3A_74 : memref<288x80xf32, #tpu.memory_space<vmem_shared>>) target_semaphore(%run_scoped3A : memref<!tpu.dma_semaphore, #tpu.memory_space<semaphore_mem>>)
      %dma_wait3A_78 = arith.constant 0 : i32
      %dma_wait3A_79 = arith.constant 0 : i32
      %dma_wait3A_80 = tpu.memref_slice %arg10[%dma_wait3A_78, %dma_wait3A_79] : memref<288x80xf32, #tpu.memory_space<vmem>> -> memref<288x80xf32, #tpu.memory_space<vmem>>
      %dma_wait3A_81 = arith.constant 0 : i32
      %dma_wait3A_82 = tpu.memref_slice %arg15[%add3A_15, %dma_wait3A_81] : memref<10240x80xf32, #tpu.memory_space<vmem_shared>> -> memref<288x80xf32, #tpu.memory_space<vmem_shared>>
      %dma_wait3A_83 = arith.constant 0 : i32
      %dma_wait3A_84 = tpu.memref_slice %arg15[%add3A_15, %dma_wait3A_83] : memref<10240x80xf32, #tpu.memory_space<vmem_shared>> -> memref<288x80xf32, #tpu.memory_space<vmem_shared>>
      %dma_wait3A_85 = arith.constant 0 : i32
      %dma_wait3A_86 = arith.constant 0 : i32
      %dma_wait3A_87 = tpu.memref_slice %arg10[%dma_wait3A_85, %dma_wait3A_86] : memref<288x80xf32, #tpu.memory_space<vmem>> -> memref<288x80xf32, #tpu.memory_space<vmem>>
      tpu.wait_dma2 semaphore(%run_scoped3A : memref<!tpu.dma_semaphore, #tpu.memory_space<semaphore_mem>>) src(%dma_wait3A_87 : memref<288x80xf32, #tpu.memory_space<vmem>>) dst(%dma_wait3A_84 : memref<288x80xf32, #tpu.memory_space<vmem_shared>>)
      tpu.yield
    }) : () -> ()
    %add3A_16 = arith.constant 288 : i32
    %add3A_17 = arith.addi %mul3A_13, %add3A_16 : i32
    "tpu.region"() ({
      %run_scoped3A = tpu.sem_alloc : memref<!tpu.dma_semaphore, #tpu.memory_space<semaphore_mem>>
      %dma_start3A_68 = arith.constant 0 : i32
      %dma_start3A_69 = arith.constant 0 : i32
      %dma_start3A_70 = tpu.memref_slice %arg10[%dma_start3A_68, %dma_start3A_69] : memref<288x80xf32, #tpu.memory_space<vmem>> -> memref<288x80xf32, #tpu.memory_space<vmem>>
      %dma_start3A_71 = arith.constant 0 : i32
      %dma_start3A_72 = tpu.memref_slice %arg15[%add3A_17, %dma_start3A_71] : memref<10240x80xf32, #tpu.memory_space<vmem_shared>> -> memref<288x80xf32, #tpu.memory_space<vmem_shared>>
      %dma_start3A_73 = arith.constant 0 : i32
      %dma_start3A_74 = tpu.memref_slice %arg15[%add3A_17, %dma_start3A_73] : memref<10240x80xf32, #tpu.memory_space<vmem_shared>> -> memref<288x80xf32, #tpu.memory_space<vmem_shared>>
      %dma_start3A_75 = arith.constant 0 : i32
      %dma_start3A_76 = arith.constant 0 : i32
      %dma_start3A_77 = tpu.memref_slice %arg10[%dma_start3A_75, %dma_start3A_76] : memref<288x80xf32, #tpu.memory_space<vmem>> -> memref<288x80xf32, #tpu.memory_space<vmem>>
      tpu.enqueue_dma source(%dma_start3A_77 : memref<288x80xf32, #tpu.memory_space<vmem>>) target(%dma_start3A_74 : memref<288x80xf32, #tpu.memory_space<vmem_shared>>) target_semaphore(%run_scoped3A : memref<!tpu.dma_semaphore, #tpu.memory_space<semaphore_mem>>)
      %dma_wait3A_78 = arith.constant 0 : i32
      %dma_wait3A_79 = arith.constant 0 : i32
      %dma_wait3A_80 = tpu.memref_slice %arg10[%dma_wait3A_78, %dma_wait3A_79] : memref<288x80xf32, #tpu.memory_space<vmem>> -> memref<288x80xf32, #tpu.memory_space<vmem>>
      %dma_wait3A_81 = arith.constant 0 : i32
      %dma_wait3A_82 = tpu.memref_slice %arg15[%add3A_17, %dma_wait3A_81] : memref<10240x80xf32, #tpu.memory_space<vmem_shared>> -> memref<288x80xf32, #tpu.memory_space<vmem_shared>>
      %dma_wait3A_83 = arith.constant 0 : i32
      %dma_wait3A_84 = tpu.memref_slice %arg15[%add3A_17, %dma_wait3A_83] : memref<10240x80xf32, #tpu.memory_space<vmem_shared>> -> memref<288x80xf32, #tpu.memory_space<vmem_shared>>
      %dma_wait3A_85 = arith.constant 0 : i32
      %dma_wait3A_86 = arith.constant 0 : i32
      %dma_wait3A_87 = tpu.memref_slice %arg10[%dma_wait3A_85, %dma_wait3A_86] : memref<288x80xf32, #tpu.memory_space<vmem>> -> memref<288x80xf32, #tpu.memory_space<vmem>>
      tpu.wait_dma2 semaphore(%run_scoped3A : memref<!tpu.dma_semaphore, #tpu.memory_space<semaphore_mem>>) src(%dma_wait3A_87 : memref<288x80xf32, #tpu.memory_space<vmem>>) dst(%dma_wait3A_84 : memref<288x80xf32, #tpu.memory_space<vmem_shared>>)
      tpu.yield
    }) : () -> ()
    %add3A_18 = arith.constant 576 : i32
    %add3A_19 = arith.addi %mul3A_13, %add3A_18 : i32
    "tpu.region"() ({
      %run_scoped3A = tpu.sem_alloc : memref<!tpu.dma_semaphore, #tpu.memory_space<semaphore_mem>>
      %dma_start3A_68 = arith.constant 0 : i32
      %dma_start3A_69 = arith.constant 0 : i32
      %dma_start3A_70 = tpu.memref_slice %arg10[%dma_start3A_68, %dma_start3A_69] : memref<288x80xf32, #tpu.memory_space<vmem>> -> memref<64x80xf32, #tpu.memory_space<vmem>>
      %dma_start3A_71 = arith.constant 0 : i32
      %dma_start3A_72 = tpu.memref_slice %arg15[%add3A_19, %dma_start3A_71] : memref<10240x80xf32, #tpu.memory_space<vmem_shared>> -> memref<64x80xf32, #tpu.memory_space<vmem_shared>>
      %dma_start3A_73 = arith.constant 0 : i32
      %dma_start3A_74 = tpu.memref_slice %arg15[%add3A_19, %dma_start3A_73] : memref<10240x80xf32, #tpu.memory_space<vmem_shared>> -> memref<64x80xf32, #tpu.memory_space<vmem_shared>>
      %dma_start3A_75 = arith.constant 0 : i32
      %dma_start3A_76 = arith.constant 0 : i32
      %dma_start3A_77 = tpu.memref_slice %arg10[%dma_start3A_75, %dma_start3A_76] : memref<288x80xf32, #tpu.memory_space<vmem>> -> memref<64x80xf32, #tpu.memory_space<vmem>>
      tpu.enqueue_dma source(%dma_start3A_77 : memref<64x80xf32, #tpu.memory_space<vmem>>) target(%dma_start3A_74 : memref<64x80xf32, #tpu.memory_space<vmem_shared>>) target_semaphore(%run_scoped3A : memref<!tpu.dma_semaphore, #tpu.memory_space<semaphore_mem>>)
      %dma_wait3A_78 = arith.constant 0 : i32
      %dma_wait3A_79 = arith.constant 0 : i32
      %dma_wait3A_80 = tpu.memref_slice %arg10[%dma_wait3A_78, %dma_wait3A_79] : memref<288x80xf32, #tpu.memory_space<vmem>> -> memref<64x80xf32, #tpu.memory_space<vmem>>
      %dma_wait3A_81 = arith.constant 0 : i32
      %dma_wait3A_82 = tpu.memref_slice %arg15[%add3A_19, %dma_wait3A_81] : memref<10240x80xf32, #tpu.memory_space<vmem_shared>> -> memref<64x80xf32, #tpu.memory_space<vmem_shared>>
      %dma_wait3A_83 = arith.constant 0 : i32
      %dma_wait3A_84 = tpu.memref_slice %arg15[%add3A_19, %dma_wait3A_83] : memref<10240x80xf32, #tpu.memory_space<vmem_shared>> -> memref<64x80xf32, #tpu.memory_space<vmem_shared>>
      %dma_wait3A_85 = arith.constant 0 : i32
      %dma_wait3A_86 = arith.constant 0 : i32
      %dma_wait3A_87 = tpu.memref_slice %arg10[%dma_wait3A_85, %dma_wait3A_86] : memref<288x80xf32, #tpu.memory_space<vmem>> -> memref<64x80xf32, #tpu.memory_space<vmem>>
      tpu.wait_dma2 semaphore(%run_scoped3A : memref<!tpu.dma_semaphore, #tpu.memory_space<semaphore_mem>>) src(%dma_wait3A_87 : memref<64x80xf32, #tpu.memory_space<vmem>>) dst(%dma_wait3A_84 : memref<64x80xf32, #tpu.memory_space<vmem_shared>>)
      tpu.yield
    }) : () -> ()
    "tpu.region"() ({
      %run_scoped3A = tpu.sem_alloc : memref<!tpu.dma_semaphore, #tpu.memory_space<semaphore_mem>>
      tpu.enqueue_dma source(%arg6 : memref<16xf32, #tpu.memory_space<hbm>>) target(%arg14 : memref<16xf32, #tpu.memory_space<vmem>>) target_semaphore(%run_scoped3A : memref<!tpu.dma_semaphore, #tpu.memory_space<semaphore_mem>>)
      tpu.wait_dma2 semaphore(%run_scoped3A : memref<!tpu.dma_semaphore, #tpu.memory_space<semaphore_mem>>) src(%arg6 : memref<16xf32, #tpu.memory_space<hbm>>) dst(%arg14 : memref<16xf32, #tpu.memory_space<vmem>>)
      tpu.yield
    }) : () -> ()
    "tpu.region"() ({
      %run_scoped3A = tpu.sem_alloc : memref<!tpu.dma_semaphore, #tpu.memory_space<semaphore_mem>>
      %dma_start3A_68 = tpu.memref_slice %arg4[%select_n3A_8] : memref<342144xi32, #tpu.memory_space<hbm>> -> memref<10368xi32, #tpu.memory_space<hbm>>
      %dma_start3A_69 = tpu.memref_slice %arg4[%select_n3A_8] : memref<342144xi32, #tpu.memory_space<hbm>> -> memref<10368xi32, #tpu.memory_space<hbm>>
      tpu.enqueue_dma source(%dma_start3A_69 : memref<10368xi32, #tpu.memory_space<hbm>>) target(%arg8 : memref<10368xi32, #tpu.memory_space<vmem>>) target_semaphore(%run_scoped3A : memref<!tpu.dma_semaphore, #tpu.memory_space<semaphore_mem>>)
      %dma_wait3A_70 = tpu.memref_slice %arg4[%select_n3A_8] : memref<342144xi32, #tpu.memory_space<hbm>> -> memref<10368xi32, #tpu.memory_space<hbm>>
      %dma_wait3A_71 = tpu.memref_slice %arg4[%select_n3A_8] : memref<342144xi32, #tpu.memory_space<hbm>> -> memref<10368xi32, #tpu.memory_space<hbm>>
      tpu.wait_dma2 semaphore(%run_scoped3A : memref<!tpu.dma_semaphore, #tpu.memory_space<semaphore_mem>>) src(%dma_wait3A_71 : memref<10368xi32, #tpu.memory_space<hbm>>) dst(%arg8 : memref<10368xi32, #tpu.memory_space<vmem>>)
      tpu.yield
    }) : () -> ()
    "tpu.region"() ({
      %run_scoped3A = tpu.sem_alloc : memref<!tpu.dma_semaphore, #tpu.memory_space<semaphore_mem>>
      %dma_start3A_68 = tpu.memref_slice %arg5[%select_n3A_8] : memref<342144xi32, #tpu.memory_space<hbm>> -> memref<10368xi32, #tpu.memory_space<hbm>>
      %dma_start3A_69 = tpu.memref_slice %arg5[%select_n3A_8] : memref<342144xi32, #tpu.memory_space<hbm>> -> memref<10368xi32, #tpu.memory_space<hbm>>
      tpu.enqueue_dma source(%dma_start3A_69 : memref<10368xi32, #tpu.memory_space<hbm>>) target(%arg9 : memref<10368xi32, #tpu.memory_space<vmem>>) target_semaphore(%run_scoped3A : memref<!tpu.dma_semaphore, #tpu.memory_space<semaphore_mem>>)
      %dma_wait3A_70 = tpu.memref_slice %arg5[%select_n3A_8] : memref<342144xi32, #tpu.memory_space<hbm>> -> memref<10368xi32, #tpu.memory_space<hbm>>
      %dma_wait3A_71 = tpu.memref_slice %arg5[%select_n3A_8] : memref<342144xi32, #tpu.memory_space<hbm>> -> memref<10368xi32, #tpu.memory_space<hbm>>
      tpu.wait_dma2 semaphore(%run_scoped3A : memref<!tpu.dma_semaphore, #tpu.memory_space<semaphore_mem>>) src(%dma_wait3A_71 : memref<10368xi32, #tpu.memory_space<hbm>>) dst(%arg9 : memref<10368xi32, #tpu.memory_space<vmem>>)
      tpu.yield
    }) : () -> ()
    %barrier3A = arith.constant 0 : index
    tpu.barrier barrier_id(%barrier3A)
    %get3A = arith.constant 0 : index
    %get3A_20 = tpu.vector_load %arg14[%get3A] {strides = array<i32>} : memref<16xf32, #tpu.memory_space<vmem>>, vector<16xf32>,
    %get3A_21 = vector.shape_cast %get3A_20 : vector<16xf32> to vector<16xf32>
    %iota3A = tpu.iota {dimensions = array<i32: 0>} : vector<16xi32>
    %dma_start3A = arith.constant 0 : i32
    %dma_start3A_22 = tpu.memref_slice %arg8[%dma_start3A] : memref<10368xi32, #tpu.memory_space<vmem>> -> memref<288xi32, #tpu.memory_space<vmem>>
    %dma_start3A_23 = arith.constant 0 : i32
    %dma_start3A_24 = arith.constant 0 : i32
    %dma_start3A_25 = tpu.memref_slice %arg2[%dma_start3A_23, %dma_start3A_24] : memref<10240x80xf32, #tpu.memory_space<hbm>> -> memref<10240x80xf32, #tpu.memory_space<hbm>>
    tpu.enqueue_indirect_dma source(%dma_start3A_25 : memref<10240x80xf32, #tpu.memory_space<hbm>>) target(%arg10 : memref<288x80xf32, #tpu.memory_space<vmem>>) offsets(%dma_start3A_22 : memref<288xi32, #tpu.memory_space<vmem>>) semaphore(%arg16 : memref<!tpu.dma_semaphore, #tpu.memory_space<semaphore_mem>>)
    %dma_start3A_26 = arith.constant 0 : i32
    %dma_start3A_27 = tpu.memref_slice %arg9[%dma_start3A_26] : memref<10368xi32, #tpu.memory_space<vmem>> -> memref<288xi32, #tpu.memory_space<vmem>>
    %dma_start3A_28 = arith.constant 0 : i32
    %dma_start3A_29 = arith.constant 0 : i32
    %dma_start3A_30 = tpu.memref_slice %arg3[%dma_start3A_28, %dma_start3A_29] : memref<10240x16xf32, #tpu.memory_space<hbm>> -> memref<10240x16xf32, #tpu.memory_space<hbm>>
    tpu.enqueue_indirect_dma source(%dma_start3A_30 : memref<10240x16xf32, #tpu.memory_space<hbm>>) target(%arg12 : memref<288x16xf32, #tpu.memory_space<vmem>>) offsets(%dma_start3A_27 : memref<288xi32, #tpu.memory_space<vmem>>) semaphore(%arg16 : memref<!tpu.dma_semaphore, #tpu.memory_space<semaphore_mem>>)
    %jit3A_31 = arith.constant 2 : i32
    %div3A = arith.divsi %select_n3A, %jit3A_31 : i32
    %sign3A = arith.constant 0 : i32
    %sign3A_32 = arith.cmpi sgt, %select_n3A, %sign3A : i32
    %sign3A_33 = arith.extui %sign3A_32 : i1 to i32
    %sign3A_34 = arith.constant 0 : i32
    %sign3A_35 = arith.cmpi slt, %select_n3A, %sign3A_34 : i32
    %sign3A_36 = arith.extui %sign3A_35 : i1 to i32
    %sign3A_37 = arith.subi %sign3A_33, %sign3A_36 : i32
    %sign3A_38 = arith.constant 0 : i32
    %sign3A_39 = arith.cmpi sgt, %jit3A_31, %sign3A_38 : i32
    %sign3A_40 = arith.extui %sign3A_39 : i1 to i32
    %sign3A_41 = arith.constant 0 : i32
    %sign3A_42 = arith.cmpi slt, %jit3A_31, %sign3A_41 : i32
    %sign3A_43 = arith.extui %sign3A_42 : i1 to i32
    %sign3A_44 = arith.subi %sign3A_40, %sign3A_43 : i32
    %ne3A = arith.cmpi ne, %sign3A_37, %sign3A_44 : i32
    %rem3A = arith.remsi %select_n3A, %jit3A_31 : i32
    %ne3A_45 = arith.constant 0 : i32
    %ne3A_46 = arith.cmpi ne, %rem3A, %ne3A_45 : i32
    %and3A = arith.andi %ne3A, %ne3A_46 : i1
    %sub3A = arith.constant 1 : i32
    %sub3A_47 = arith.subi %div3A, %sub3A : i32
    %select_n3A_48 = arith.select %and3A, %sub3A_47, %div3A : i32
    %while3A = arith.constant 0 : i32
    %while3A_49 = arith.constant 0 : i32
    %while3A_50 = arith.subi %select_n3A_48, %while3A : i32
    %while3A_51 = arith.addi %while3A, %while3A_50 : i32
    %while3A_52 = arith.constant 1 : i32
    %while3A_53 = arith.divsi %while3A_50, %while3A_52 : i32
    %while3A_54 = arith.muli %while3A_53, %while3A_52 : i32
    %while3A_55 = arith.addi %while3A, %while3A_54 : i32
    %while3A_56 = arith.constant 1 : i32
    %while3A_57 = scf.for %while3A_68 = %while3A to %while3A_55 step %while3A_56 iter_args(%while3A_69 = %while3A_49) -> (i32)  : i32 {
      %mul3A_70 = arith.constant 2 : i32
      %mul3A_71 = arith.muli %mul3A_70, %while3A_68 : i32
      %add3A_72 = arith.constant 0 : i32
      %add3A_73 = arith.addi %mul3A_71, %add3A_72 : i32
      %mul3A_74 = arith.constant 288 : i32
      %mul3A_75 = arith.muli %add3A_73, %mul3A_74 : i32
      %dma_wait3A_76 = tpu.memref_slice %arg8[%mul3A_75] : memref<10368xi32, #tpu.memory_space<vmem>> -> memref<288xi32, #tpu.memory_space<vmem>>
      %dma_wait3A_77 = arith.constant 0 : i32
      %dma_wait3A_78 = arith.constant 0 : i32
      %dma_wait3A_79 = tpu.memref_slice %arg2[%dma_wait3A_77, %dma_wait3A_78] : memref<10240x80xf32, #tpu.memory_space<hbm>> -> memref<10240x80xf32, #tpu.memory_space<hbm>>
      tpu.wait_indirect_dma semaphore(%arg16 : memref<!tpu.dma_semaphore, #tpu.memory_space<semaphore_mem>>) src(%dma_wait3A_79 : memref<10240x80xf32, #tpu.memory_space<hbm>>) dst(%arg10 : memref<288x80xf32, #tpu.memory_space<vmem>>)
      %mul3A_80 = arith.constant 288 : i32
      %mul3A_81 = arith.muli %add3A_73, %mul3A_80 : i32
      %dma_wait3A_82 = tpu.memref_slice %arg9[%mul3A_81] : memref<10368xi32, #tpu.memory_space<vmem>> -> memref<288xi32, #tpu.memory_space<vmem>>
      %dma_wait3A_83 = arith.constant 0 : i32
      %dma_wait3A_84 = arith.constant 0 : i32
      %dma_wait3A_85 = tpu.memref_slice %arg3[%dma_wait3A_83, %dma_wait3A_84] : memref<10240x16xf32, #tpu.memory_space<hbm>> -> memref<10240x16xf32, #tpu.memory_space<hbm>>
      tpu.wait_indirect_dma semaphore(%arg16 : memref<!tpu.dma_semaphore, #tpu.memory_space<semaphore_mem>>) src(%dma_wait3A_85 : memref<10240x16xf32, #tpu.memory_space<hbm>>) dst(%arg12 : memref<288x16xf32, #tpu.memory_space<vmem>>)
      %parallel_loop3A_86 = arith.constant 0 : i32
      %parallel_loop3A_87 = arith.constant 288 : i32
      %parallel_loop3A_88 = arith.constant 1 : i32
      scf.for %parallel_loop3A_139 = %parallel_loop3A_86 to %parallel_loop3A_87 step %parallel_loop3A_88  : i32 {
        %parallel_loop3A_140 = arith.index_cast %parallel_loop3A_139 : i32 to index
        %parallel_loop3A_141 = arith.constant 64 : index
        %parallel_loop3A_142 = tpu.vector_load %arg10[%parallel_loop3A_140, %parallel_loop3A_141] {strides = array<i32>} : memref<288x80xf32, #tpu.memory_space<vmem>>, vector<1x16xf32>,
        %parallel_loop3A_143 = vector.shape_cast %parallel_loop3A_142 : vector<1x16xf32> to vector<16xf32>
        %parallel_loop3A_144 = arith.index_cast %parallel_loop3A_139 : i32 to index
        %parallel_loop3A_145 = arith.constant 0 : index
        %parallel_loop3A_146 = tpu.vector_load %arg12[%parallel_loop3A_144, %parallel_loop3A_145] {strides = array<i32>} : memref<288x16xf32, #tpu.memory_space<vmem>>, vector<1x16xf32>,
        %parallel_loop3A_147 = vector.shape_cast %parallel_loop3A_146 : vector<1x16xf32> to vector<16xf32>
        %parallel_loop3A_148 = arith.addf %parallel_loop3A_143, %parallel_loop3A_147 : vector<16xf32>
        %parallel_loop3A_149 = arith.constant 2.000000e-01 : f32
        %parallel_loop3A_150 = vector.broadcast %parallel_loop3A_149 : f32 to vector<16xf32>
        %parallel_loop3A_151 = arith.mulf %parallel_loop3A_150, %parallel_loop3A_148 : vector<16xf32>
        %parallel_loop3A_152 = arith.maximumf %parallel_loop3A_148, %parallel_loop3A_151 : vector<16xf32>
        %parallel_loop3A_153 = arith.subf %parallel_loop3A_152, %get3A_21 : vector<16xf32>
        %parallel_loop3A_154 = math.exp %parallel_loop3A_153 : vector<16xf32>
        %parallel_loop3A_155 = arith.constant 3 : i32
        %parallel_loop3A_156 = vector.broadcast %parallel_loop3A_155 : i32 to vector<16xi32>
        %parallel_loop3A_157 = arith.shrsi %iota3A, %parallel_loop3A_156 : vector<16xi32>
        %parallel_loop3A_158 = arith.constant 0 : i32
        %parallel_loop3A_159 = vector.broadcast %parallel_loop3A_158 : i32 to vector<16xi32>
        %parallel_loop3A_160 = arith.addi %parallel_loop3A_157, %parallel_loop3A_159 : vector<16xi32>
        %parallel_loop3A_161 = vector.shape_cast %parallel_loop3A_160 : vector<16xi32> to vector<16x1xi32>
        %parallel_loop3A_162 = vector.shape_cast %parallel_loop3A_161 : vector<16x1xi32> to vector<16xi32>
        %parallel_loop3A_163 = tpu.dynamic_gather %parallel_loop3A_154[%parallel_loop3A_162] in [0] : vector<16xf32>, vector<16xi32> -> vector<16xf32>
        %parallel_loop3A_164 = arith.index_cast %parallel_loop3A_139 : i32 to index
        %parallel_loop3A_165 = arith.constant 0 : index
        %parallel_loop3A_166 = tpu.vector_load %arg10[%parallel_loop3A_164, %parallel_loop3A_165] {strides = array<i32>} : memref<288x80xf32, #tpu.memory_space<vmem>>, vector<1x16xf32>,
        %parallel_loop3A_167 = vector.shape_cast %parallel_loop3A_166 : vector<1x16xf32> to vector<16xf32>
        %parallel_loop3A_168 = arith.mulf %parallel_loop3A_167, %parallel_loop3A_163 : vector<16xf32>
        %parallel_loop3A_169 = arith.index_cast %parallel_loop3A_139 : i32 to index
        %parallel_loop3A_170 = arith.constant 0 : index
        %parallel_loop3A_171 = tpu.vector_load %arg10[%parallel_loop3A_169, %parallel_loop3A_170] {strides = array<i32>} : memref<288x80xf32, #tpu.memory_space<vmem>>, vector<1x16xf32>,
        %parallel_loop3A_172 = vector.shape_cast %parallel_loop3A_171 : vector<1x16xf32> to vector<16xf32>
        %parallel_loop3A_173 = vector.shape_cast %parallel_loop3A_168 : vector<16xf32> to vector<1x16xf32>
        tpu.vector_store %arg10[%parallel_loop3A_169, %parallel_loop3A_170], %parallel_loop3A_173 {strides = array<i32>} : memref<288x80xf32, #tpu.memory_space<vmem>>, vector<1x16xf32>,
        %parallel_loop3A_174 = arith.constant 2 : i32
        %parallel_loop3A_175 = vector.broadcast %parallel_loop3A_174 : i32 to vector<16xi32>
        %parallel_loop3A_176 = arith.addi %parallel_loop3A_157, %parallel_loop3A_175 : vector<16xi32>
        %parallel_loop3A_177 = vector.shape_cast %parallel_loop3A_176 : vector<16xi32> to vector<16x1xi32>
        %parallel_loop3A_178 = vector.shape_cast %parallel_loop3A_177 : vector<16x1xi32> to vector<16xi32>
        %parallel_loop3A_179 = tpu.dynamic_gather %parallel_loop3A_154[%parallel_loop3A_178] in [0] : vector<16xf32>, vector<16xi32> -> vector<16xf32>
        %parallel_loop3A_180 = arith.index_cast %parallel_loop3A_139 : i32 to index
        %parallel_loop3A_181 = arith.constant 16 : index
        %parallel_loop3A_182 = tpu.vector_load %arg10[%parallel_loop3A_180, %parallel_loop3A_181] {strides = array<i32>} : memref<288x80xf32, #tpu.memory_space<vmem>>, vector<1x16xf32>,
        %parallel_loop3A_183 = vector.shape_cast %parallel_loop3A_182 : vector<1x16xf32> to vector<16xf32>
        %parallel_loop3A_184 = arith.mulf %parallel_loop3A_183, %parallel_loop3A_179 : vector<16xf32>
        %parallel_loop3A_185 = arith.index_cast %parallel_loop3A_139 : i32 to index
        %parallel_loop3A_186 = arith.constant 16 : index
        %parallel_loop3A_187 = tpu.vector_load %arg10[%parallel_loop3A_185, %parallel_loop3A_186] {strides = array<i32>} : memref<288x80xf32, #tpu.memory_space<vmem>>, vector<1x16xf32>,
        %parallel_loop3A_188 = vector.shape_cast %parallel_loop3A_187 : vector<1x16xf32> to vector<16xf32>
        %parallel_loop3A_189 = vector.shape_cast %parallel_loop3A_184 : vector<16xf32> to vector<1x16xf32>
        tpu.vector_store %arg10[%parallel_loop3A_185, %parallel_loop3A_186], %parallel_loop3A_189 {strides = array<i32>} : memref<288x80xf32, #tpu.memory_space<vmem>>, vector<1x16xf32>,
        %parallel_loop3A_190 = arith.constant 4 : i32
        %parallel_loop3A_191 = vector.broadcast %parallel_loop3A_190 : i32 to vector<16xi32>
        %parallel_loop3A_192 = arith.addi %parallel_loop3A_157, %parallel_loop3A_191 : vector<16xi32>
        %parallel_loop3A_193 = vector.shape_cast %parallel_loop3A_192 : vector<16xi32> to vector<16x1xi32>
        %parallel_loop3A_194 = vector.shape_cast %parallel_loop3A_193 : vector<16x1xi32> to vector<16xi32>
        %parallel_loop3A_195 = tpu.dynamic_gather %parallel_loop3A_154[%parallel_loop3A_194] in [0] : vector<16xf32>, vector<16xi32> -> vector<16xf32>
        %parallel_loop3A_196 = arith.index_cast %parallel_loop3A_139 : i32 to index
        %parallel_loop3A_197 = arith.constant 32 : index
        %parallel_loop3A_198 = tpu.vector_load %arg10[%parallel_loop3A_196, %parallel_loop3A_197] {strides = array<i32>} : memref<288x80xf32, #tpu.memory_space<vmem>>, vector<1x16xf32>,
        %parallel_loop3A_199 = vector.shape_cast %parallel_loop3A_198 : vector<1x16xf32> to vector<16xf32>
        %parallel_loop3A_200 = arith.mulf %parallel_loop3A_199, %parallel_loop3A_195 : vector<16xf32>
        %parallel_loop3A_201 = arith.index_cast %parallel_loop3A_139 : i32 to index
        %parallel_loop3A_202 = arith.constant 32 : index
        %parallel_loop3A_203 = tpu.vector_load %arg10[%parallel_loop3A_201, %parallel_loop3A_202] {strides = array<i32>} : memref<288x80xf32, #tpu.memory_space<vmem>>, vector<1x16xf32>,
        %parallel_loop3A_204 = vector.shape_cast %parallel_loop3A_203 : vector<1x16xf32> to vector<16xf32>
        %parallel_loop3A_205 = vector.shape_cast %parallel_loop3A_200 : vector<16xf32> to vector<1x16xf32>
        tpu.vector_store %arg10[%parallel_loop3A_201, %parallel_loop3A_202], %parallel_loop3A_205 {strides = array<i32>} : memref<288x80xf32, #tpu.memory_space<vmem>>, vector<1x16xf32>,
        %parallel_loop3A_206 = arith.constant 6 : i32
        %parallel_loop3A_207 = vector.broadcast %parallel_loop3A_206 : i32 to vector<16xi32>
        %parallel_loop3A_208 = arith.addi %parallel_loop3A_157, %parallel_loop3A_207 : vector<16xi32>
        %parallel_loop3A_209 = vector.shape_cast %parallel_loop3A_208 : vector<16xi32> to vector<16x1xi32>
        %parallel_loop3A_210 = vector.shape_cast %parallel_loop3A_209 : vector<16x1xi32> to vector<16xi32>
        %parallel_loop3A_211 = tpu.dynamic_gather %parallel_loop3A_154[%parallel_loop3A_210] in [0] : vector<16xf32>, vector<16xi32> -> vector<16xf32>
        %parallel_loop3A_212 = arith.index_cast %parallel_loop3A_139 : i32 to index
        %parallel_loop3A_213 = arith.constant 48 : index
        %parallel_loop3A_214 = tpu.vector_load %arg10[%parallel_loop3A_212, %parallel_loop3A_213] {strides = array<i32>} : memref<288x80xf32, #tpu.memory_space<vmem>>, vector<1x16xf32>,
        %parallel_loop3A_215 = vector.shape_cast %parallel_loop3A_214 : vector<1x16xf32> to vector<16xf32>
        %parallel_loop3A_216 = arith.mulf %parallel_loop3A_215, %parallel_loop3A_211 : vector<16xf32>
        %parallel_loop3A_217 = arith.index_cast %parallel_loop3A_139 : i32 to index
        %parallel_loop3A_218 = arith.constant 48 : index
        %parallel_loop3A_219 = tpu.vector_load %arg10[%parallel_loop3A_217, %parallel_loop3A_218] {strides = array<i32>} : memref<288x80xf32, #tpu.memory_space<vmem>>, vector<1x16xf32>,
        %parallel_loop3A_220 = vector.shape_cast %parallel_loop3A_219 : vector<1x16xf32> to vector<16xf32>
        %parallel_loop3A_221 = vector.shape_cast %parallel_loop3A_216 : vector<16xf32> to vector<1x16xf32>
        tpu.vector_store %arg10[%parallel_loop3A_217, %parallel_loop3A_218], %parallel_loop3A_221 {strides = array<i32>} : memref<288x80xf32, #tpu.memory_space<vmem>>, vector<1x16xf32>,
        %parallel_loop3A_222 = arith.index_cast %parallel_loop3A_139 : i32 to index
        %parallel_loop3A_223 = arith.constant 64 : index
        %parallel_loop3A_224 = tpu.vector_load %arg10[%parallel_loop3A_222, %parallel_loop3A_223] {strides = array<i32>} : memref<288x80xf32, #tpu.memory_space<vmem>>, vector<1x16xf32>,
        %parallel_loop3A_225 = vector.shape_cast %parallel_loop3A_224 : vector<1x16xf32> to vector<16xf32>
        %parallel_loop3A_226 = vector.shape_cast %parallel_loop3A_154 : vector<16xf32> to vector<1x16xf32>
        tpu.vector_store %arg10[%parallel_loop3A_222, %parallel_loop3A_223], %parallel_loop3A_226 {strides = array<i32>} : memref<288x80xf32, #tpu.memory_space<vmem>>, vector<1x16xf32>,
      } {sc.loop_unroll_factor = 2 : i64, sc.parallel_access}
      %ge3A = arith.constant 1 : i32
      %ge3A_89 = arith.cmpi sge, %add3A_73, %ge3A : i32
      %convert_element_type3A = arith.extui %ge3A_89 : i1 to i32
      %cond3A = arith.constant 0 : i32
      %cond3A_90 = arith.cmpi ne, %convert_element_type3A, %cond3A : i32
      scf.if %cond3A_90 {
        %sub3A_139 = arith.constant 1 : i32
        %sub3A_140 = arith.subi %add3A_73, %sub3A_139 : i32
        %mul3A_141 = arith.constant 288 : i32
        %mul3A_142 = arith.muli %sub3A_140, %mul3A_141 : i32
        %dma_wait3A_143 = tpu.memref_slice %arg9[%mul3A_142] : memref<10368xi32, #tpu.memory_space<vmem>> -> memref<288xi32, #tpu.memory_space<vmem>>
        %dma_wait3A_144 = arith.constant 0 : i32
        %dma_wait3A_145 = arith.constant 0 : i32
        %dma_wait3A_146 = tpu.memref_slice %arg15[%dma_wait3A_144, %dma_wait3A_145] : memref<10240x80xf32, #tpu.memory_space<vmem_shared>> -> memref<10240x80xf32, #tpu.memory_space<vmem_shared>>
        tpu.wait_indirect_dma semaphore(%arg19 : memref<!tpu.dma_semaphore, #tpu.memory_space<semaphore_mem>>) src(%arg11 : memref<288x80xf32, #tpu.memory_space<vmem>>) dst(%dma_wait3A_146 : memref<10240x80xf32, #tpu.memory_space<vmem_shared>>)
      } else {
      }
      %add3A_91 = arith.constant 1 : i32
      %add3A_92 = arith.addi %add3A_73, %add3A_91 : i32
      %lt3A = arith.cmpi slt, %add3A_92, %select_n3A : i32
      %convert_element_type3A_93 = arith.extui %lt3A : i1 to i32
      %cond3A_94 = arith.constant 0 : i32
      %cond3A_95 = arith.cmpi ne, %convert_element_type3A_93, %cond3A_94 : i32
      scf.if %cond3A_95 {
        %add3A_139 = arith.constant 1 : i32
        %add3A_140 = arith.addi %add3A_73, %add3A_139 : i32
        %mul3A_141 = arith.constant 288 : i32
        %mul3A_142 = arith.muli %add3A_140, %mul3A_141 : i32
        %dma_start3A_143 = tpu.memref_slice %arg8[%mul3A_142] : memref<10368xi32, #tpu.memory_space<vmem>> -> memref<288xi32, #tpu.memory_space<vmem>>
        %dma_start3A_144 = arith.constant 0 : i32
        %dma_start3A_145 = arith.constant 0 : i32
        %dma_start3A_146 = tpu.memref_slice %arg2[%dma_start3A_144, %dma_start3A_145] : memref<10240x80xf32, #tpu.memory_space<hbm>> -> memref<10240x80xf32, #tpu.memory_space<hbm>>
        tpu.enqueue_indirect_dma source(%dma_start3A_146 : memref<10240x80xf32, #tpu.memory_space<hbm>>) target(%arg11 : memref<288x80xf32, #tpu.memory_space<vmem>>) offsets(%dma_start3A_143 : memref<288xi32, #tpu.memory_space<vmem>>) semaphore(%arg17 : memref<!tpu.dma_semaphore, #tpu.memory_space<semaphore_mem>>)
        %mul3A_147 = arith.constant 288 : i32
        %mul3A_148 = arith.muli %add3A_140, %mul3A_147 : i32
        %dma_start3A_149 = tpu.memref_slice %arg9[%mul3A_148] : memref<10368xi32, #tpu.memory_space<vmem>> -> memref<288xi32, #tpu.memory_space<vmem>>
        %dma_start3A_150 = arith.constant 0 : i32
        %dma_start3A_151 = arith.constant 0 : i32
        %dma_start3A_152 = tpu.memref_slice %arg3[%dma_start3A_150, %dma_start3A_151] : memref<10240x16xf32, #tpu.memory_space<hbm>> -> memref<10240x16xf32, #tpu.memory_space<hbm>>
        tpu.enqueue_indirect_dma source(%dma_start3A_152 : memref<10240x16xf32, #tpu.memory_space<hbm>>) target(%arg13 : memref<288x16xf32, #tpu.memory_space<vmem>>) offsets(%dma_start3A_149 : memref<288xi32, #tpu.memory_space<vmem>>) semaphore(%arg17 : memref<!tpu.dma_semaphore, #tpu.memory_space<semaphore_mem>>)
      } else {
      }
      %mul3A_96 = arith.constant 288 : i32
      %mul3A_97 = arith.muli %add3A_73, %mul3A_96 : i32
      %dma_start3A_98 = tpu.memref_slice %arg9[%mul3A_97] : memref<10368xi32, #tpu.memory_space<vmem>> -> memref<288xi32, #tpu.memory_space<vmem>>
      %dma_start3A_99 = arith.constant 0 : i32
      %dma_start3A_100 = arith.constant 0 : i32
      %dma_start3A_101 = tpu.memref_slice %arg15[%dma_start3A_99, %dma_start3A_100] : memref<10240x80xf32, #tpu.memory_space<vmem_shared>> -> memref<10240x80xf32, #tpu.memory_space<vmem_shared>>
      tpu.enqueue_indirect_dma source(%arg10 : memref<288x80xf32, #tpu.memory_space<vmem>>) target(%dma_start3A_101 : memref<10240x80xf32, #tpu.memory_space<vmem_shared>>) offsets(%dma_start3A_98 : memref<288xi32, #tpu.memory_space<vmem>>) semaphore(%arg18 : memref<!tpu.dma_semaphore, #tpu.memory_space<semaphore_mem>>) {add = true}
      %mul3A_102 = arith.constant 2 : i32
      %mul3A_103 = arith.muli %mul3A_102, %while3A_68 : i32
      %add3A_104 = arith.constant 1 : i32
      %add3A_105 = arith.addi %mul3A_103, %add3A_104 : i32
      %mul3A_106 = arith.constant 288 : i32
      %mul3A_107 = arith.muli %add3A_105, %mul3A_106 : i32
      %dma_wait3A_108 = tpu.memref_slice %arg8[%mul3A_107] : memref<10368xi32, #tpu.memory_space<vmem>> -> memref<288xi32, #tpu.memory_space<vmem>>
      %dma_wait3A_109 = arith.constant 0 : i32
      %dma_wait3A_110 = arith.constant 0 : i32
      %dma_wait3A_111 = tpu.memref_slice %arg2[%dma_wait3A_109, %dma_wait3A_110] : memref<10240x80xf32, #tpu.memory_space<hbm>> -> memref<10240x80xf32, #tpu.memory_space<hbm>>
      tpu.wait_indirect_dma semaphore(%arg17 : memref<!tpu.dma_semaphore, #tpu.memory_space<semaphore_mem>>) src(%dma_wait3A_111 : memref<10240x80xf32, #tpu.memory_space<hbm>>) dst(%arg11 : memref<288x80xf32, #tpu.memory_space<vmem>>)
      %mul3A_112 = arith.constant 288 : i32
      %mul3A_113 = arith.muli %add3A_105, %mul3A_112 : i32
      %dma_wait3A_114 = tpu.memref_slice %arg9[%mul3A_113] : memref<10368xi32, #tpu.memory_space<vmem>> -> memref<288xi32, #tpu.memory_space<vmem>>
      %dma_wait3A_115 = arith.constant 0 : i32
      %dma_wait3A_116 = arith.constant 0 : i32
      %dma_wait3A_117 = tpu.memref_slice %arg3[%dma_wait3A_115, %dma_wait3A_116] : memref<10240x16xf32, #tpu.memory_space<hbm>> -> memref<10240x16xf32, #tpu.memory_space<hbm>>
      tpu.wait_indirect_dma semaphore(%arg17 : memref<!tpu.dma_semaphore, #tpu.memory_space<semaphore_mem>>) src(%dma_wait3A_117 : memref<10240x16xf32, #tpu.memory_space<hbm>>) dst(%arg13 : memref<288x16xf32, #tpu.memory_space<vmem>>)
      %parallel_loop3A_118 = arith.constant 0 : i32
      %parallel_loop3A_119 = arith.constant 288 : i32
      %parallel_loop3A_120 = arith.constant 1 : i32
      scf.for %parallel_loop3A_139 = %parallel_loop3A_118 to %parallel_loop3A_119 step %parallel_loop3A_120  : i32 {
        %parallel_loop3A_140 = arith.index_cast %parallel_loop3A_139 : i32 to index
        %parallel_loop3A_141 = arith.constant 64 : index
        %parallel_loop3A_142 = tpu.vector_load %arg11[%parallel_loop3A_140, %parallel_loop3A_141] {strides = array<i32>} : memref<288x80xf32, #tpu.memory_space<vmem>>, vector<1x16xf32>,
        %parallel_loop3A_143 = vector.shape_cast %parallel_loop3A_142 : vector<1x16xf32> to vector<16xf32>
        %parallel_loop3A_144 = arith.index_cast %parallel_loop3A_139 : i32 to index
        %parallel_loop3A_145 = arith.constant 0 : index
        %parallel_loop3A_146 = tpu.vector_load %arg13[%parallel_loop3A_144, %parallel_loop3A_145] {strides = array<i32>} : memref<288x16xf32, #tpu.memory_space<vmem>>, vector<1x16xf32>,
        %parallel_loop3A_147 = vector.shape_cast %parallel_loop3A_146 : vector<1x16xf32> to vector<16xf32>
        %parallel_loop3A_148 = arith.addf %parallel_loop3A_143, %parallel_loop3A_147 : vector<16xf32>
        %parallel_loop3A_149 = arith.constant 2.000000e-01 : f32
        %parallel_loop3A_150 = vector.broadcast %parallel_loop3A_149 : f32 to vector<16xf32>
        %parallel_loop3A_151 = arith.mulf %parallel_loop3A_150, %parallel_loop3A_148 : vector<16xf32>
        %parallel_loop3A_152 = arith.maximumf %parallel_loop3A_148, %parallel_loop3A_151 : vector<16xf32>
        %parallel_loop3A_153 = arith.subf %parallel_loop3A_152, %get3A_21 : vector<16xf32>
        %parallel_loop3A_154 = math.exp %parallel_loop3A_153 : vector<16xf32>
        %parallel_loop3A_155 = arith.constant 3 : i32
        %parallel_loop3A_156 = vector.broadcast %parallel_loop3A_155 : i32 to vector<16xi32>
        %parallel_loop3A_157 = arith.shrsi %iota3A, %parallel_loop3A_156 : vector<16xi32>
        %parallel_loop3A_158 = arith.constant 0 : i32
        %parallel_loop3A_159 = vector.broadcast %parallel_loop3A_158 : i32 to vector<16xi32>
        %parallel_loop3A_160 = arith.addi %parallel_loop3A_157, %parallel_loop3A_159 : vector<16xi32>
        %parallel_loop3A_161 = vector.shape_cast %parallel_loop3A_160 : vector<16xi32> to vector<16x1xi32>
        %parallel_loop3A_162 = vector.shape_cast %parallel_loop3A_161 : vector<16x1xi32> to vector<16xi32>
        %parallel_loop3A_163 = tpu.dynamic_gather %parallel_loop3A_154[%parallel_loop3A_162] in [0] : vector<16xf32>, vector<16xi32> -> vector<16xf32>
        %parallel_loop3A_164 = arith.index_cast %parallel_loop3A_139 : i32 to index
        %parallel_loop3A_165 = arith.constant 0 : index
        %parallel_loop3A_166 = tpu.vector_load %arg11[%parallel_loop3A_164, %parallel_loop3A_165] {strides = array<i32>} : memref<288x80xf32, #tpu.memory_space<vmem>>, vector<1x16xf32>,
        %parallel_loop3A_167 = vector.shape_cast %parallel_loop3A_166 : vector<1x16xf32> to vector<16xf32>
        %parallel_loop3A_168 = arith.mulf %parallel_loop3A_167, %parallel_loop3A_163 : vector<16xf32>
        %parallel_loop3A_169 = arith.index_cast %parallel_loop3A_139 : i32 to index
        %parallel_loop3A_170 = arith.constant 0 : index
        %parallel_loop3A_171 = tpu.vector_load %arg11[%parallel_loop3A_169, %parallel_loop3A_170] {strides = array<i32>} : memref<288x80xf32, #tpu.memory_space<vmem>>, vector<1x16xf32>,
        %parallel_loop3A_172 = vector.shape_cast %parallel_loop3A_171 : vector<1x16xf32> to vector<16xf32>
        %parallel_loop3A_173 = vector.shape_cast %parallel_loop3A_168 : vector<16xf32> to vector<1x16xf32>
        tpu.vector_store %arg11[%parallel_loop3A_169, %parallel_loop3A_170], %parallel_loop3A_173 {strides = array<i32>} : memref<288x80xf32, #tpu.memory_space<vmem>>, vector<1x16xf32>,
        %parallel_loop3A_174 = arith.constant 2 : i32
        %parallel_loop3A_175 = vector.broadcast %parallel_loop3A_174 : i32 to vector<16xi32>
        %parallel_loop3A_176 = arith.addi %parallel_loop3A_157, %parallel_loop3A_175 : vector<16xi32>
        %parallel_loop3A_177 = vector.shape_cast %parallel_loop3A_176 : vector<16xi32> to vector<16x1xi32>
        %parallel_loop3A_178 = vector.shape_cast %parallel_loop3A_177 : vector<16x1xi32> to vector<16xi32>
        %parallel_loop3A_179 = tpu.dynamic_gather %parallel_loop3A_154[%parallel_loop3A_178] in [0] : vector<16xf32>, vector<16xi32> -> vector<16xf32>
        %parallel_loop3A_180 = arith.index_cast %parallel_loop3A_139 : i32 to index
        %parallel_loop3A_181 = arith.constant 16 : index
        %parallel_loop3A_182 = tpu.vector_load %arg11[%parallel_loop3A_180, %parallel_loop3A_181] {strides = array<i32>} : memref<288x80xf32, #tpu.memory_space<vmem>>, vector<1x16xf32>,
        %parallel_loop3A_183 = vector.shape_cast %parallel_loop3A_182 : vector<1x16xf32> to vector<16xf32>
        %parallel_loop3A_184 = arith.mulf %parallel_loop3A_183, %parallel_loop3A_179 : vector<16xf32>
        %parallel_loop3A_185 = arith.index_cast %parallel_loop3A_139 : i32 to index
        %parallel_loop3A_186 = arith.constant 16 : index
        %parallel_loop3A_187 = tpu.vector_load %arg11[%parallel_loop3A_185, %parallel_loop3A_186] {strides = array<i32>} : memref<288x80xf32, #tpu.memory_space<vmem>>, vector<1x16xf32>,
        %parallel_loop3A_188 = vector.shape_cast %parallel_loop3A_187 : vector<1x16xf32> to vector<16xf32>
        %parallel_loop3A_189 = vector.shape_cast %parallel_loop3A_184 : vector<16xf32> to vector<1x16xf32>
        tpu.vector_store %arg11[%parallel_loop3A_185, %parallel_loop3A_186], %parallel_loop3A_189 {strides = array<i32>} : memref<288x80xf32, #tpu.memory_space<vmem>>, vector<1x16xf32>,
        %parallel_loop3A_190 = arith.constant 4 : i32
        %parallel_loop3A_191 = vector.broadcast %parallel_loop3A_190 : i32 to vector<16xi32>
        %parallel_loop3A_192 = arith.addi %parallel_loop3A_157, %parallel_loop3A_191 : vector<16xi32>
        %parallel_loop3A_193 = vector.shape_cast %parallel_loop3A_192 : vector<16xi32> to vector<16x1xi32>
        %parallel_loop3A_194 = vector.shape_cast %parallel_loop3A_193 : vector<16x1xi32> to vector<16xi32>
        %parallel_loop3A_195 = tpu.dynamic_gather %parallel_loop3A_154[%parallel_loop3A_194] in [0] : vector<16xf32>, vector<16xi32> -> vector<16xf32>
        %parallel_loop3A_196 = arith.index_cast %parallel_loop3A_139 : i32 to index
        %parallel_loop3A_197 = arith.constant 32 : index
        %parallel_loop3A_198 = tpu.vector_load %arg11[%parallel_loop3A_196, %parallel_loop3A_197] {strides = array<i32>} : memref<288x80xf32, #tpu.memory_space<vmem>>, vector<1x16xf32>,
        %parallel_loop3A_199 = vector.shape_cast %parallel_loop3A_198 : vector<1x16xf32> to vector<16xf32>
        %parallel_loop3A_200 = arith.mulf %parallel_loop3A_199, %parallel_loop3A_195 : vector<16xf32>
        %parallel_loop3A_201 = arith.index_cast %parallel_loop3A_139 : i32 to index
        %parallel_loop3A_202 = arith.constant 32 : index
        %parallel_loop3A_203 = tpu.vector_load %arg11[%parallel_loop3A_201, %parallel_loop3A_202] {strides = array<i32>} : memref<288x80xf32, #tpu.memory_space<vmem>>, vector<1x16xf32>,
        %parallel_loop3A_204 = vector.shape_cast %parallel_loop3A_203 : vector<1x16xf32> to vector<16xf32>
        %parallel_loop3A_205 = vector.shape_cast %parallel_loop3A_200 : vector<16xf32> to vector<1x16xf32>
        tpu.vector_store %arg11[%parallel_loop3A_201, %parallel_loop3A_202], %parallel_loop3A_205 {strides = array<i32>} : memref<288x80xf32, #tpu.memory_space<vmem>>, vector<1x16xf32>,
        %parallel_loop3A_206 = arith.constant 6 : i32
        %parallel_loop3A_207 = vector.broadcast %parallel_loop3A_206 : i32 to vector<16xi32>
        %parallel_loop3A_208 = arith.addi %parallel_loop3A_157, %parallel_loop3A_207 : vector<16xi32>
        %parallel_loop3A_209 = vector.shape_cast %parallel_loop3A_208 : vector<16xi32> to vector<16x1xi32>
        %parallel_loop3A_210 = vector.shape_cast %parallel_loop3A_209 : vector<16x1xi32> to vector<16xi32>
        %parallel_loop3A_211 = tpu.dynamic_gather %parallel_loop3A_154[%parallel_loop3A_210] in [0] : vector<16xf32>, vector<16xi32> -> vector<16xf32>
        %parallel_loop3A_212 = arith.index_cast %parallel_loop3A_139 : i32 to index
        %parallel_loop3A_213 = arith.constant 48 : index
        %parallel_loop3A_214 = tpu.vector_load %arg11[%parallel_loop3A_212, %parallel_loop3A_213] {strides = array<i32>} : memref<288x80xf32, #tpu.memory_space<vmem>>, vector<1x16xf32>,
        %parallel_loop3A_215 = vector.shape_cast %parallel_loop3A_214 : vector<1x16xf32> to vector<16xf32>
        %parallel_loop3A_216 = arith.mulf %parallel_loop3A_215, %parallel_loop3A_211 : vector<16xf32>
        %parallel_loop3A_217 = arith.index_cast %parallel_loop3A_139 : i32 to index
        %parallel_loop3A_218 = arith.constant 48 : index
        %parallel_loop3A_219 = tpu.vector_load %arg11[%parallel_loop3A_217, %parallel_loop3A_218] {strides = array<i32>} : memref<288x80xf32, #tpu.memory_space<vmem>>, vector<1x16xf32>,
        %parallel_loop3A_220 = vector.shape_cast %parallel_loop3A_219 : vector<1x16xf32> to vector<16xf32>
        %parallel_loop3A_221 = vector.shape_cast %parallel_loop3A_216 : vector<16xf32> to vector<1x16xf32>
        tpu.vector_store %arg11[%parallel_loop3A_217, %parallel_loop3A_218], %parallel_loop3A_221 {strides = array<i32>} : memref<288x80xf32, #tpu.memory_space<vmem>>, vector<1x16xf32>,
        %parallel_loop3A_222 = arith.index_cast %parallel_loop3A_139 : i32 to index
        %parallel_loop3A_223 = arith.constant 64 : index
        %parallel_loop3A_224 = tpu.vector_load %arg11[%parallel_loop3A_222, %parallel_loop3A_223] {strides = array<i32>} : memref<288x80xf32, #tpu.memory_space<vmem>>, vector<1x16xf32>,
        %parallel_loop3A_225 = vector.shape_cast %parallel_loop3A_224 : vector<1x16xf32> to vector<16xf32>
        %parallel_loop3A_226 = vector.shape_cast %parallel_loop3A_154 : vector<16xf32> to vector<1x16xf32>
        tpu.vector_store %arg11[%parallel_loop3A_222, %parallel_loop3A_223], %parallel_loop3A_226 {strides = array<i32>} : memref<288x80xf32, #tpu.memory_space<vmem>>, vector<1x16xf32>,
      } {sc.loop_unroll_factor = 2 : i64, sc.parallel_access}
      %ge3A_121 = arith.constant 1 : i32
      %ge3A_122 = arith.cmpi sge, %add3A_105, %ge3A_121 : i32
      %convert_element_type3A_123 = arith.extui %ge3A_122 : i1 to i32
      %cond3A_124 = arith.constant 0 : i32
      %cond3A_125 = arith.cmpi ne, %convert_element_type3A_123, %cond3A_124 : i32
      scf.if %cond3A_125 {
        %sub3A_139 = arith.constant 1 : i32
        %sub3A_140 = arith.subi %add3A_105, %sub3A_139 : i32
        %mul3A_141 = arith.constant 288 : i32
        %mul3A_142 = arith.muli %sub3A_140, %mul3A_141 : i32
        %dma_wait3A_143 = tpu.memref_slice %arg9[%mul3A_142] : memref<10368xi32, #tpu.memory_space<vmem>> -> memref<288xi32, #tpu.memory_space<vmem>>
        %dma_wait3A_144 = arith.constant 0 : i32
        %dma_wait3A_145 = arith.constant 0 : i32
        %dma_wait3A_146 = tpu.memref_slice %arg15[%dma_wait3A_144, %dma_wait3A_145] : memref<10240x80xf32, #tpu.memory_space<vmem_shared>> -> memref<10240x80xf32, #tpu.memory_space<vmem_shared>>
        tpu.wait_indirect_dma semaphore(%arg18 : memref<!tpu.dma_semaphore, #tpu.memory_space<semaphore_mem>>) src(%arg10 : memref<288x80xf32, #tpu.memory_space<vmem>>) dst(%dma_wait3A_146 : memref<10240x80xf32, #tpu.memory_space<vmem_shared>>)
      } else {
      }
      %add3A_126 = arith.constant 1 : i32
      %add3A_127 = arith.addi %add3A_105, %add3A_126 : i32
      %lt3A_128 = arith.cmpi slt, %add3A_127, %select_n3A : i32
      %convert_element_type3A_129 = arith.extui %lt3A_128 : i1 to i32
      %cond3A_130 = arith.constant 0 : i32
      %cond3A_131 = arith.cmpi ne, %convert_element_type3A_129, %cond3A_130 : i32
      scf.if %cond3A_131 {
        %add3A_139 = arith.constant 1 : i32
        %add3A_140 = arith.addi %add3A_105, %add3A_139 : i32
        %mul3A_141 = arith.constant 288 : i32
        %mul3A_142 = arith.muli %add3A_140, %mul3A_141 : i32
        %dma_start3A_143 = tpu.memref_slice %arg8[%mul3A_142] : memref<10368xi32, #tpu.memory_space<vmem>> -> memref<288xi32, #tpu.memory_space<vmem>>
        %dma_start3A_144 = arith.constant 0 : i32
        %dma_start3A_145 = arith.constant 0 : i32
        %dma_start3A_146 = tpu.memref_slice %arg2[%dma_start3A_144, %dma_start3A_145] : memref<10240x80xf32, #tpu.memory_space<hbm>> -> memref<10240x80xf32, #tpu.memory_space<hbm>>
        tpu.enqueue_indirect_dma source(%dma_start3A_146 : memref<10240x80xf32, #tpu.memory_space<hbm>>) target(%arg10 : memref<288x80xf32, #tpu.memory_space<vmem>>) offsets(%dma_start3A_143 : memref<288xi32, #tpu.memory_space<vmem>>) semaphore(%arg16 : memref<!tpu.dma_semaphore, #tpu.memory_space<semaphore_mem>>)
        %mul3A_147 = arith.constant 288 : i32
        %mul3A_148 = arith.muli %add3A_140, %mul3A_147 : i32
        %dma_start3A_149 = tpu.memref_slice %arg9[%mul3A_148] : memref<10368xi32, #tpu.memory_space<vmem>> -> memref<288xi32, #tpu.memory_space<vmem>>
        %dma_start3A_150 = arith.constant 0 : i32
        %dma_start3A_151 = arith.constant 0 : i32
        %dma_start3A_152 = tpu.memref_slice %arg3[%dma_start3A_150, %dma_start3A_151] : memref<10240x16xf32, #tpu.memory_space<hbm>> -> memref<10240x16xf32, #tpu.memory_space<hbm>>
        tpu.enqueue_indirect_dma source(%dma_start3A_152 : memref<10240x16xf32, #tpu.memory_space<hbm>>) target(%arg12 : memref<288x16xf32, #tpu.memory_space<vmem>>) offsets(%dma_start3A_149 : memref<288xi32, #tpu.memory_space<vmem>>) semaphore(%arg16 : memref<!tpu.dma_semaphore, #tpu.memory_space<semaphore_mem>>)
      } else {
      }
      %mul3A_132 = arith.constant 288 : i32
      %mul3A_133 = arith.muli %add3A_105, %mul3A_132 : i32
      %dma_start3A_134 = tpu.memref_slice %arg9[%mul3A_133] : memref<10368xi32, #tpu.memory_space<vmem>> -> memref<288xi32, #tpu.memory_space<vmem>>
      %dma_start3A_135 = arith.constant 0 : i32
      %dma_start3A_136 = arith.constant 0 : i32
      %dma_start3A_137 = tpu.memref_slice %arg15[%dma_start3A_135, %dma_start3A_136] : memref<10240x80xf32, #tpu.memory_space<vmem_shared>> -> memref<10240x80xf32, #tpu.memory_space<vmem_shared>>
      tpu.enqueue_indirect_dma source(%arg11 : memref<288x80xf32, #tpu.memory_space<vmem>>) target(%dma_start3A_137 : memref<10240x80xf32, #tpu.memory_space<vmem_shared>>) offsets(%dma_start3A_134 : memref<288xi32, #tpu.memory_space<vmem>>) semaphore(%arg19 : memref<!tpu.dma_semaphore, #tpu.memory_space<semaphore_mem>>) {add = true}
      %while3A_138 = arith.constant 0 : i32
      scf.yield %while3A_138 : i32
    }
    %while3A_58 = arith.constant 1 : i32
    %while3A_59 = scf.for %while3A_68 = %while3A_55 to %while3A_51 step %while3A_58 iter_args(%while3A_69 = %while3A_57) -> (i32)  : i32 {
      %mul3A_70 = arith.constant 2 : i32
      %mul3A_71 = arith.muli %mul3A_70, %while3A_68 : i32
      %add3A_72 = arith.constant 0 : i32
      %add3A_73 = arith.addi %mul3A_71, %add3A_72 : i32
      %mul3A_74 = arith.constant 288 : i32
      %mul3A_75 = arith.muli %add3A_73, %mul3A_74 : i32
      %dma_wait3A_76 = tpu.memref_slice %arg8[%mul3A_75] : memref<10368xi32, #tpu.memory_space<vmem>> -> memref<288xi32, #tpu.memory_space<vmem>>
      %dma_wait3A_77 = arith.constant 0 : i32
      %dma_wait3A_78 = arith.constant 0 : i32
      %dma_wait3A_79 = tpu.memref_slice %arg2[%dma_wait3A_77, %dma_wait3A_78] : memref<10240x80xf32, #tpu.memory_space<hbm>> -> memref<10240x80xf32, #tpu.memory_space<hbm>>
      tpu.wait_indirect_dma semaphore(%arg16 : memref<!tpu.dma_semaphore, #tpu.memory_space<semaphore_mem>>) src(%dma_wait3A_79 : memref<10240x80xf32, #tpu.memory_space<hbm>>) dst(%arg10 : memref<288x80xf32, #tpu.memory_space<vmem>>)
      %mul3A_80 = arith.constant 288 : i32
      %mul3A_81 = arith.muli %add3A_73, %mul3A_80 : i32
      %dma_wait3A_82 = tpu.memref_slice %arg9[%mul3A_81] : memref<10368xi32, #tpu.memory_space<vmem>> -> memref<288xi32, #tpu.memory_space<vmem>>
      %dma_wait3A_83 = arith.constant 0 : i32
      %dma_wait3A_84 = arith.constant 0 : i32
      %dma_wait3A_85 = tpu.memref_slice %arg3[%dma_wait3A_83, %dma_wait3A_84] : memref<10240x16xf32, #tpu.memory_space<hbm>> -> memref<10240x16xf32, #tpu.memory_space<hbm>>
      tpu.wait_indirect_dma semaphore(%arg16 : memref<!tpu.dma_semaphore, #tpu.memory_space<semaphore_mem>>) src(%dma_wait3A_85 : memref<10240x16xf32, #tpu.memory_space<hbm>>) dst(%arg12 : memref<288x16xf32, #tpu.memory_space<vmem>>)
      %parallel_loop3A_86 = arith.constant 0 : i32
      %parallel_loop3A_87 = arith.constant 288 : i32
      %parallel_loop3A_88 = arith.constant 1 : i32
      scf.for %parallel_loop3A_139 = %parallel_loop3A_86 to %parallel_loop3A_87 step %parallel_loop3A_88  : i32 {
        %parallel_loop3A_140 = arith.index_cast %parallel_loop3A_139 : i32 to index
        %parallel_loop3A_141 = arith.constant 64 : index
        %parallel_loop3A_142 = tpu.vector_load %arg10[%parallel_loop3A_140, %parallel_loop3A_141] {strides = array<i32>} : memref<288x80xf32, #tpu.memory_space<vmem>>, vector<1x16xf32>,
        %parallel_loop3A_143 = vector.shape_cast %parallel_loop3A_142 : vector<1x16xf32> to vector<16xf32>
        %parallel_loop3A_144 = arith.index_cast %parallel_loop3A_139 : i32 to index
        %parallel_loop3A_145 = arith.constant 0 : index
        %parallel_loop3A_146 = tpu.vector_load %arg12[%parallel_loop3A_144, %parallel_loop3A_145] {strides = array<i32>} : memref<288x16xf32, #tpu.memory_space<vmem>>, vector<1x16xf32>,
        %parallel_loop3A_147 = vector.shape_cast %parallel_loop3A_146 : vector<1x16xf32> to vector<16xf32>
        %parallel_loop3A_148 = arith.addf %parallel_loop3A_143, %parallel_loop3A_147 : vector<16xf32>
        %parallel_loop3A_149 = arith.constant 2.000000e-01 : f32
        %parallel_loop3A_150 = vector.broadcast %parallel_loop3A_149 : f32 to vector<16xf32>
        %parallel_loop3A_151 = arith.mulf %parallel_loop3A_150, %parallel_loop3A_148 : vector<16xf32>
        %parallel_loop3A_152 = arith.maximumf %parallel_loop3A_148, %parallel_loop3A_151 : vector<16xf32>
        %parallel_loop3A_153 = arith.subf %parallel_loop3A_152, %get3A_21 : vector<16xf32>
        %parallel_loop3A_154 = math.exp %parallel_loop3A_153 : vector<16xf32>
        %parallel_loop3A_155 = arith.constant 3 : i32
        %parallel_loop3A_156 = vector.broadcast %parallel_loop3A_155 : i32 to vector<16xi32>
        %parallel_loop3A_157 = arith.shrsi %iota3A, %parallel_loop3A_156 : vector<16xi32>
        %parallel_loop3A_158 = arith.constant 0 : i32
        %parallel_loop3A_159 = vector.broadcast %parallel_loop3A_158 : i32 to vector<16xi32>
        %parallel_loop3A_160 = arith.addi %parallel_loop3A_157, %parallel_loop3A_159 : vector<16xi32>
        %parallel_loop3A_161 = vector.shape_cast %parallel_loop3A_160 : vector<16xi32> to vector<16x1xi32>
        %parallel_loop3A_162 = vector.shape_cast %parallel_loop3A_161 : vector<16x1xi32> to vector<16xi32>
        %parallel_loop3A_163 = tpu.dynamic_gather %parallel_loop3A_154[%parallel_loop3A_162] in [0] : vector<16xf32>, vector<16xi32> -> vector<16xf32>
        %parallel_loop3A_164 = arith.index_cast %parallel_loop3A_139 : i32 to index
        %parallel_loop3A_165 = arith.constant 0 : index
        %parallel_loop3A_166 = tpu.vector_load %arg10[%parallel_loop3A_164, %parallel_loop3A_165] {strides = array<i32>} : memref<288x80xf32, #tpu.memory_space<vmem>>, vector<1x16xf32>,
        %parallel_loop3A_167 = vector.shape_cast %parallel_loop3A_166 : vector<1x16xf32> to vector<16xf32>
        %parallel_loop3A_168 = arith.mulf %parallel_loop3A_167, %parallel_loop3A_163 : vector<16xf32>
        %parallel_loop3A_169 = arith.index_cast %parallel_loop3A_139 : i32 to index
        %parallel_loop3A_170 = arith.constant 0 : index
        %parallel_loop3A_171 = tpu.vector_load %arg10[%parallel_loop3A_169, %parallel_loop3A_170] {strides = array<i32>} : memref<288x80xf32, #tpu.memory_space<vmem>>, vector<1x16xf32>,
        %parallel_loop3A_172 = vector.shape_cast %parallel_loop3A_171 : vector<1x16xf32> to vector<16xf32>
        %parallel_loop3A_173 = vector.shape_cast %parallel_loop3A_168 : vector<16xf32> to vector<1x16xf32>
        tpu.vector_store %arg10[%parallel_loop3A_169, %parallel_loop3A_170], %parallel_loop3A_173 {strides = array<i32>} : memref<288x80xf32, #tpu.memory_space<vmem>>, vector<1x16xf32>,
        %parallel_loop3A_174 = arith.constant 2 : i32
        %parallel_loop3A_175 = vector.broadcast %parallel_loop3A_174 : i32 to vector<16xi32>
        %parallel_loop3A_176 = arith.addi %parallel_loop3A_157, %parallel_loop3A_175 : vector<16xi32>
        %parallel_loop3A_177 = vector.shape_cast %parallel_loop3A_176 : vector<16xi32> to vector<16x1xi32>
        %parallel_loop3A_178 = vector.shape_cast %parallel_loop3A_177 : vector<16x1xi32> to vector<16xi32>
        %parallel_loop3A_179 = tpu.dynamic_gather %parallel_loop3A_154[%parallel_loop3A_178] in [0] : vector<16xf32>, vector<16xi32> -> vector<16xf32>
        %parallel_loop3A_180 = arith.index_cast %parallel_loop3A_139 : i32 to index
        %parallel_loop3A_181 = arith.constant 16 : index
        %parallel_loop3A_182 = tpu.vector_load %arg10[%parallel_loop3A_180, %parallel_loop3A_181] {strides = array<i32>} : memref<288x80xf32, #tpu.memory_space<vmem>>, vector<1x16xf32>,
        %parallel_loop3A_183 = vector.shape_cast %parallel_loop3A_182 : vector<1x16xf32> to vector<16xf32>
        %parallel_loop3A_184 = arith.mulf %parallel_loop3A_183, %parallel_loop3A_179 : vector<16xf32>
        %parallel_loop3A_185 = arith.index_cast %parallel_loop3A_139 : i32 to index
        %parallel_loop3A_186 = arith.constant 16 : index
        %parallel_loop3A_187 = tpu.vector_load %arg10[%parallel_loop3A_185, %parallel_loop3A_186] {strides = array<i32>} : memref<288x80xf32, #tpu.memory_space<vmem>>, vector<1x16xf32>,
        %parallel_loop3A_188 = vector.shape_cast %parallel_loop3A_187 : vector<1x16xf32> to vector<16xf32>
        %parallel_loop3A_189 = vector.shape_cast %parallel_loop3A_184 : vector<16xf32> to vector<1x16xf32>
        tpu.vector_store %arg10[%parallel_loop3A_185, %parallel_loop3A_186], %parallel_loop3A_189 {strides = array<i32>} : memref<288x80xf32, #tpu.memory_space<vmem>>, vector<1x16xf32>,
        %parallel_loop3A_190 = arith.constant 4 : i32
        %parallel_loop3A_191 = vector.broadcast %parallel_loop3A_190 : i32 to vector<16xi32>
        %parallel_loop3A_192 = arith.addi %parallel_loop3A_157, %parallel_loop3A_191 : vector<16xi32>
        %parallel_loop3A_193 = vector.shape_cast %parallel_loop3A_192 : vector<16xi32> to vector<16x1xi32>
        %parallel_loop3A_194 = vector.shape_cast %parallel_loop3A_193 : vector<16x1xi32> to vector<16xi32>
        %parallel_loop3A_195 = tpu.dynamic_gather %parallel_loop3A_154[%parallel_loop3A_194] in [0] : vector<16xf32>, vector<16xi32> -> vector<16xf32>
        %parallel_loop3A_196 = arith.index_cast %parallel_loop3A_139 : i32 to index
        %parallel_loop3A_197 = arith.constant 32 : index
        %parallel_loop3A_198 = tpu.vector_load %arg10[%parallel_loop3A_196, %parallel_loop3A_197] {strides = array<i32>} : memref<288x80xf32, #tpu.memory_space<vmem>>, vector<1x16xf32>,
        %parallel_loop3A_199 = vector.shape_cast %parallel_loop3A_198 : vector<1x16xf32> to vector<16xf32>
        %parallel_loop3A_200 = arith.mulf %parallel_loop3A_199, %parallel_loop3A_195 : vector<16xf32>
        %parallel_loop3A_201 = arith.index_cast %parallel_loop3A_139 : i32 to index
        %parallel_loop3A_202 = arith.constant 32 : index
        %parallel_loop3A_203 = tpu.vector_load %arg10[%parallel_loop3A_201, %parallel_loop3A_202] {strides = array<i32>} : memref<288x80xf32, #tpu.memory_space<vmem>>, vector<1x16xf32>,
        %parallel_loop3A_204 = vector.shape_cast %parallel_loop3A_203 : vector<1x16xf32> to vector<16xf32>
        %parallel_loop3A_205 = vector.shape_cast %parallel_loop3A_200 : vector<16xf32> to vector<1x16xf32>
        tpu.vector_store %arg10[%parallel_loop3A_201, %parallel_loop3A_202], %parallel_loop3A_205 {strides = array<i32>} : memref<288x80xf32, #tpu.memory_space<vmem>>, vector<1x16xf32>,
        %parallel_loop3A_206 = arith.constant 6 : i32
        %parallel_loop3A_207 = vector.broadcast %parallel_loop3A_206 : i32 to vector<16xi32>
        %parallel_loop3A_208 = arith.addi %parallel_loop3A_157, %parallel_loop3A_207 : vector<16xi32>
        %parallel_loop3A_209 = vector.shape_cast %parallel_loop3A_208 : vector<16xi32> to vector<16x1xi32>
        %parallel_loop3A_210 = vector.shape_cast %parallel_loop3A_209 : vector<16x1xi32> to vector<16xi32>
        %parallel_loop3A_211 = tpu.dynamic_gather %parallel_loop3A_154[%parallel_loop3A_210] in [0] : vector<16xf32>, vector<16xi32> -> vector<16xf32>
        %parallel_loop3A_212 = arith.index_cast %parallel_loop3A_139 : i32 to index
        %parallel_loop3A_213 = arith.constant 48 : index
        %parallel_loop3A_214 = tpu.vector_load %arg10[%parallel_loop3A_212, %parallel_loop3A_213] {strides = array<i32>} : memref<288x80xf32, #tpu.memory_space<vmem>>, vector<1x16xf32>,
        %parallel_loop3A_215 = vector.shape_cast %parallel_loop3A_214 : vector<1x16xf32> to vector<16xf32>
        %parallel_loop3A_216 = arith.mulf %parallel_loop3A_215, %parallel_loop3A_211 : vector<16xf32>
        %parallel_loop3A_217 = arith.index_cast %parallel_loop3A_139 : i32 to index
        %parallel_loop3A_218 = arith.constant 48 : index
        %parallel_loop3A_219 = tpu.vector_load %arg10[%parallel_loop3A_217, %parallel_loop3A_218] {strides = array<i32>} : memref<288x80xf32, #tpu.memory_space<vmem>>, vector<1x16xf32>,
        %parallel_loop3A_220 = vector.shape_cast %parallel_loop3A_219 : vector<1x16xf32> to vector<16xf32>
        %parallel_loop3A_221 = vector.shape_cast %parallel_loop3A_216 : vector<16xf32> to vector<1x16xf32>
        tpu.vector_store %arg10[%parallel_loop3A_217, %parallel_loop3A_218], %parallel_loop3A_221 {strides = array<i32>} : memref<288x80xf32, #tpu.memory_space<vmem>>, vector<1x16xf32>,
        %parallel_loop3A_222 = arith.index_cast %parallel_loop3A_139 : i32 to index
        %parallel_loop3A_223 = arith.constant 64 : index
        %parallel_loop3A_224 = tpu.vector_load %arg10[%parallel_loop3A_222, %parallel_loop3A_223] {strides = array<i32>} : memref<288x80xf32, #tpu.memory_space<vmem>>, vector<1x16xf32>,
        %parallel_loop3A_225 = vector.shape_cast %parallel_loop3A_224 : vector<1x16xf32> to vector<16xf32>
        %parallel_loop3A_226 = vector.shape_cast %parallel_loop3A_154 : vector<16xf32> to vector<1x16xf32>
        tpu.vector_store %arg10[%parallel_loop3A_222, %parallel_loop3A_223], %parallel_loop3A_226 {strides = array<i32>} : memref<288x80xf32, #tpu.memory_space<vmem>>, vector<1x16xf32>,
      } {sc.loop_unroll_factor = 2 : i64, sc.parallel_access}
      %ge3A = arith.constant 1 : i32
      %ge3A_89 = arith.cmpi sge, %add3A_73, %ge3A : i32
      %convert_element_type3A = arith.extui %ge3A_89 : i1 to i32
      %cond3A = arith.constant 0 : i32
      %cond3A_90 = arith.cmpi ne, %convert_element_type3A, %cond3A : i32
      scf.if %cond3A_90 {
        %sub3A_139 = arith.constant 1 : i32
        %sub3A_140 = arith.subi %add3A_73, %sub3A_139 : i32
        %mul3A_141 = arith.constant 288 : i32
        %mul3A_142 = arith.muli %sub3A_140, %mul3A_141 : i32
        %dma_wait3A_143 = tpu.memref_slice %arg9[%mul3A_142] : memref<10368xi32, #tpu.memory_space<vmem>> -> memref<288xi32, #tpu.memory_space<vmem>>
        %dma_wait3A_144 = arith.constant 0 : i32
        %dma_wait3A_145 = arith.constant 0 : i32
        %dma_wait3A_146 = tpu.memref_slice %arg15[%dma_wait3A_144, %dma_wait3A_145] : memref<10240x80xf32, #tpu.memory_space<vmem_shared>> -> memref<10240x80xf32, #tpu.memory_space<vmem_shared>>
        tpu.wait_indirect_dma semaphore(%arg19 : memref<!tpu.dma_semaphore, #tpu.memory_space<semaphore_mem>>) src(%arg11 : memref<288x80xf32, #tpu.memory_space<vmem>>) dst(%dma_wait3A_146 : memref<10240x80xf32, #tpu.memory_space<vmem_shared>>)
      } else {
      }
      %add3A_91 = arith.constant 1 : i32
      %add3A_92 = arith.addi %add3A_73, %add3A_91 : i32
      %lt3A = arith.cmpi slt, %add3A_92, %select_n3A : i32
      %convert_element_type3A_93 = arith.extui %lt3A : i1 to i32
      %cond3A_94 = arith.constant 0 : i32
      %cond3A_95 = arith.cmpi ne, %convert_element_type3A_93, %cond3A_94 : i32
      scf.if %cond3A_95 {
        %add3A_139 = arith.constant 1 : i32
        %add3A_140 = arith.addi %add3A_73, %add3A_139 : i32
        %mul3A_141 = arith.constant 288 : i32
        %mul3A_142 = arith.muli %add3A_140, %mul3A_141 : i32
        %dma_start3A_143 = tpu.memref_slice %arg8[%mul3A_142] : memref<10368xi32, #tpu.memory_space<vmem>> -> memref<288xi32, #tpu.memory_space<vmem>>
        %dma_start3A_144 = arith.constant 0 : i32
        %dma_start3A_145 = arith.constant 0 : i32
        %dma_start3A_146 = tpu.memref_slice %arg2[%dma_start3A_144, %dma_start3A_145] : memref<10240x80xf32, #tpu.memory_space<hbm>> -> memref<10240x80xf32, #tpu.memory_space<hbm>>
        tpu.enqueue_indirect_dma source(%dma_start3A_146 : memref<10240x80xf32, #tpu.memory_space<hbm>>) target(%arg11 : memref<288x80xf32, #tpu.memory_space<vmem>>) offsets(%dma_start3A_143 : memref<288xi32, #tpu.memory_space<vmem>>) semaphore(%arg17 : memref<!tpu.dma_semaphore, #tpu.memory_space<semaphore_mem>>)
        %mul3A_147 = arith.constant 288 : i32
        %mul3A_148 = arith.muli %add3A_140, %mul3A_147 : i32
        %dma_start3A_149 = tpu.memref_slice %arg9[%mul3A_148] : memref<10368xi32, #tpu.memory_space<vmem>> -> memref<288xi32, #tpu.memory_space<vmem>>
        %dma_start3A_150 = arith.constant 0 : i32
        %dma_start3A_151 = arith.constant 0 : i32
        %dma_start3A_152 = tpu.memref_slice %arg3[%dma_start3A_150, %dma_start3A_151] : memref<10240x16xf32, #tpu.memory_space<hbm>> -> memref<10240x16xf32, #tpu.memory_space<hbm>>
        tpu.enqueue_indirect_dma source(%dma_start3A_152 : memref<10240x16xf32, #tpu.memory_space<hbm>>) target(%arg13 : memref<288x16xf32, #tpu.memory_space<vmem>>) offsets(%dma_start3A_149 : memref<288xi32, #tpu.memory_space<vmem>>) semaphore(%arg17 : memref<!tpu.dma_semaphore, #tpu.memory_space<semaphore_mem>>)
      } else {
      }
      %mul3A_96 = arith.constant 288 : i32
      %mul3A_97 = arith.muli %add3A_73, %mul3A_96 : i32
      %dma_start3A_98 = tpu.memref_slice %arg9[%mul3A_97] : memref<10368xi32, #tpu.memory_space<vmem>> -> memref<288xi32, #tpu.memory_space<vmem>>
      %dma_start3A_99 = arith.constant 0 : i32
      %dma_start3A_100 = arith.constant 0 : i32
      %dma_start3A_101 = tpu.memref_slice %arg15[%dma_start3A_99, %dma_start3A_100] : memref<10240x80xf32, #tpu.memory_space<vmem_shared>> -> memref<10240x80xf32, #tpu.memory_space<vmem_shared>>
      tpu.enqueue_indirect_dma source(%arg10 : memref<288x80xf32, #tpu.memory_space<vmem>>) target(%dma_start3A_101 : memref<10240x80xf32, #tpu.memory_space<vmem_shared>>) offsets(%dma_start3A_98 : memref<288xi32, #tpu.memory_space<vmem>>) semaphore(%arg18 : memref<!tpu.dma_semaphore, #tpu.memory_space<semaphore_mem>>) {add = true}
      %mul3A_102 = arith.constant 2 : i32
      %mul3A_103 = arith.muli %mul3A_102, %while3A_68 : i32
      %add3A_104 = arith.constant 1 : i32
      %add3A_105 = arith.addi %mul3A_103, %add3A_104 : i32
      %mul3A_106 = arith.constant 288 : i32
      %mul3A_107 = arith.muli %add3A_105, %mul3A_106 : i32
      %dma_wait3A_108 = tpu.memref_slice %arg8[%mul3A_107] : memref<10368xi32, #tpu.memory_space<vmem>> -> memref<288xi32, #tpu.memory_space<vmem>>
      %dma_wait3A_109 = arith.constant 0 : i32
      %dma_wait3A_110 = arith.constant 0 : i32
      %dma_wait3A_111 = tpu.memref_slice %arg2[%dma_wait3A_109, %dma_wait3A_110] : memref<10240x80xf32, #tpu.memory_space<hbm>> -> memref<10240x80xf32, #tpu.memory_space<hbm>>
      tpu.wait_indirect_dma semaphore(%arg17 : memref<!tpu.dma_semaphore, #tpu.memory_space<semaphore_mem>>) src(%dma_wait3A_111 : memref<10240x80xf32, #tpu.memory_space<hbm>>) dst(%arg11 : memref<288x80xf32, #tpu.memory_space<vmem>>)
      %mul3A_112 = arith.constant 288 : i32
      %mul3A_113 = arith.muli %add3A_105, %mul3A_112 : i32
      %dma_wait3A_114 = tpu.memref_slice %arg9[%mul3A_113] : memref<10368xi32, #tpu.memory_space<vmem>> -> memref<288xi32, #tpu.memory_space<vmem>>
      %dma_wait3A_115 = arith.constant 0 : i32
      %dma_wait3A_116 = arith.constant 0 : i32
      %dma_wait3A_117 = tpu.memref_slice %arg3[%dma_wait3A_115, %dma_wait3A_116] : memref<10240x16xf32, #tpu.memory_space<hbm>> -> memref<10240x16xf32, #tpu.memory_space<hbm>>
      tpu.wait_indirect_dma semaphore(%arg17 : memref<!tpu.dma_semaphore, #tpu.memory_space<semaphore_mem>>) src(%dma_wait3A_117 : memref<10240x16xf32, #tpu.memory_space<hbm>>) dst(%arg13 : memref<288x16xf32, #tpu.memory_space<vmem>>)
      %parallel_loop3A_118 = arith.constant 0 : i32
      %parallel_loop3A_119 = arith.constant 288 : i32
      %parallel_loop3A_120 = arith.constant 1 : i32
      scf.for %parallel_loop3A_139 = %parallel_loop3A_118 to %parallel_loop3A_119 step %parallel_loop3A_120  : i32 {
        %parallel_loop3A_140 = arith.index_cast %parallel_loop3A_139 : i32 to index
        %parallel_loop3A_141 = arith.constant 64 : index
        %parallel_loop3A_142 = tpu.vector_load %arg11[%parallel_loop3A_140, %parallel_loop3A_141] {strides = array<i32>} : memref<288x80xf32, #tpu.memory_space<vmem>>, vector<1x16xf32>,
        %parallel_loop3A_143 = vector.shape_cast %parallel_loop3A_142 : vector<1x16xf32> to vector<16xf32>
        %parallel_loop3A_144 = arith.index_cast %parallel_loop3A_139 : i32 to index
        %parallel_loop3A_145 = arith.constant 0 : index
        %parallel_loop3A_146 = tpu.vector_load %arg13[%parallel_loop3A_144, %parallel_loop3A_145] {strides = array<i32>} : memref<288x16xf32, #tpu.memory_space<vmem>>, vector<1x16xf32>,
        %parallel_loop3A_147 = vector.shape_cast %parallel_loop3A_146 : vector<1x16xf32> to vector<16xf32>
        %parallel_loop3A_148 = arith.addf %parallel_loop3A_143, %parallel_loop3A_147 : vector<16xf32>
        %parallel_loop3A_149 = arith.constant 2.000000e-01 : f32
        %parallel_loop3A_150 = vector.broadcast %parallel_loop3A_149 : f32 to vector<16xf32>
        %parallel_loop3A_151 = arith.mulf %parallel_loop3A_150, %parallel_loop3A_148 : vector<16xf32>
        %parallel_loop3A_152 = arith.maximumf %parallel_loop3A_148, %parallel_loop3A_151 : vector<16xf32>
        %parallel_loop3A_153 = arith.subf %parallel_loop3A_152, %get3A_21 : vector<16xf32>
        %parallel_loop3A_154 = math.exp %parallel_loop3A_153 : vector<16xf32>
        %parallel_loop3A_155 = arith.constant 3 : i32
        %parallel_loop3A_156 = vector.broadcast %parallel_loop3A_155 : i32 to vector<16xi32>
        %parallel_loop3A_157 = arith.shrsi %iota3A, %parallel_loop3A_156 : vector<16xi32>
        %parallel_loop3A_158 = arith.constant 0 : i32
        %parallel_loop3A_159 = vector.broadcast %parallel_loop3A_158 : i32 to vector<16xi32>
        %parallel_loop3A_160 = arith.addi %parallel_loop3A_157, %parallel_loop3A_159 : vector<16xi32>
        %parallel_loop3A_161 = vector.shape_cast %parallel_loop3A_160 : vector<16xi32> to vector<16x1xi32>
        %parallel_loop3A_162 = vector.shape_cast %parallel_loop3A_161 : vector<16x1xi32> to vector<16xi32>
        %parallel_loop3A_163 = tpu.dynamic_gather %parallel_loop3A_154[%parallel_loop3A_162] in [0] : vector<16xf32>, vector<16xi32> -> vector<16xf32>
        %parallel_loop3A_164 = arith.index_cast %parallel_loop3A_139 : i32 to index
        %parallel_loop3A_165 = arith.constant 0 : index
        %parallel_loop3A_166 = tpu.vector_load %arg11[%parallel_loop3A_164, %parallel_loop3A_165] {strides = array<i32>} : memref<288x80xf32, #tpu.memory_space<vmem>>, vector<1x16xf32>,
        %parallel_loop3A_167 = vector.shape_cast %parallel_loop3A_166 : vector<1x16xf32> to vector<16xf32>
        %parallel_loop3A_168 = arith.mulf %parallel_loop3A_167, %parallel_loop3A_163 : vector<16xf32>
        %parallel_loop3A_169 = arith.index_cast %parallel_loop3A_139 : i32 to index
        %parallel_loop3A_170 = arith.constant 0 : index
        %parallel_loop3A_171 = tpu.vector_load %arg11[%parallel_loop3A_169, %parallel_loop3A_170] {strides = array<i32>} : memref<288x80xf32, #tpu.memory_space<vmem>>, vector<1x16xf32>,
        %parallel_loop3A_172 = vector.shape_cast %parallel_loop3A_171 : vector<1x16xf32> to vector<16xf32>
        %parallel_loop3A_173 = vector.shape_cast %parallel_loop3A_168 : vector<16xf32> to vector<1x16xf32>
        tpu.vector_store %arg11[%parallel_loop3A_169, %parallel_loop3A_170], %parallel_loop3A_173 {strides = array<i32>} : memref<288x80xf32, #tpu.memory_space<vmem>>, vector<1x16xf32>,
        %parallel_loop3A_174 = arith.constant 2 : i32
        %parallel_loop3A_175 = vector.broadcast %parallel_loop3A_174 : i32 to vector<16xi32>
        %parallel_loop3A_176 = arith.addi %parallel_loop3A_157, %parallel_loop3A_175 : vector<16xi32>
        %parallel_loop3A_177 = vector.shape_cast %parallel_loop3A_176 : vector<16xi32> to vector<16x1xi32>
        %parallel_loop3A_178 = vector.shape_cast %parallel_loop3A_177 : vector<16x1xi32> to vector<16xi32>
        %parallel_loop3A_179 = tpu.dynamic_gather %parallel_loop3A_154[%parallel_loop3A_178] in [0] : vector<16xf32>, vector<16xi32> -> vector<16xf32>
        %parallel_loop3A_180 = arith.index_cast %parallel_loop3A_139 : i32 to index
        %parallel_loop3A_181 = arith.constant 16 : index
        %parallel_loop3A_182 = tpu.vector_load %arg11[%parallel_loop3A_180, %parallel_loop3A_181] {strides = array<i32>} : memref<288x80xf32, #tpu.memory_space<vmem>>, vector<1x16xf32>,
        %parallel_loop3A_183 = vector.shape_cast %parallel_loop3A_182 : vector<1x16xf32> to vector<16xf32>
        %parallel_loop3A_184 = arith.mulf %parallel_loop3A_183, %parallel_loop3A_179 : vector<16xf32>
        %parallel_loop3A_185 = arith.index_cast %parallel_loop3A_139 : i32 to index
        %parallel_loop3A_186 = arith.constant 16 : index
        %parallel_loop3A_187 = tpu.vector_load %arg11[%parallel_loop3A_185, %parallel_loop3A_186] {strides = array<i32>} : memref<288x80xf32, #tpu.memory_space<vmem>>, vector<1x16xf32>,
        %parallel_loop3A_188 = vector.shape_cast %parallel_loop3A_187 : vector<1x16xf32> to vector<16xf32>
        %parallel_loop3A_189 = vector.shape_cast %parallel_loop3A_184 : vector<16xf32> to vector<1x16xf32>
        tpu.vector_store %arg11[%parallel_loop3A_185, %parallel_loop3A_186], %parallel_loop3A_189 {strides = array<i32>} : memref<288x80xf32, #tpu.memory_space<vmem>>, vector<1x16xf32>,
        %parallel_loop3A_190 = arith.constant 4 : i32
        %parallel_loop3A_191 = vector.broadcast %parallel_loop3A_190 : i32 to vector<16xi32>
        %parallel_loop3A_192 = arith.addi %parallel_loop3A_157, %parallel_loop3A_191 : vector<16xi32>
        %parallel_loop3A_193 = vector.shape_cast %parallel_loop3A_192 : vector<16xi32> to vector<16x1xi32>
        %parallel_loop3A_194 = vector.shape_cast %parallel_loop3A_193 : vector<16x1xi32> to vector<16xi32>
        %parallel_loop3A_195 = tpu.dynamic_gather %parallel_loop3A_154[%parallel_loop3A_194] in [0] : vector<16xf32>, vector<16xi32> -> vector<16xf32>
        %parallel_loop3A_196 = arith.index_cast %parallel_loop3A_139 : i32 to index
        %parallel_loop3A_197 = arith.constant 32 : index
        %parallel_loop3A_198 = tpu.vector_load %arg11[%parallel_loop3A_196, %parallel_loop3A_197] {strides = array<i32>} : memref<288x80xf32, #tpu.memory_space<vmem>>, vector<1x16xf32>,
        %parallel_loop3A_199 = vector.shape_cast %parallel_loop3A_198 : vector<1x16xf32> to vector<16xf32>
        %parallel_loop3A_200 = arith.mulf %parallel_loop3A_199, %parallel_loop3A_195 : vector<16xf32>
        %parallel_loop3A_201 = arith.index_cast %parallel_loop3A_139 : i32 to index
        %parallel_loop3A_202 = arith.constant 32 : index
        %parallel_loop3A_203 = tpu.vector_load %arg11[%parallel_loop3A_201, %parallel_loop3A_202] {strides = array<i32>} : memref<288x80xf32, #tpu.memory_space<vmem>>, vector<1x16xf32>,
        %parallel_loop3A_204 = vector.shape_cast %parallel_loop3A_203 : vector<1x16xf32> to vector<16xf32>
        %parallel_loop3A_205 = vector.shape_cast %parallel_loop3A_200 : vector<16xf32> to vector<1x16xf32>
        tpu.vector_store %arg11[%parallel_loop3A_201, %parallel_loop3A_202], %parallel_loop3A_205 {strides = array<i32>} : memref<288x80xf32, #tpu.memory_space<vmem>>, vector<1x16xf32>,
        %parallel_loop3A_206 = arith.constant 6 : i32
        %parallel_loop3A_207 = vector.broadcast %parallel_loop3A_206 : i32 to vector<16xi32>
        %parallel_loop3A_208 = arith.addi %parallel_loop3A_157, %parallel_loop3A_207 : vector<16xi32>
        %parallel_loop3A_209 = vector.shape_cast %parallel_loop3A_208 : vector<16xi32> to vector<16x1xi32>
        %parallel_loop3A_210 = vector.shape_cast %parallel_loop3A_209 : vector<16x1xi32> to vector<16xi32>
        %parallel_loop3A_211 = tpu.dynamic_gather %parallel_loop3A_154[%parallel_loop3A_210] in [0] : vector<16xf32>, vector<16xi32> -> vector<16xf32>
        %parallel_loop3A_212 = arith.index_cast %parallel_loop3A_139 : i32 to index
        %parallel_loop3A_213 = arith.constant 48 : index
        %parallel_loop3A_214 = tpu.vector_load %arg11[%parallel_loop3A_212, %parallel_loop3A_213] {strides = array<i32>} : memref<288x80xf32, #tpu.memory_space<vmem>>, vector<1x16xf32>,
        %parallel_loop3A_215 = vector.shape_cast %parallel_loop3A_214 : vector<1x16xf32> to vector<16xf32>
        %parallel_loop3A_216 = arith.mulf %parallel_loop3A_215, %parallel_loop3A_211 : vector<16xf32>
        %parallel_loop3A_217 = arith.index_cast %parallel_loop3A_139 : i32 to index
        %parallel_loop3A_218 = arith.constant 48 : index
        %parallel_loop3A_219 = tpu.vector_load %arg11[%parallel_loop3A_217, %parallel_loop3A_218] {strides = array<i32>} : memref<288x80xf32, #tpu.memory_space<vmem>>, vector<1x16xf32>,
        %parallel_loop3A_220 = vector.shape_cast %parallel_loop3A_219 : vector<1x16xf32> to vector<16xf32>
        %parallel_loop3A_221 = vector.shape_cast %parallel_loop3A_216 : vector<16xf32> to vector<1x16xf32>
        tpu.vector_store %arg11[%parallel_loop3A_217, %parallel_loop3A_218], %parallel_loop3A_221 {strides = array<i32>} : memref<288x80xf32, #tpu.memory_space<vmem>>, vector<1x16xf32>,
        %parallel_loop3A_222 = arith.index_cast %parallel_loop3A_139 : i32 to index
        %parallel_loop3A_223 = arith.constant 64 : index
        %parallel_loop3A_224 = tpu.vector_load %arg11[%parallel_loop3A_222, %parallel_loop3A_223] {strides = array<i32>} : memref<288x80xf32, #tpu.memory_space<vmem>>, vector<1x16xf32>,
        %parallel_loop3A_225 = vector.shape_cast %parallel_loop3A_224 : vector<1x16xf32> to vector<16xf32>
        %parallel_loop3A_226 = vector.shape_cast %parallel_loop3A_154 : vector<16xf32> to vector<1x16xf32>
        tpu.vector_store %arg11[%parallel_loop3A_222, %parallel_loop3A_223], %parallel_loop3A_226 {strides = array<i32>} : memref<288x80xf32, #tpu.memory_space<vmem>>, vector<1x16xf32>,
      } {sc.loop_unroll_factor = 2 : i64, sc.parallel_access}
      %ge3A_121 = arith.constant 1 : i32
      %ge3A_122 = arith.cmpi sge, %add3A_105, %ge3A_121 : i32
      %convert_element_type3A_123 = arith.extui %ge3A_122 : i1 to i32
      %cond3A_124 = arith.constant 0 : i32
      %cond3A_125 = arith.cmpi ne, %convert_element_type3A_123, %cond3A_124 : i32
      scf.if %cond3A_125 {
        %sub3A_139 = arith.constant 1 : i32
        %sub3A_140 = arith.subi %add3A_105, %sub3A_139 : i32
        %mul3A_141 = arith.constant 288 : i32
        %mul3A_142 = arith.muli %sub3A_140, %mul3A_141 : i32
        %dma_wait3A_143 = tpu.memref_slice %arg9[%mul3A_142] : memref<10368xi32, #tpu.memory_space<vmem>> -> memref<288xi32, #tpu.memory_space<vmem>>
        %dma_wait3A_144 = arith.constant 0 : i32
        %dma_wait3A_145 = arith.constant 0 : i32
        %dma_wait3A_146 = tpu.memref_slice %arg15[%dma_wait3A_144, %dma_wait3A_145] : memref<10240x80xf32, #tpu.memory_space<vmem_shared>> -> memref<10240x80xf32, #tpu.memory_space<vmem_shared>>
        tpu.wait_indirect_dma semaphore(%arg18 : memref<!tpu.dma_semaphore, #tpu.memory_space<semaphore_mem>>) src(%arg10 : memref<288x80xf32, #tpu.memory_space<vmem>>) dst(%dma_wait3A_146 : memref<10240x80xf32, #tpu.memory_space<vmem_shared>>)
      } else {
      }
      %add3A_126 = arith.constant 1 : i32
      %add3A_127 = arith.addi %add3A_105, %add3A_126 : i32
      %lt3A_128 = arith.cmpi slt, %add3A_127, %select_n3A : i32
      %convert_element_type3A_129 = arith.extui %lt3A_128 : i1 to i32
      %cond3A_130 = arith.constant 0 : i32
      %cond3A_131 = arith.cmpi ne, %convert_element_type3A_129, %cond3A_130 : i32
      scf.if %cond3A_131 {
        %add3A_139 = arith.constant 1 : i32
        %add3A_140 = arith.addi %add3A_105, %add3A_139 : i32
        %mul3A_141 = arith.constant 288 : i32
        %mul3A_142 = arith.muli %add3A_140, %mul3A_141 : i32
        %dma_start3A_143 = tpu.memref_slice %arg8[%mul3A_142] : memref<10368xi32, #tpu.memory_space<vmem>> -> memref<288xi32, #tpu.memory_space<vmem>>
        %dma_start3A_144 = arith.constant 0 : i32
        %dma_start3A_145 = arith.constant 0 : i32
        %dma_start3A_146 = tpu.memref_slice %arg2[%dma_start3A_144, %dma_start3A_145] : memref<10240x80xf32, #tpu.memory_space<hbm>> -> memref<10240x80xf32, #tpu.memory_space<hbm>>
        tpu.enqueue_indirect_dma source(%dma_start3A_146 : memref<10240x80xf32, #tpu.memory_space<hbm>>) target(%arg10 : memref<288x80xf32, #tpu.memory_space<vmem>>) offsets(%dma_start3A_143 : memref<288xi32, #tpu.memory_space<vmem>>) semaphore(%arg16 : memref<!tpu.dma_semaphore, #tpu.memory_space<semaphore_mem>>)
        %mul3A_147 = arith.constant 288 : i32
        %mul3A_148 = arith.muli %add3A_140, %mul3A_147 : i32
        %dma_start3A_149 = tpu.memref_slice %arg9[%mul3A_148] : memref<10368xi32, #tpu.memory_space<vmem>> -> memref<288xi32, #tpu.memory_space<vmem>>
        %dma_start3A_150 = arith.constant 0 : i32
        %dma_start3A_151 = arith.constant 0 : i32
        %dma_start3A_152 = tpu.memref_slice %arg3[%dma_start3A_150, %dma_start3A_151] : memref<10240x16xf32, #tpu.memory_space<hbm>> -> memref<10240x16xf32, #tpu.memory_space<hbm>>
        tpu.enqueue_indirect_dma source(%dma_start3A_152 : memref<10240x16xf32, #tpu.memory_space<hbm>>) target(%arg12 : memref<288x16xf32, #tpu.memory_space<vmem>>) offsets(%dma_start3A_149 : memref<288xi32, #tpu.memory_space<vmem>>) semaphore(%arg16 : memref<!tpu.dma_semaphore, #tpu.memory_space<semaphore_mem>>)
      } else {
      }
      %mul3A_132 = arith.constant 288 : i32
      %mul3A_133 = arith.muli %add3A_105, %mul3A_132 : i32
      %dma_start3A_134 = tpu.memref_slice %arg9[%mul3A_133] : memref<10368xi32, #tpu.memory_space<vmem>> -> memref<288xi32, #tpu.memory_space<vmem>>
      %dma_start3A_135 = arith.constant 0 : i32
      %dma_start3A_136 = arith.constant 0 : i32
      %dma_start3A_137 = tpu.memref_slice %arg15[%dma_start3A_135, %dma_start3A_136] : memref<10240x80xf32, #tpu.memory_space<vmem_shared>> -> memref<10240x80xf32, #tpu.memory_space<vmem_shared>>
      tpu.enqueue_indirect_dma source(%arg11 : memref<288x80xf32, #tpu.memory_space<vmem>>) target(%dma_start3A_137 : memref<10240x80xf32, #tpu.memory_space<vmem_shared>>) offsets(%dma_start3A_134 : memref<288xi32, #tpu.memory_space<vmem>>) semaphore(%arg19 : memref<!tpu.dma_semaphore, #tpu.memory_space<semaphore_mem>>) {add = true}
      %while3A_138 = arith.constant 0 : i32
      scf.yield %while3A_138 : i32
    }
    %sub3A_60 = arith.constant 1 : i32
    %sub3A_61 = arith.subi %select_n3A, %sub3A_60 : i32
    %mul3A_62 = arith.constant 288 : i32
    %mul3A_63 = arith.muli %sub3A_61, %mul3A_62 : i32
    %dma_wait3A = tpu.memref_slice %arg9[%mul3A_63] : memref<10368xi32, #tpu.memory_space<vmem>> -> memref<288xi32, #tpu.memory_space<vmem>>
    %dma_wait3A_64 = arith.constant 0 : i32
    %dma_wait3A_65 = arith.constant 0 : i32
    %dma_wait3A_66 = tpu.memref_slice %arg15[%dma_wait3A_64, %dma_wait3A_65] : memref<10240x80xf32, #tpu.memory_space<vmem_shared>> -> memref<10240x80xf32, #tpu.memory_space<vmem_shared>>
    tpu.wait_indirect_dma semaphore(%arg19 : memref<!tpu.dma_semaphore, #tpu.memory_space<semaphore_mem>>) src(%arg11 : memref<288x80xf32, #tpu.memory_space<vmem>>) dst(%dma_wait3A_66 : memref<10240x80xf32, #tpu.memory_space<vmem_shared>>)
    %barrier3A_67 = arith.constant 0 : index
    tpu.barrier barrier_id(%barrier3A_67)
    "tpu.region"() ({
      %run_scoped3A = tpu.sem_alloc : memref<!tpu.dma_semaphore, #tpu.memory_space<semaphore_mem>>
      %dma_start3A_68 = arith.constant 0 : i32
      %dma_start3A_69 = tpu.memref_slice %arg7[%arg0, %mul3A_13, %dma_start3A_68] : memref<2x10240x80xf32, #tpu.memory_space<hbm>> -> memref<1x640x80xf32, #tpu.memory_space<hbm>>
      %dma_start3A_70 = tpu.memref_squeeze %dma_start3A_69 : memref<1x640x80xf32, #tpu.memory_space<hbm>> -> memref<640x80xf32, #tpu.memory_space<hbm>>
      %dma_start3A_71 = arith.constant 0 : i32
      %dma_start3A_72 = tpu.memref_slice %arg15[%mul3A_13, %dma_start3A_71] : memref<10240x80xf32, #tpu.memory_space<vmem_shared>> -> memref<640x80xf32, #tpu.memory_space<vmem_shared>>
      tpu.enqueue_dma source(%dma_start3A_72 : memref<640x80xf32, #tpu.memory_space<vmem_shared>>) target(%dma_start3A_70 : memref<640x80xf32, #tpu.memory_space<hbm>>) target_semaphore(%run_scoped3A : memref<!tpu.dma_semaphore, #tpu.memory_space<semaphore_mem>>)
      %dma_wait3A_73 = arith.constant 0 : i32
      %dma_wait3A_74 = tpu.memref_slice %arg7[%arg0, %mul3A_13, %dma_wait3A_73] : memref<2x10240x80xf32, #tpu.memory_space<hbm>> -> memref<1x640x80xf32, #tpu.memory_space<hbm>>
      %dma_wait3A_75 = tpu.memref_squeeze %dma_wait3A_74 : memref<1x640x80xf32, #tpu.memory_space<hbm>> -> memref<640x80xf32, #tpu.memory_space<hbm>>
      %dma_wait3A_76 = arith.constant 0 : i32
      %dma_wait3A_77 = tpu.memref_slice %arg15[%mul3A_13, %dma_wait3A_76] : memref<10240x80xf32, #tpu.memory_space<vmem_shared>> -> memref<640x80xf32, #tpu.memory_space<vmem_shared>>
      tpu.wait_dma2 semaphore(%run_scoped3A : memref<!tpu.dma_semaphore, #tpu.memory_space<semaphore_mem>>) src(%dma_wait3A_77 : memref<640x80xf32, #tpu.memory_space<vmem_shared>>) dst(%dma_wait3A_75 : memref<640x80xf32, #tpu.memory_space<hbm>>)
      tpu.yield
    }) : () -> ()
    return
  }
}

module attributes {stable_mosaic.version = 14 : i64} {
  func.func @_prep1_body(%arg0: i32, %arg1: memref<2048x128xf32, #tpu.memory_space<vmem>>, %arg2: memref<128x64xf32, #tpu.memory_space<vmem>>, %arg3: memref<64x8xf32, #tpu.memory_space<vmem>>, %arg4: memref<64x8xf32, #tpu.memory_space<vmem>>, %arg5: memref<2048x80xf32, #tpu.memory_space<vmem>>, %arg6: memref<2048x16xf32, #tpu.memory_space<vmem>>, %arg7: memref<1x1x16xf32, #tpu.memory_space<vmem>>) attributes {dimension_semantics = [#tpu.dimension_semantics<arbitrary>], iteration_bounds = array<i64: 5>, scalar_prefetch = 0 : i64, scratch_operands = 0 : i64, tpu.core_type = #tpu.core_type<tc>, window_params = [{transform_indices = @transform_0, window_bounds = array<i64: 2048, 128>}, {pipeline_mode = #tpu.pipeline_mode<synchronous>, transform_indices = @transform_1, window_bounds = array<i64: 128, 64>}, {pipeline_mode = #tpu.pipeline_mode<synchronous>, transform_indices = @transform_2, window_bounds = array<i64: 64, 8>}, {pipeline_mode = #tpu.pipeline_mode<synchronous>, transform_indices = @transform_3, window_bounds = array<i64: 64, 8>}, {transform_indices = @transform_4, window_bounds = array<i64: 2048, 80>}, {transform_indices = @transform_5, window_bounds = array<i64: 2048, 16>}, {transform_indices = @transform_6, window_bounds = array<i64: 1, 1, 16>}]} {
    %get3A = arith.constant 0 : index
    %get3A_0 = arith.constant 0 : index
    %get3A_1 = vector.load %arg1[%get3A, %get3A_0] : memref<2048x128xf32, #tpu.memory_space<vmem>>, vector<2048x128xf32>
    %get3A_2 = arith.constant 0 : index
    %get3A_3 = arith.constant 0 : index
    %get3A_4 = vector.load %arg2[%get3A_2, %get3A_3] : memref<128x64xf32, #tpu.memory_space<vmem>>, vector<128x64xf32>
    %dot_general3A = arith.constant dense<0.000000e+00> : vector<2048x64xf32>
    %dot_general3A_5 = tpu.matmul %get3A_1, %get3A_4, %dot_general3A {dimension_numbers = #tpu.dot_dimension_numbers<[1], [0], [0], [1], [0, 0, 1, 1], [], []>, transpose_lhs_hint = false} : vector<2048x128xf32>, vector<128x64xf32>, vector<2048x64xf32> -> vector<2048x64xf32>
    %get3A_6 = arith.constant 0 : index
    %get3A_7 = arith.constant 0 : index
    %get3A_8 = vector.load %arg3[%get3A_6, %get3A_7] : memref<64x8xf32, #tpu.memory_space<vmem>>, vector<64x8xf32>
    %dot_general3A_9 = arith.constant dense<0.000000e+00> : vector<2048x8xf32>
    %dot_general3A_10 = tpu.matmul %dot_general3A_5, %get3A_8, %dot_general3A_9 {dimension_numbers = #tpu.dot_dimension_numbers<[1], [0], [0], [1], [0, 0, 1, 1], [], []>, transpose_lhs_hint = false} : vector<2048x64xf32>, vector<64x8xf32>, vector<2048x8xf32> -> vector<2048x8xf32>
    %get3A_11 = arith.constant 0 : index
    %get3A_12 = arith.constant 0 : index
    %get3A_13 = vector.load %arg4[%get3A_11, %get3A_12] : memref<64x8xf32, #tpu.memory_space<vmem>>, vector<64x8xf32>
    %dot_general3A_14 = arith.constant dense<0.000000e+00> : vector<2048x8xf32>
    %dot_general3A_15 = tpu.matmul %dot_general3A_5, %get3A_13, %dot_general3A_14 {dimension_numbers = #tpu.dot_dimension_numbers<[1], [0], [0], [1], [0, 0, 1, 1], [], []>, transpose_lhs_hint = false} : vector<2048x64xf32>, vector<64x8xf32>, vector<2048x8xf32> -> vector<2048x8xf32>
    %broadcast_in_dim3A = arith.constant 0.000000e+00 : f32
    %broadcast_in_dim3A_16 = vector.broadcast %broadcast_in_dim3A : f32 to vector<2048x8xf32>
    %concatenate3A = tpu.concatenate %dot_general3A_5, %dot_general3A_10, %broadcast_in_dim3A_16 in 1 : vector<2048x64xf32>, vector<2048x8xf32>, vector<2048x8xf32> -> vector<2048x80xf32>
    %swap3A = arith.constant 0 : index
    %swap3A_17 = arith.constant 0 : index
    %swap3A_18 = vector.load %arg5[%swap3A, %swap3A_17] : memref<2048x80xf32, #tpu.memory_space<vmem>>, vector<2048x80xf32>
    tpu.vector_store %arg5[%swap3A, %swap3A_17], %concatenate3A {strides = array<i32>} : memref<2048x80xf32, #tpu.memory_space<vmem>>, vector<2048x80xf32>,
    %mul3A = arith.constant 2048 : i32
    %mul3A_19 = arith.muli %arg0, %mul3A : i32
    %iota3A = tpu.iota {dimensions = array<i32: 0>} : vector<2048x1xi32>
    %add3A = vector.broadcast %mul3A_19 : i32 to vector<2048x1xi32>
    %add3A_20 = arith.addi %add3A, %iota3A : vector<2048x1xi32>
    %lt3A = arith.constant 10000 : i32
    %lt3A_21 = vector.broadcast %lt3A : i32 to vector<2048x1xi32>
    %lt3A_22 = arith.cmpi slt, %add3A_20, %lt3A_21 : vector<2048x1xi32>
    %jit3A = arith.constant -1.000000e+30 : f32
    %broadcast_in_dim3A_23 = vector.shape_cast %lt3A_22 : vector<2048x1xi1> to vector<2048x1xi1>
    %broadcast_in_dim3A_24 = vector.broadcast %broadcast_in_dim3A_23 : vector<2048x1xi1> to vector<2048x8xi1>
    %broadcast_in_dim3A_25 = vector.broadcast %jit3A : f32 to vector<2048x8xf32>
    %select_n3A = arith.select %broadcast_in_dim3A_24, %dot_general3A_15, %broadcast_in_dim3A_25 : vector<2048x8xi1>, vector<2048x8xf32>
    %broadcast_in_dim3A_26 = arith.constant -1.000000e+30 : f32
    %broadcast_in_dim3A_27 = vector.broadcast %broadcast_in_dim3A_26 : f32 to vector<2048x8xf32>
    %concatenate3A_28 = tpu.concatenate %select_n3A, %broadcast_in_dim3A_27 in 1 : vector<2048x8xf32>, vector<2048x8xf32> -> vector<2048x16xf32>
    %swap3A_29 = arith.constant 0 : index
    %swap3A_30 = arith.constant 0 : index
    %swap3A_31 = vector.load %arg6[%swap3A_29, %swap3A_30] : memref<2048x16xf32, #tpu.memory_space<vmem>>, vector<2048x16xf32>
    tpu.vector_store %arg6[%swap3A_29, %swap3A_30], %concatenate3A_28 {strides = array<i32>} : memref<2048x16xf32, #tpu.memory_space<vmem>>, vector<2048x16xf32>,
    %jit3A_32 = arith.constant -1.000000e+30 : f32
    %broadcast_in_dim3A_33 = vector.shape_cast %lt3A_22 : vector<2048x1xi1> to vector<2048x1xi1>
    %broadcast_in_dim3A_34 = vector.broadcast %broadcast_in_dim3A_33 : vector<2048x1xi1> to vector<2048x8xi1>
    %broadcast_in_dim3A_35 = vector.broadcast %jit3A_32 : f32 to vector<2048x8xf32>
    %select_n3A_36 = arith.select %broadcast_in_dim3A_34, %dot_general3A_10, %broadcast_in_dim3A_35 : vector<2048x8xi1>, vector<2048x8xf32>
    %reduce_max3A = arith.constant dense<0xFF800000> : vector<8xf32>
    %reduce_max3A_37 = vector.multi_reduction <maximumf>, %select_n3A_36, %reduce_max3A [0] : vector<2048x8xf32> to vector<8xf32>
    %reduce_max3A_38 = arith.constant dense<0xFF800000> : vector<8xf32>
    %reduce_max3A_39 = vector.multi_reduction <maximumf>, %select_n3A, %reduce_max3A_38 [0] : vector<2048x8xf32> to vector<8xf32>
    %concatenate3A_40 = tpu.concatenate %reduce_max3A_37, %reduce_max3A_39 in 0 : vector<8xf32>, vector<8xf32> -> vector<16xf32>
    %reshape3A = vector.shape_cast %concatenate3A_40 : vector<16xf32> to vector<1x1x16xf32>
    %swap3A_41 = arith.constant 0 : index
    %swap3A_42 = arith.constant 0 : index
    %swap3A_43 = arith.constant 0 : index
    %swap3A_44 = vector.load %arg7[%swap3A_41, %swap3A_42, %swap3A_43] : memref<1x1x16xf32, #tpu.memory_space<vmem>>, vector<1x1x16xf32>
    tpu.vector_store %arg7[%swap3A_41, %swap3A_42, %swap3A_43], %reshape3A {strides = array<i32>} : memref<1x1x16xf32, #tpu.memory_space<vmem>>, vector<1x1x16xf32>,
    return
  }
  func.func @transform_0(%arg0: i32) -> (i32, i32) {
    %c0_i32 = arith.constant 0 : i32
    %c0_i32_0 = arith.constant 0 : i32
    return %arg0, %c0_i32 : i32, i32
  }
  func.func @transform_1(%arg0: i32) -> (i32, i32) {
    %c0_i32 = arith.constant 0 : i32
    %c0_i32_0 = arith.constant 0 : i32
    %c0_i32_1 = arith.constant 0 : i32
    return %c0_i32, %c0_i32_0 : i32, i32
  }
  func.func @transform_2(%arg0: i32) -> (i32, i32) {
    %c0_i32 = arith.constant 0 : i32
    %c0_i32_0 = arith.constant 0 : i32
    %c0_i32_1 = arith.constant 0 : i32
    return %c0_i32, %c0_i32_0 : i32, i32
  }
  func.func @transform_3(%arg0: i32) -> (i32, i32) {
    %c0_i32 = arith.constant 0 : i32
    %c0_i32_0 = arith.constant 0 : i32
    %c0_i32_1 = arith.constant 0 : i32
    return %c0_i32, %c0_i32_0 : i32, i32
  }
  func.func @transform_4(%arg0: i32) -> (i32, i32) {
    %c0_i32 = arith.constant 0 : i32
    %c0_i32_0 = arith.constant 0 : i32
    return %arg0, %c0_i32 : i32, i32
  }
  func.func @transform_5(%arg0: i32) -> (i32, i32) {
    %c0_i32 = arith.constant 0 : i32
    %c0_i32_0 = arith.constant 0 : i32
    return %arg0, %c0_i32 : i32, i32
  }
  func.func @transform_6(%arg0: i32) -> (i32, i32, i32) {
    %c0_i32 = arith.constant 0 : i32
    %c0_i32_0 = arith.constant 0 : i32
    %c0_i32_1 = arith.constant 0 : i32
    return %arg0, %c0_i32, %c0_i32_0 : i32, i32, i32
  }
}

module attributes {stable_mosaic.version = 14 : i64} {
  func.func @_comb1_body(%arg0: i32, %arg1: memref<2048x80xf32, #tpu.memory_space<vmem>>, %arg2: memref<2048x80xf32, #tpu.memory_space<vmem>>, %arg3: memref<8x64xf32, #tpu.memory_space<vmem>>, %arg4: memref<1x64xf32, #tpu.memory_space<vmem>>, %arg5: memref<64x40xf32, #tpu.memory_space<vmem>>, %arg6: memref<40x1xf32, #tpu.memory_space<vmem>>, %arg7: memref<40x1xf32, #tpu.memory_space<vmem>>, %arg8: memref<2048x48xf32, #tpu.memory_space<vmem>>, %arg9: memref<2048x16xf32, #tpu.memory_space<vmem>>, %arg10: memref<1x1x16xf32, #tpu.memory_space<vmem>>) attributes {dimension_semantics = [#tpu.dimension_semantics<arbitrary>], iteration_bounds = array<i64: 5>, scalar_prefetch = 0 : i64, scratch_operands = 0 : i64, tpu.core_type = #tpu.core_type<tc>, window_params = [{transform_indices = @transform_0, window_bounds = array<i64: 2048, 80>}, {transform_indices = @transform_1, window_bounds = array<i64: 2048, 80>}, {pipeline_mode = #tpu.pipeline_mode<synchronous>, transform_indices = @transform_2, window_bounds = array<i64: 8, 64>}, {pipeline_mode = #tpu.pipeline_mode<synchronous>, transform_indices = @transform_3, window_bounds = array<i64: 1, 64>}, {pipeline_mode = #tpu.pipeline_mode<synchronous>, transform_indices = @transform_4, window_bounds = array<i64: 64, 40>}, {pipeline_mode = #tpu.pipeline_mode<synchronous>, transform_indices = @transform_5, window_bounds = array<i64: 40, 1>}, {pipeline_mode = #tpu.pipeline_mode<synchronous>, transform_indices = @transform_6, window_bounds = array<i64: 40, 1>}, {transform_indices = @transform_7, window_bounds = array<i64: 2048, 48>}, {transform_indices = @transform_8, window_bounds = array<i64: 2048, 16>}, {transform_indices = @transform_9, window_bounds = array<i64: 1, 1, 16>}]} {
    %get3A = arith.constant 0 : index
    %get3A_0 = arith.constant 0 : index
    %get3A_1 = vector.load %arg1[%get3A, %get3A_0] : memref<2048x80xf32, #tpu.memory_space<vmem>>, vector<2048x80xf32>
    %get3A_2 = arith.constant 0 : index
    %get3A_3 = arith.constant 0 : index
    %get3A_4 = vector.load %arg2[%get3A_2, %get3A_3] : memref<2048x80xf32, #tpu.memory_space<vmem>>, vector<2048x80xf32>
    %add3A = arith.addf %get3A_1, %get3A_4 : vector<2048x80xf32>
    %slice3A = vector.extract_strided_slice %add3A {offsets = [0, 0], sizes = [2048, 64], strides = [1, 1]} : vector<2048x80xf32> to vector<2048x64xf32>
    %slice3A_5 = vector.extract_strided_slice %add3A {offsets = [0, 64], sizes = [2048, 8], strides = [1, 1]} : vector<2048x80xf32> to vector<2048x8xf32>
    %add3A_6 = arith.constant 1.000000e-16 : f32
    %add3A_7 = vector.broadcast %add3A_6 : f32 to vector<2048x8xf32>
    %add3A_8 = arith.addf %slice3A_5, %add3A_7 : vector<2048x8xf32>
    %div3A = arith.constant 1.000000e+00 : f32
    %div3A_9 = vector.broadcast %div3A : f32 to vector<2048x8xf32>
    %div3A_10 = arith.divf %div3A_9, %add3A_8 : vector<2048x8xf32>
    %get3A_11 = arith.constant 0 : index
    %get3A_12 = arith.constant 0 : index
    %get3A_13 = vector.load %arg3[%get3A_11, %get3A_12] : memref<8x64xf32, #tpu.memory_space<vmem>>, vector<8x64xf32>
    %dot_general3A = arith.constant dense<0.000000e+00> : vector<2048x64xf32>
    %dot_general3A_14 = tpu.matmul %div3A_10, %get3A_13, %dot_general3A {dimension_numbers = #tpu.dot_dimension_numbers<[1], [0], [0], [1], [0, 0, 1, 1], [], []>, transpose_lhs_hint = false} : vector<2048x8xf32>, vector<8x64xf32>, vector<2048x64xf32> -> vector<2048x64xf32>
    %mul3A = arith.mulf %slice3A, %dot_general3A_14 : vector<2048x64xf32>
    %get3A_15 = arith.constant 0 : index
    %get3A_16 = arith.constant 0 : index
    %get3A_17 = vector.load %arg4[%get3A_15, %get3A_16] : memref<1x64xf32, #tpu.memory_space<vmem>>, vector<1x64xf32>
    %add3A_18 = vector.broadcast %get3A_17 : vector<1x64xf32> to vector<2048x64xf32>
    %add3A_19 = arith.addf %mul3A, %add3A_18 : vector<2048x64xf32>
    %gt3A = arith.constant 0.000000e+00 : f32
    %gt3A_20 = vector.broadcast %gt3A : f32 to vector<2048x64xf32>
    %gt3A_21 = arith.cmpf ogt, %add3A_19, %gt3A_20 : vector<2048x64xf32>
    %min3A = arith.constant 0.000000e+00 : f32
    %min3A_22 = vector.broadcast %min3A : f32 to vector<2048x64xf32>
    %min3A_23 = arith.minimumf %add3A_19, %min3A_22 : vector<2048x64xf32>
    %exp3A = math.exp %min3A_23 : vector<2048x64xf32>
    %sub3A = arith.constant 1.000000e+00 : f32
    %sub3A_24 = vector.broadcast %sub3A : f32 to vector<2048x64xf32>
    %sub3A_25 = arith.subf %exp3A, %sub3A_24 : vector<2048x64xf32>
    %select_n3A = arith.select %gt3A_21, %add3A_19, %sub3A_25 : vector<2048x64xi1>, vector<2048x64xf32>
    %get3A_26 = arith.constant 0 : index
    %get3A_27 = arith.constant 0 : index
    %get3A_28 = vector.load %arg5[%get3A_26, %get3A_27] : memref<64x40xf32, #tpu.memory_space<vmem>>, vector<64x40xf32>
    %dot_general3A_29 = arith.constant dense<0.000000e+00> : vector<2048x40xf32>
    %dot_general3A_30 = tpu.matmul %select_n3A, %get3A_28, %dot_general3A_29 {dimension_numbers = #tpu.dot_dimension_numbers<[1], [0], [0], [1], [0, 0, 1, 1], [], []>, transpose_lhs_hint = false} : vector<2048x64xf32>, vector<64x40xf32>, vector<2048x40xf32> -> vector<2048x40xf32>
    %get3A_31 = arith.constant 0 : index
    %get3A_32 = arith.constant 0 : index
    %get3A_33 = vector.load %arg6[%get3A_31, %get3A_32] : memref<40x1xf32, #tpu.memory_space<vmem>>, vector<40x1xf32>
    %dot_general3A_34 = arith.constant dense<0.000000e+00> : vector<2048x1xf32>
    %dot_general3A_35 = tpu.matmul %dot_general3A_30, %get3A_33, %dot_general3A_34 {dimension_numbers = #tpu.dot_dimension_numbers<[1], [0], [0], [1], [0, 0, 1, 1], [], []>, transpose_lhs_hint = false} : vector<2048x40xf32>, vector<40x1xf32>, vector<2048x1xf32> -> vector<2048x1xf32>
    %get3A_36 = arith.constant 0 : index
    %get3A_37 = arith.constant 0 : index
    %get3A_38 = vector.load %arg7[%get3A_36, %get3A_37] : memref<40x1xf32, #tpu.memory_space<vmem>>, vector<40x1xf32>
    %dot_general3A_39 = arith.constant dense<0.000000e+00> : vector<2048x1xf32>
    %dot_general3A_40 = tpu.matmul %dot_general3A_30, %get3A_38, %dot_general3A_39 {dimension_numbers = #tpu.dot_dimension_numbers<[1], [0], [0], [1], [0, 0, 1, 1], [], []>, transpose_lhs_hint = false} : vector<2048x40xf32>, vector<40x1xf32>, vector<2048x1xf32> -> vector<2048x1xf32>
    %broadcast_in_dim3A = arith.constant 0.000000e+00 : f32
    %broadcast_in_dim3A_41 = vector.broadcast %broadcast_in_dim3A : f32 to vector<2048x7xf32>
    %concatenate3A = tpu.concatenate %dot_general3A_30, %dot_general3A_35, %broadcast_in_dim3A_41 in 1 : vector<2048x40xf32>, vector<2048x1xf32>, vector<2048x7xf32> -> vector<2048x48xf32>
    %swap3A = arith.constant 0 : index
    %swap3A_42 = arith.constant 0 : index
    %swap3A_43 = vector.load %arg8[%swap3A, %swap3A_42] : memref<2048x48xf32, #tpu.memory_space<vmem>>, vector<2048x48xf32>
    tpu.vector_store %arg8[%swap3A, %swap3A_42], %concatenate3A {strides = array<i32>} : memref<2048x48xf32, #tpu.memory_space<vmem>>, vector<2048x48xf32>,
    %mul3A_44 = arith.constant 2048 : i32
    %mul3A_45 = arith.muli %arg0, %mul3A_44 : i32
    %iota3A = tpu.iota {dimensions = array<i32: 0>} : vector<2048x1xi32>
    %add3A_46 = vector.broadcast %mul3A_45 : i32 to vector<2048x1xi32>
    %add3A_47 = arith.addi %add3A_46, %iota3A : vector<2048x1xi32>
    %lt3A = arith.constant 10000 : i32
    %lt3A_48 = vector.broadcast %lt3A : i32 to vector<2048x1xi32>
    %lt3A_49 = arith.cmpi slt, %add3A_47, %lt3A_48 : vector<2048x1xi32>
    %iota3A_50 = tpu.iota {dimensions = array<i32: 1>} : vector<2048x16xi32>
    %eq3A = arith.constant 8 : i32
    %eq3A_51 = vector.broadcast %eq3A : i32 to vector<2048x16xi32>
    %eq3A_52 = arith.cmpi eq, %iota3A_50, %eq3A_51 : vector<2048x16xi32>
    %and3A = vector.broadcast %lt3A_49 : vector<2048x1xi1> to vector<2048x16xi1>
    %and3A_53 = arith.andi %eq3A_52, %and3A : vector<2048x16xi1>
    %broadcast_in_dim3A_54 = vector.shape_cast %dot_general3A_40 : vector<2048x1xf32> to vector<2048x1xf32>
    %broadcast_in_dim3A_55 = vector.broadcast %broadcast_in_dim3A_54 : vector<2048x1xf32> to vector<2048x16xf32>
    %jit3A = arith.constant -1.000000e+30 : f32
    %broadcast_in_dim3A_56 = vector.broadcast %jit3A : f32 to vector<2048x16xf32>
    %select_n3A_57 = arith.select %and3A_53, %broadcast_in_dim3A_55, %broadcast_in_dim3A_56 : vector<2048x16xi1>, vector<2048x16xf32>
    %swap3A_58 = arith.constant 0 : index
    %swap3A_59 = arith.constant 0 : index
    %swap3A_60 = vector.load %arg9[%swap3A_58, %swap3A_59] : memref<2048x16xf32, #tpu.memory_space<vmem>>, vector<2048x16xf32>
    tpu.vector_store %arg9[%swap3A_58, %swap3A_59], %select_n3A_57 {strides = array<i32>} : memref<2048x16xf32, #tpu.memory_space<vmem>>, vector<2048x16xf32>,
    %jit3A_61 = arith.constant -1.000000e+30 : f32
    %broadcast_in_dim3A_62 = vector.broadcast %jit3A_61 : f32 to vector<2048x1xf32>
    %select_n3A_63 = arith.select %lt3A_49, %dot_general3A_35, %broadcast_in_dim3A_62 : vector<2048x1xi1>, vector<2048x1xf32>
    %reduce_max3A = vector.shape_cast %select_n3A_63 : vector<2048x1xf32> to vector<1x2048x1xf32>
    %reduce_max3A_64 = arith.constant dense<0xFF800000> : vector<1xf32>
    %reduce_max3A_65 = vector.multi_reduction <maximumf>, %reduce_max3A, %reduce_max3A_64 [1, 2] : vector<1x2048x1xf32> to vector<1xf32>
    %reduce_max3A_66 = vector.shape_cast %reduce_max3A_65 : vector<1xf32> to vector<1x1x1xf32>
    %reduce_max3A_67 = vector.extract %reduce_max3A_66[0, 0, 0] : f32 from vector<1x1x1xf32>
    %jit3A_68 = arith.constant -1.000000e+30 : f32
    %broadcast_in_dim3A_69 = vector.broadcast %jit3A_68 : f32 to vector<2048x1xf32>
    %select_n3A_70 = arith.select %lt3A_49, %dot_general3A_40, %broadcast_in_dim3A_69 : vector<2048x1xi1>, vector<2048x1xf32>
    %reduce_max3A_71 = vector.shape_cast %select_n3A_70 : vector<2048x1xf32> to vector<1x2048x1xf32>
    %reduce_max3A_72 = arith.constant dense<0xFF800000> : vector<1xf32>
    %reduce_max3A_73 = vector.multi_reduction <maximumf>, %reduce_max3A_71, %reduce_max3A_72 [1, 2] : vector<1x2048x1xf32> to vector<1xf32>
    %reduce_max3A_74 = vector.shape_cast %reduce_max3A_73 : vector<1xf32> to vector<1x1x1xf32>
    %reduce_max3A_75 = vector.extract %reduce_max3A_74[0, 0, 0] : f32 from vector<1x1x1xf32>
    %iota3A_76 = tpu.iota {dimensions = array<i32: 2>} : vector<1x1x16xi32>
    %eq3A_77 = arith.constant 0 : i32
    %eq3A_78 = vector.broadcast %eq3A_77 : i32 to vector<1x1x16xi32>
    %eq3A_79 = arith.cmpi eq, %iota3A_76, %eq3A_78 : vector<1x1x16xi32>
    %eq3A_80 = arith.constant 1 : i32
    %eq3A_81 = vector.broadcast %eq3A_80 : i32 to vector<1x1x16xi32>
    %eq3A_82 = arith.cmpi eq, %iota3A_76, %eq3A_81 : vector<1x1x16xi32>
    %jit3A_83 = arith.constant -1.000000e+30 : f32
    %broadcast_in_dim3A_84 = vector.broadcast %reduce_max3A_75 : f32 to vector<1x1x16xf32>
    %broadcast_in_dim3A_85 = vector.broadcast %jit3A_83 : f32 to vector<1x1x16xf32>
    %select_n3A_86 = arith.select %eq3A_82, %broadcast_in_dim3A_84, %broadcast_in_dim3A_85 : vector<1x1x16xi1>, vector<1x1x16xf32>
    %broadcast_in_dim3A_87 = vector.broadcast %reduce_max3A_67 : f32 to vector<1x1x16xf32>
    %select_n3A_88 = arith.select %eq3A_79, %broadcast_in_dim3A_87, %select_n3A_86 : vector<1x1x16xi1>, vector<1x1x16xf32>
    %swap3A_89 = arith.constant 0 : index
    %swap3A_90 = arith.constant 0 : index
    %swap3A_91 = arith.constant 0 : index
    %swap3A_92 = vector.load %arg10[%swap3A_89, %swap3A_90, %swap3A_91] : memref<1x1x16xf32, #tpu.memory_space<vmem>>, vector<1x1x16xf32>
    tpu.vector_store %arg10[%swap3A_89, %swap3A_90, %swap3A_91], %select_n3A_88 {strides = array<i32>} : memref<1x1x16xf32, #tpu.memory_space<vmem>>, vector<1x1x16xf32>,
    return
  }
  func.func @transform_0(%arg0: i32) -> (i32, i32) {
    %c0_i32 = arith.constant 0 : i32
    %c0_i32_0 = arith.constant 0 : i32
    return %arg0, %c0_i32 : i32, i32
  }
  func.func @transform_1(%arg0: i32) -> (i32, i32) {
    %c0_i32 = arith.constant 0 : i32
    %c0_i32_0 = arith.constant 0 : i32
    return %arg0, %c0_i32 : i32, i32
  }
  func.func @transform_2(%arg0: i32) -> (i32, i32) {
    %c0_i32 = arith.constant 0 : i32
    %c0_i32_0 = arith.constant 0 : i32
    %c0_i32_1 = arith.constant 0 : i32
    return %c0_i32, %c0_i32_0 : i32, i32
  }
  func.func @transform_3(%arg0: i32) -> (i32, i32) {
    %c0_i32 = arith.constant 0 : i32
    %c0_i32_0 = arith.constant 0 : i32
    %c0_i32_1 = arith.constant 0 : i32
    return %c0_i32, %c0_i32_0 : i32, i32
  }
  func.func @transform_4(%arg0: i32) -> (i32, i32) {
    %c0_i32 = arith.constant 0 : i32
    %c0_i32_0 = arith.constant 0 : i32
    %c0_i32_1 = arith.constant 0 : i32
    return %c0_i32, %c0_i32_0 : i32, i32
  }
  func.func @transform_5(%arg0: i32) -> (i32, i32) {
    %c0_i32 = arith.constant 0 : i32
    %c0_i32_0 = arith.constant 0 : i32
    %c0_i32_1 = arith.constant 0 : i32
    return %c0_i32, %c0_i32_0 : i32, i32
  }
  func.func @transform_6(%arg0: i32) -> (i32, i32) {
    %c0_i32 = arith.constant 0 : i32
    %c0_i32_0 = arith.constant 0 : i32
    %c0_i32_1 = arith.constant 0 : i32
    return %c0_i32, %c0_i32_0 : i32, i32
  }
  func.func @transform_7(%arg0: i32) -> (i32, i32) {
    %c0_i32 = arith.constant 0 : i32
    %c0_i32_0 = arith.constant 0 : i32
    return %arg0, %c0_i32 : i32, i32
  }
  func.func @transform_8(%arg0: i32) -> (i32, i32) {
    %c0_i32 = arith.constant 0 : i32
    %c0_i32_0 = arith.constant 0 : i32
    return %arg0, %c0_i32 : i32, i32
  }
  func.func @transform_9(%arg0: i32) -> (i32, i32, i32) {
    %c0_i32 = arith.constant 0 : i32
    %c0_i32_0 = arith.constant 0 : i32
    %c0_i32_1 = arith.constant 0 : i32
    return %arg0, %c0_i32, %c0_i32_0 : i32, i32, i32
  }
}

module attributes {stable_mosaic.version = 14 : i64} {
  func.func @_final_body(%arg0: i32, %arg1: memref<2048x48xf32, #tpu.memory_space<vmem>>, %arg2: memref<2048x48xf32, #tpu.memory_space<vmem>>, %arg3: memref<1x40xf32, #tpu.memory_space<vmem>>, %arg4: memref<2048x40xf32, #tpu.memory_space<vmem>>) attributes {dimension_semantics = [#tpu.dimension_semantics<arbitrary>], iteration_bounds = array<i64: 5>, scalar_prefetch = 0 : i64, scratch_operands = 0 : i64, tpu.core_type = #tpu.core_type<tc>, window_params = [{transform_indices = @transform_0, window_bounds = array<i64: 2048, 48>}, {transform_indices = @transform_1, window_bounds = array<i64: 2048, 48>}, {pipeline_mode = #tpu.pipeline_mode<synchronous>, transform_indices = @transform_2, window_bounds = array<i64: 1, 40>}, {transform_indices = @transform_3, window_bounds = array<i64: 2048, 40>}]} {
    %get3A = arith.constant 0 : index
    %get3A_0 = arith.constant 0 : index
    %get3A_1 = vector.load %arg1[%get3A, %get3A_0] : memref<2048x48xf32, #tpu.memory_space<vmem>>, vector<2048x48xf32>
    %get3A_2 = arith.constant 0 : index
    %get3A_3 = arith.constant 0 : index
    %get3A_4 = vector.load %arg2[%get3A_2, %get3A_3] : memref<2048x48xf32, #tpu.memory_space<vmem>>, vector<2048x48xf32>
    %add3A = arith.addf %get3A_1, %get3A_4 : vector<2048x48xf32>
    %slice3A = vector.extract_strided_slice %add3A {offsets = [0, 0], sizes = [2048, 40], strides = [1, 1]} : vector<2048x48xf32> to vector<2048x40xf32>
    %slice3A_5 = vector.extract_strided_slice %add3A {offsets = [0, 40], sizes = [2048, 1], strides = [1, 1]} : vector<2048x48xf32> to vector<2048x1xf32>
    %add3A_6 = arith.constant 1.000000e-16 : f32
    %add3A_7 = vector.broadcast %add3A_6 : f32 to vector<2048x1xf32>
    %add3A_8 = arith.addf %slice3A_5, %add3A_7 : vector<2048x1xf32>
    %div3A = vector.broadcast %add3A_8 : vector<2048x1xf32> to vector<2048x40xf32>
    %div3A_9 = arith.divf %slice3A, %div3A : vector<2048x40xf32>
    %get3A_10 = arith.constant 0 : index
    %get3A_11 = arith.constant 0 : index
    %get3A_12 = vector.load %arg3[%get3A_10, %get3A_11] : memref<1x40xf32, #tpu.memory_space<vmem>>, vector<1x40xf32>
    %add3A_13 = vector.broadcast %get3A_12 : vector<1x40xf32> to vector<2048x40xf32>
    %add3A_14 = arith.addf %div3A_9, %add3A_13 : vector<2048x40xf32>
    %reduce_max3A = arith.constant dense<0xFF800000> : vector<2048xf32>
    %reduce_max3A_15 = vector.multi_reduction <maximumf>, %add3A_14, %reduce_max3A [1] : vector<2048x40xf32> to vector<2048xf32>
    %broadcast_in_dim3A = vector.shape_cast %reduce_max3A_15 : vector<2048xf32> to vector<2048x1xf32>
    %sub3A = vector.broadcast %broadcast_in_dim3A : vector<2048x1xf32> to vector<2048x40xf32>
    %sub3A_16 = arith.subf %add3A_14, %sub3A : vector<2048x40xf32>
    %exp3A = math.exp %sub3A_16 : vector<2048x40xf32>
    %reduce_sum3A = arith.constant dense<0.000000e+00> : vector<2048xf32>
    %reduce_sum3A_17 = vector.multi_reduction <add>, %exp3A, %reduce_sum3A [1] : vector<2048x40xf32> to vector<2048xf32>
    %broadcast_in_dim3A_18 = vector.shape_cast %reduce_sum3A_17 : vector<2048xf32> to vector<2048x1xf32>
    %log3A = math.log %broadcast_in_dim3A_18 : vector<2048x1xf32>
    %sub3A_19 = vector.broadcast %broadcast_in_dim3A : vector<2048x1xf32> to vector<2048x40xf32>
    %sub3A_20 = arith.subf %add3A_14, %sub3A_19 : vector<2048x40xf32>
    %sub3A_21 = vector.broadcast %log3A : vector<2048x1xf32> to vector<2048x40xf32>
    %sub3A_22 = arith.subf %sub3A_20, %sub3A_21 : vector<2048x40xf32>
    %swap3A = arith.constant 0 : index
    %swap3A_23 = arith.constant 0 : index
    %swap3A_24 = vector.load %arg4[%swap3A, %swap3A_23] : memref<2048x40xf32, #tpu.memory_space<vmem>>, vector<2048x40xf32>
    tpu.vector_store %arg4[%swap3A, %swap3A_23], %sub3A_22 {strides = array<i32>} : memref<2048x40xf32, #tpu.memory_space<vmem>>, vector<2048x40xf32>,
    return
  }
  func.func @transform_0(%arg0: i32) -> (i32, i32) {
    %c0_i32 = arith.constant 0 : i32
    %c0_i32_0 = arith.constant 0 : i32
    return %arg0, %c0_i32 : i32, i32
  }
  func.func @transform_1(%arg0: i32) -> (i32, i32) {
    %c0_i32 = arith.constant 0 : i32
    %c0_i32_0 = arith.constant 0 : i32
    return %arg0, %c0_i32 : i32, i32
  }
  func.func @transform_2(%arg0: i32) -> (i32, i32) {
    %c0_i32 = arith.constant 0 : i32
    %c0_i32_0 = arith.constant 0 : i32
    %c0_i32_1 = arith.constant 0 : i32
    return %c0_i32, %c0_i32_0 : i32, i32
  }
  func.func @transform_3(%arg0: i32) -> (i32, i32) {
    %c0_i32 = arith.constant 0 : i32
    %c0_i32_0 = arith.constant 0 : i32
    return %arg0, %c0_i32 : i32, i32
  }
}

</mosaic_0001>

<sc_bundles>
// kernel: kernel.10.cloned.1.call-start
scs
__scs_entry_jumppad:
0x0: {  	(pc) =	sbr.rel $0x88, $3  }
0x1: {  	(tag) =	ssettag $0x0;
	lr =	simm.s32 $0x1  }
0x2: {  	[smem:$0x3F97] =	sst lr;
	_ =	strace $0xD0000000  }
0x3: {  	_ = 	snop  }
0x4: {  	_ = 	snop  }
0x5: {  	_ = 	snop  }
0x6: {  	_ = 	snop  }
0x7: {  	_ = 	snop  }
__scs_overlays_trampoline_lowered:
0x8: {  	[smem:$0x3FA6] =	sst s0  }
0x9: {  	[smem:$0x3FA7] =	sst s1  }
0xa: {  	[smem:$0x3FA8] =	sst s2  }
0xb: {  	[smem:$0x3FA9] =	sst s3  }
0xc: {  	[smem:$0x3FAA] =	sst s4  }
0xd: {  	[smem:$0x3FAB] =	sst s5  }
0xe: {  	[smem:$0x3FAC] =	sst s6  }
0xf: {  	[smem:$0x3FAD] =	sst s7  }
0x10: {  	[smem:$0x3FAE] =	sst s8  }
0x11: {  	[smem:$0x3FAF] =	sst s9;
	s0 =	simm.s32 @!p0 $0x0  }
0x12: {  	s1 =	sld [smem:$0x3F95];
	s0 =	simm.s32 @p0 $0x1  }
0x13: {  	[smem:$0x3FB0] =	sst s0;
	s0 =	simm.s32 @!p1 $0x0  }
0x14: {  	s2 =	sld [smem:$0x3F94];
	s0 =	simm.s32 @p1 $0x1  }
0x15: {  	[smem:$0x3FB1] =	sst s0;
	s0 =	simm.s32 @!p2 $0x0  }
0x16: {  	s3 =	sld [smem:$0x3FDB];
	s0 =	simm.s32 @p2 $0x1  }
0x17: {  	s4 =	simm.s32 $0x1BF5;
	[smem:$0x3FB3] =	sst s0  }
0x18: {  	s0 =	sld [smem:$0x3F96];
	_ =	swait.ge [sflag:s4], $0x0  }
0x19: {  	s7 =	sld [smem:$0x3F97]  }
0x1a: {  	s8 =	sadd.s32 $0xFFFFE003, lr  }
0x1b: {  	s9 =	sadd.s32 $0xFFFFFEF7, lr;
	s5 =	simm.s32 $0xFFFFFFFF;
	p2 =	slt.u32 s8, $0xFFFFF086  }
0x1c: {  	p1 =	slt.u32 s9, $0xF7A;
	s5 =	simm.s32 @!p2 $0x0  }
0x1d: {  	s5 =	simm.s32 @p1 $0x1;
	p0 =	seq.s32 s7, s2  }
0x1e: {  	s7 =	smul.u32 @!p0 $0xF7A, s2;
	p2 =	seq.s32 @!p0 s5, $0x0  }
0x1f: {  	s9 =	smul.u32 $0xF7A, s1;
	s8 =	simm.s32 @!p0 $0x1BF5;
	p2 =	por !p2, p0  }
0x20: {  	[sflag:s8] =	ssyncset.s32 @!p0 $0xFFFFF086;
	s6 =	sadd.s32 @!p0 s3, s7;
	s7 =	simm.s32 @!p0 $0x108  }
0x21: {  	s3 =	sadd.s32 s3, s9;
	s6 =	sadd.s32 @!p0 $0x88, s6;
	s7 =	simm.s32 @p2 $0x1082  }
0x22: {  	[simem:s7], [sflag:s8] =	dma.local @!p0 [hbm:s6], $0xF7A  }
0x23: {  	s9 =	sor.u32 $0xD0000000, s2;
	s6 =	simm.s32 $0x108;
	_ =	swait.ge @!p0 [sflag:s8], $0x0  }
0x24: {  	s3 =	sadd.s32 $0x88, s3;
	s6 =	simm.s32 @!p1 $0x1082;
	[sflag:s4] =	ssyncset.s32 $0xFFFFF086  }
0x25: {  	[simem:s6], [sflag:s4] =	dma.local [hbm:s3], $0xF7A  }
0x26: {  	[smem:$0x3F97] =	sst s1;
	(tag) =	ssettag s2;
	_ =	strace s9  }
0x27: {  	s1 =	sld [smem:$0x3FA7]  }
0x28: {  	s2 =	sld [smem:$0x3FA8]  }
0x29: {  	s4 =	sld [smem:$0x3FAA]  }
0x2a: {  	p0 =	seq.s32 s5, $0x0;
	s5 =	sld [smem:$0x3FAB]  }
0x2b: {  	s6 =	sld [smem:$0x3FAC]  }
0x2c: {  	s7 =	sld [smem:$0x3FAD]  }
0x2d: {  	s3 =	simm.s32 $0x108;
	s8 =	sld [smem:$0x3FAE]  }
0x2e: {  	s3 =	simm.s32 @!p0 $0x1082;
	s9 =	sld [smem:$0x3FAF]  }
0x2f: {  	lr =	sadd.s32 s0, s3;
	s0 =	sld [smem:$0x3FA6]  }
0x30: {  	s3 =	sld [smem:$0x3FA9]  }
0x31: {  	[smem:$0x3FB2] =	sst s10  }
0x32: {  	s10 =	sld [smem:$0x3FB0];
	_ =	sdelay $0x3  }
0x33: {  	p0 =	seq.s32 s10, $0x1;
	s10 =	sld [smem:$0x3FB2];
	_ =	sdelay $0x3  }
0x34: {  	[smem:$0x3FB2] =	sst s10  }
0x35: {  	s10 =	sld [smem:$0x3FB1];
	_ =	sdelay $0x3  }
0x36: {  	p1 =	seq.s32 s10, $0x1;
	s10 =	sld [smem:$0x3FB2];
	_ =	sdelay $0x3  }
0x37: {  	[smem:$0x3FB2] =	sst s10  }
0x38: {  	s10 =	sld [smem:$0x3FB3]  }
0x39: {  	_ = 	snop;
	(pc) =	sbr.ind lr, $3  }
0x3a: {  	_ = 	snop  }
0x3b: {  	_ = 	snop  }
0x3c: {  	p2 =	seq.s32 s10, $0x1;
	s10 =	sld [smem:$0x3FB2]  }
0x3d: {  	_ =	shalt  }
0x3e: {  	_ =	shalt  }
0x3f: {  	_ =	shalt  }
0x40: {  	_ =	shalt  }
0x41: {  	_ =	shalt  }
0x42: {  	_ =	shalt  }
0x43: {  	_ =	shalt  }
0x44: {  	_ =	shalt  }
0x45: {  	_ =	shalt  }
0x46: {  	_ =	shalt  }
0x47: {  	_ =	shalt  }
0x48: {  	_ =	shalt  }
0x49: {  	_ =	shalt  }
0x4a: {  	_ =	shalt  }
0x4b: {  	_ =	shalt  }
0x4c: {  	_ =	shalt  }
0x4d: {  	_ =	shalt  }
0x4e: {  	_ =	shalt  }
0x4f: {  	_ =	shalt  }
0x50: {  	_ =	shalt  }
0x51: {  	_ =	shalt  }
0x52: {  	_ =	shalt  }
0x53: {  	_ =	shalt  }
0x54: {  	_ =	shalt  }
0x55: {  	_ =	shalt  }
0x56: {  	_ =	shalt  }
0x57: {  	_ =	shalt  }
0x58: {  	_ =	shalt  }
0x59: {  	_ =	shalt  }
0x5a: {  	_ =	shalt  }
0x5b: {  	_ =	shalt  }
0x5c: {  	_ =	shalt  }
0x5d: {  	_ =	shalt  }
0x5e: {  	_ =	shalt  }
0x5f: {  	_ =	shalt  }
0x60: {  	_ =	shalt  }
0x61: {  	_ =	shalt  }
0x62: {  	_ =	shalt  }
0x63: {  	_ =	shalt  }
0x64: {  	_ =	shalt  }
0x65: {  	_ =	shalt  }
0x66: {  	_ =	shalt  }
0x67: {  	_ =	shalt  }
0x68: {  	_ =	shalt  }
0x69: {  	_ =	shalt  }
0x6a: {  	_ =	shalt  }
0x6b: {  	_ =	shalt  }
0x6c: {  	_ =	shalt  }
0x6d: {  	_ =	shalt  }
0x6e: {  	_ =	shalt  }
0x6f: {  	_ =	shalt  }
0x70: {  	_ =	shalt  }
0x71: {  	_ =	shalt  }
0x72: {  	_ =	shalt  }
0x73: {  	_ =	shalt  }
0x74: {  	_ =	shalt  }
0x75: {  	_ =	shalt  }
0x76: {  	_ =	shalt  }
0x77: {  	_ =	shalt  }
0x78: {  	_ =	shalt  }
0x79: {  	_ =	shalt  }
0x7a: {  	_ =	shalt  }
0x7b: {  	_ =	shalt  }
0x7c: {  	_ =	shalt  }
0x7d: {  	_ =	shalt  }
0x7e: {  	_ =	shalt  }
0x7f: {  	_ =	shalt  }
0x80: {  	_ =	shalt  }
0x81: {  	_ =	shalt  }
0x82: {  	_ =	shalt  }
0x83: {  	_ =	shalt  }
0x84: {  	_ =	shalt  }
0x85: {  	_ =	shalt  }
0x86: {  	_ =	shalt  }
0x87: {  	_ =	shalt  }
.Lfunc_end0:
.L_simem_size_0:
called_computation.1_lowered:
.L_overlay_start_0:
0x88: {  	s2 =	sld [smem:$0x3FD9]  }
0x89: {  	s3 =	sld [smem:$0x3FFE];
	_ =	sdelay $0x1  }
0x8a: {  	s1 =	srdreg.scid  }
0x8b: {  	s0 =	sand.u32 $0x1, s1  }
0x8c: {  	s17 =	sshll.u32 s0, $0xA;
	s2 =	sadd.s32 s3, s2  }
0x8d: {  	s2 =	sadd.s32 s2, s17  }
0x8e: {  	[smem:$0x3FBE] =	sst s2  }
0x8f: {  	_ = 	snop  }
0x90: {  	s2 =	sld [smem:$0x3FD0];
	(tm) =	ssettm $0x1  }
0x91: {  	s18 =	sld [smem:$0x3FFB];
	_ =	sdelay $0x3  }
0x92: {  	_ =	strace s18  }
0x93: {  	s3 =	sld [smem:$0x3FFC];
	_ =	sdelay $0x3  }
0x94: {  	_ =	strace s3  }
0x95: {  	s3 =	sld [smem:$0x3FFD];
	_ =	sdelay $0x3  }
0x96: {  	_ =	strace s3  }
0x97: {  	_ =	strace $0x8FFFFFFF  }
0x98: {  	s19 =	sld [smem:$0x3FDB];
	_ =	sdelay $0x1  }
0x99: {  	s4 =	simm.s32 $_scs_section_size  }
0x9a: {  	s5 =	simm.s32 $_size__tile_overlayer_lowered;
	s6 =	simm.s32 $_tile_overlayer_lowered  }
0x9b: {  	s22 =	simm.s32 $0x1BFF;
	s21 =	sshll.u32 s6, $0x1;
	s3 =	sadd.s32 s4, s19  }
0x9c: {  	s7 =	simm.s32 $0x0;
	s20 =	sshll.u32 s5, $0x1;
	s5 =	sadd.s32 s21, s3  }
0x9d: {  	[timem:s7], [sflag:s22] =	dma.local [hbm:s5], s20  }
0x9e: {  	_ =	swait.ge [sflag:s22], s20  }
0x9f: {  	s4 =	ssub.s32 $0x0, s20;
	[sflag:s22] =	ssyncset.done $0x0  }
0xa0: {  	[sflag:s22] =	ssyncadd.s32 s4;
	_ =	sdelay $0x1  }
0xa1: {  	s23 =	simm.s32 $0x1B8B  }
0xa2: {  	_ =	swait.ge [sflag:s23], $0x1  }
0xa3: {  	[sflag:s23] =	ssyncset.done $0x0  }
0xa4: {  	s25 =	simm.s32 $0x1B8E;
	s24 =	sld [smem:$0x3FFE];
	[sflag:s23] =	ssyncadd.s32 $0xFFFFFFFF  }
0xa5: {  	s26 =	simm.s32 $execute0_lowered;
	[smem:$0x3FD2] =	sst s25  }
0xa6: {  	s5 =	sshll.u32 s26, $0x1;
	_ =	strace $0x80000049;
	[dreg:$0x1] =	wrdreg $0xFFFFFFFF  }
0xa7: {  	s28 =	simm.s32 $_size_execute0_lowered;
	s3 =	sadd.s32 s3, s5;
	[dreg:$0x0] =	wrdreg $0x0  }
0xa8: {  	s5 =	sshll.u32 s28, $0x1;
	[dreg:$0x2] =	wrdreg s3  }
0xa9: {  	[dreg:$0x3] =	wrdreg s5  }
0xaa: {  	[dreg:$0x4] =	wrdreg $0xC0  }
0xab: {  	_ =	task [dreg:s7], $0x5FFFF  }
0xac: {  	[dreg:$0x1] =	wrdreg $0xFFFFFFFF  }
0xad: {  	[dreg:$0x0] =	wrdreg $0x60  }
0xae: {  	[dreg:$0x2] =	wrdreg s24  }
0xaf: {  	[dreg:$0x3] =	wrdreg s2  }
0xb0: {  	[dreg:$0x4] =	wrdreg $0xE1100  }
0xb1: {  	[dreg:$0x5] =	wrdreg $0x9  }
0xb2: {  	_ =	task.clear_ibuf [dreg:s7], $0x6FFFF;
	_ =	strace $0x90000049  }
0xb3: {  	s29 =	simm.s32 $0x9;
	_ =	strace $0x8000004B  }
0xb4: {  	_ =	swait.ge [sflag:s29], $0x1  }
0xb5: {  	[sflag:s29] =	ssyncadd.s32 $0xFFFFFFFF  }
0xb6: {  	_ =	strace $0x9000004B  }
0xb7: {  	_ =	sfence  }
0xb8: {  	s30 =	sld [smem:$0x0];
	_ =	sdelay $0x2  }
0xb9: {  	s31 =	sshll.u32 s1, $0xD;
	s1 =	sshrl.u32 s1, $0x2  }
0xba: {  	s3 =	sand.u32 $0x4000, s31;
	s1 =	sadd.s32 s1, s30  }
0xbb: {  	s0 =	sor.u32 s3, s0;
	s1 =	sshll.u32 s1, $0x11  }
0xbc: {  	s0 =	sor.u32 s1, s0  }
0xbd: {  	s0 =	sadd.s32 $0x8F2B, s0  }
0xbe: {  	[sflag:s0] =	ssyncadd.remote.s32 $0x1  }
0xbf: {  	_ =	sfence.sel $0xFFFF  }
0xc0: {  	[dreg:$0x0] =	wrdreg $0xFFFFFFFF;
	(pc) =	sbr.abs _section_cstart, $3  }
0xc1: {  	[dreg:$0x1] =	wrdreg $0xFFFFFFFF  }
0xc2: {  	_ =	task.clear_ibuf [dreg:s7], $0x2FFFF;
	_ =	strace $0x9FFFFFFF  }
0xc3: {  	(tm) =	ssettm $0x7FFFFFFF  }
tec
execute0_lowered:
.L_overlay_start_1:
0x0: {  	(tag) =	ssettag $0x1  }
0x1: {  	s0 =	rddreg [dreg:$0x0]  }
0x2: {  	s1 =	rddreg [dreg:$0x1]  }
0x3: {  	s2 =	rddreg [dreg:$0x2];
	s12 =	stileid.u32  }
0x4: {  	s3 =	simm.s32 $0x0;
	s4 =	srdreg.scid;
	s14 =	simm.s32 $0x5100  }
0x5: {  	s15 =	simm.s32 $0x5;
	s17 =	simm.s32 $0x2880;
	s18 =	simm.s32 $0x120  }
0x6: {  	s19 =	simm.s32 $0xBD00;
	s20 =	simm.s32 $0x1;
	s21 =	simm.s32 $0x8700  }
0x7: {  	s22 =	simm.s32 $0xCF00;
	s23 =	simm.s32 $0x2;
	s24 =	simm.s32 $0x3  }
0x8: {  	s25 =	simm.s32 $0x4;
	s5 =	smul.u32 $0x2880, s12;
	[smem:$0x7FF] =	sst s3  }
0x9: {  	s6 =	sand.u32 $0x1, s4;
	s8 =	smul.u32 $0x7800, s12;
	s4 =	sadd.s32 $0xAA00, s0  }
0xa: {  	s29 =	smul.u32 $0x1E000, s12;
	s30 =	sadd.s32 $0x19A00, s0;
	p0 =	seq.s32 s6, $0x0  }
0xb: {  	_ =	strace $0x8000004A;
	s9 =	smul.u32 $0x78000, s6;
	s6 =	ssub.s32 $0x2, s6  }
0xc: {  	[dreg:$0x4] =	wrdreg s30;
	s7 =	sadd.s32 $0x28800, s5;
	s31 =	sshrl.u32 s6, $0x1  }
0xd: {  	s7 =	smov.u32 @p0 s5;
	s5 =	sadd.s32 $0x19E00, s0;
	s28 =	sadd.s32 s8, s9  }
.Ltmp0:
0xe: {  	s9 =	sshrl.u32 s29, $0x2;
	s6 =	ssub.s32 s6, s31;
	(pc) =	sbr.rel .LBB2_1-.Ltmp0, $4  }
0xf: {  	s10 =	sshrl.u32 s7, $0x3;
	s7 =	sshrl.u32 s28, $0x3;
	s9 =	sadd.s32 s9, s2  }
0x10: {  	s13 =	smax.u32 s6, $0x1;
	s11 =	sadd.s32 s10, s0;
	s0 =	sadd.s32 s7, s0  }
0x11: {  	s7 =	sadd.s32 s8, s2;
	s8 =	sadd.s32 $0x3600, s9;
	s9 =	sadd.s32 $0x6C00, s9  }
0x12: {  	v0 =	vimm.f32 $0.0e+00;
	v1 =	vimm.s32 $0x8;
	vm0 =	vcmask $0x1F24;
	s10 =	sadd.s32 s1, s10;
	s11 =	sadd.s32 $0x200, s11;
	s12 =	sadd.s32 $0x1EE00, s0  }
.LBB2_10:
0x13: {  	s0 =	sadd.s32 $0x2880, s0  }
0x14: {  	[spmem:s2] =	stream.indirect.scatter.add.f32 [tilespmem:s21], [sflag:$0x4], $0x30, s0, s18, $0xb8;
	[tilespmem:$0x15910] =	vst v63  }
0x15: {  	s31 =	stileid.u32;
	_ =	swait.ge [sflag:s25], $0x3600  }
0x16: {  	s1 =	sshrl.u32 s7, $0x3;
	s3 =	sadd.s32 $0x1, s3;
	[sflag:s25] =	ssyncset.done $0x0  }
0x17: {  	s0 =	sshll.u32 s31, $0x6;
	p0 =	sne.s32 s3, s13;
	[sflag:s25] =	ssyncadd.s32 $0xFFFFCA00  }
.Ltmp1:
0x18: {  	s0 =	sor.u32 $0x1C05, s0;
	[bflag:$0x0] =	sbarrier.arrive $0xFFFF;
	(pc) =	sbr.rel @!p0 .LBB2_11-.Ltmp1, $4  }
0x19: {  	[hbm:s12], [sflag:s0] =	dma.local [spmem:s1], $0xF00  }
0x1a: {  	_ =	swait.ge [sflag:s15], $0xF00  }
0x1b: {  	[sflag:s15] =	ssyncset.done $0x0  }
0x1c: {  	[sflag:s15] =	ssyncadd.s32 $0xFFFFF100  }
.LBB2_1:
0x1d: {  	s0 =	simm.s32 $0xC0;
	s1 =	simm.s32 $0x0  }
.LBB2_2:
0x1e: {  	p0 =	sne.s32 s0, $0xD740;
	[tilespmem:s1+$0x5120] =	vst v0;
	s6 =	smov.u32 s0;
	s0 =	sadd.s32 $0xC0, s0  }
.Ltmp2:
0x1f: {  	[tilespmem:s1+$0x5100] =	vst v0;
	(pc) =	sbr.rel @p0 .LBB2_2-.Ltmp2, $2  }
0x20: {  	[tilespmem:s1+$0x5110] =	vst v0;
	_ =	sdelay $0x2  }
0x21: {  	s1 =	sshra.s32 s6, $0x2  }
0x22: {  	[tilespmem:s1+$0x5120] =	vst v0  }
0x23: {  	[tilespmem:s1+$0x5100] =	vst v0  }
0x24: {  	[tilespmem:s1+$0x5110] =	vst v0  }
0x25: {  	[spmem:s7] =	stream.linear.scatter [tilespmem:s14], [sflag:$0x5], $0x3600, $0x38;
	[tilespmem:$0x15910] =	vst v63  }
0x26: {  	_ =	swait.ge [sflag:s15], $0x3600  }
0x27: {  	[sflag:s15] =	ssyncset.done $0x0  }
0x28: {  	[sflag:s15] =	ssyncadd.s32 $0xFFFFCA00  }
0x29: {  	[spmem:s8] =	stream.linear.scatter [tilespmem:s14], [sflag:$0x5], $0x3600, $0x38;
	[tilespmem:$0x15910] =	vst v63  }
0x2a: {  	_ =	swait.ge [sflag:s15], $0x3600  }
0x2b: {  	[sflag:s15] =	ssyncset.done $0x0  }
0x2c: {  	[sflag:s15] =	ssyncadd.s32 $0xFFFFCA00  }
0x2d: {  	[spmem:s9] =	stream.linear.scatter [tilespmem:s14], [sflag:$0x5], $0xC00, $0x38;
	[tilespmem:$0x15910] =	vst v63  }
0x2e: {  	_ =	swait.ge [sflag:s15], $0xC00  }
0x2f: {  	s26 =	simm.s32 $0x0;
	[sflag:s15] =	ssyncset.done $0x0  }
0x30: {  	s31 =	simm.s32 $0xE100;
	s0 =	rddreg [dreg:$0x4];
	[sflag:s15] =	ssyncadd.s32 $0xFFFFF400  }
0x31: {  	[tilespmem:s31], [sflag:$0x5] =	stream.linear.gather [hbm4b:s0+s26], $0x10, $0x38;
	[tilespmem:$0x15910] =	vst v63  }
0x32: {  	_ =	swait.ge [sflag:s15], $0x10  }
0x33: {  	[sflag:s15] =	ssyncset.done $0x0  }
0x34: {  	[sflag:s15] =	ssyncadd.s32 $0xFFFFFFF0  }
0x35: {  	[tilespmem:s26], [sflag:$0x5] =	stream.linear.gather [hbm4b:s10+s26], $0x2880, $0x38;
	[tilespmem:$0x15910] =	vst v63  }
0x36: {  	_ =	swait.ge [sflag:s15], $0x2880  }
0x37: {  	[sflag:s15] =	ssyncset.done $0x0  }
0x38: {  	[sflag:s15] =	ssyncadd.s32 $0xFFFFD780  }
0x39: {  	[tilespmem:s17], [sflag:$0x5] =	stream.linear.gather [hbm4b:s11+s26], $0x2880, $0x38;
	[tilespmem:$0x15910] =	vst v63  }
0x3a: {  	_ =	swait.ge [sflag:s15], $0x2880  }
0x3b: {  	[sflag:s15] =	ssyncset.done $0x0  }
0x3c: {  	[sflag:s15] =	ssyncadd.s32 $0xFFFFD780  }
0x3d: {  	[bflag:$0x0] =	sbarrier.arrive $0xFFFF  }
0x3e: {  	v2 =	vld [tilespmem:$0xE100];
	[tilespmem:s14], [sflag:$0x1] =	stream.indirect.gather [hbm4b:s4+s18], $0x30, s26, s18, $0xb8  }
0x3f: {  	_ = 	snop  }
0x40: {  	[tilespmem:s19], [sflag:$0x1] =	stream.indirect.gather [hbm4b:s5+s18], $0x10, s17, s18, $0xb8;
	[tilespmem:$0x15910] =	vst v63  }
.LBB2_4:
0x41: {  	_ =	swait.ge [sflag:s20], $0x3600  }
0x42: {  	[sflag:s20] =	ssyncset.done $0x0  }
0x43: {  	[sflag:s20] =	ssyncadd.s32 $0xFFFFCA00  }
0x44: {  	_ =	swait.ge [sflag:s20], $0x1200  }
0x45: {  	[sflag:s20] =	ssyncset.done $0x0  }
0x46: {  	s31 =	simm.s32 $0x5130;
	[sflag:s20] =	ssyncadd.s32 $0xFFFFEE00  }
0x47: {  	s0 =	simm.s32 $0xBD10;
	v26 =	vld [tilespmem:s31+$0xFFFFFFF0]  }
0x48: {  	v3 =	vld [tilespmem:s0+$0x0]  }
0x49: {  	v12 =	vld [tilespmem:s31+$0x20]  }
0x4a: {  	v4 =	vld [tilespmem:s0+$0xFFFFFFF0];
	_ =	sdelay $0x3  }
0x4b: {  	v18 =	vld [tilespmem:s31+$0x0];
	v3 =	vadd.f32 v3, v12  }
0x4c: {  	s6 =	simm.s32 $0xBD30;
	v19 =	vld [tilespmem:s31+$0x10];
	v4 =	vadd.f32 v4, v26  }
0x4d: {  	s29 =	simm.s32 $0x5190;
	v8 =	vld [tilespmem:s6+$0x0];
	v5 =	vmul.f32 $2.000000030e-01, v3  }
0x4e: {  	v6 =	vld [tilespmem:s29+$0x20];
	v9 =	vmul.f32 $2.000000030e-01, v4  }
0x4f: {  	v7 =	vld [tilespmem:s29+$0xFFFFFFF0];
	v3 =	vmax.f32 v3, v5  }
0x50: {  	s16 =	simm.s32 $0xBD50;
	v5 =	vld [tilespmem:s6+$0xFFFFFFF0];
	v4 =	vmax.f32 v4, v9;
	v3 =	vsub.f32 v3, v2  }
0x51: {  	v13 =	vld [tilespmem:s16+$0x0];
	v4 =	vsub.f32 v4, v2  }
0x52: {  	s28 =	simm.s32 $0x51F0;
	v15 =	vld [tilespmem:s16+$0xFFFFFFF0];
	v9 =	vmul.f32 $1.442695020e+00, v3  }
0x53: {  	v8 =	vadd.f32 v8, v6;
	v11 =	vmul.f32 $1.442695020e+00, v4;
	v4 =	vld [tilespmem:s28+$0x20]  }
0x54: {  	v3 =	vld [tilespmem:s28+$0xFFFFFFF0];
	(erf) = vpow2.f32 v9  }
0x55: {  	v10 =	vld [tilespmem:s29+$0x0];
	v5 =	vadd.f32 v5, v7;
	v9 =	vmul.f32 $2.000000030e-01, v8  }
0x56: {  	v14 =	vld [tilespmem:s29+$0x10];
	(erf) = vpow2.f32 v11  }
0x57: {  	v17 =	vld [tilespmem:s31+$0xFFFFFFD0];
	v16 =	vmul.f32 $2.000000030e-01, v5;
	v8 =	vmax.f32 v8, v9  }
0x58: {  	v22 =	vld [tilespmem:s31+$0xFFFFFFE0];
	s0 =	simm.s32 $0xBD70;
	v8 =	vsub.f32 v8, v2;
	v13 =	vadd.f32 v13, v4  }
0x59: {  	v23 =	vld [tilespmem:s0+$0x0];
	v15 =	vadd.f32 v15, v3;
	v5 =	vmax.f32 v5, v16  }
0x5a: {  	v21 =	vld [tilespmem:s0+$0xFFFFFFF0];
	v16 =	vsub.f32 v5, v2;
	v8 =	vmul.f32 $1.442695020e+00, v8;
	v20 =	vmul.f32 $2.000000030e-01, v13  }
0x5b: {  	v11 =	vld [tilespmem:s28+$0x0];
	v25 =	vmul.f32 $2.000000030e-01, v15  }
0x5c: {  	s30 =	simm.s32 $0x5250;
	v9 =	vld [tilespmem:s28+$0x10];
	v16 =	vmul.f32 $1.442695020e+00, v16;
	(erf) = vpow2.f32 v8;
	v20 =	vmax.f32 v13, v20  }
0x5d: {  	v8 =	vld [tilespmem:s30+$0x20];
	v27 =	vsub.f32 v20, v2;
	v24 =	vpop (erf)  }
0x5e: {  	v5 =	vld [tilespmem:s30+$0xFFFFFFF0];
	v25 =	vmax.f32 v15, v25;
	(erf) = vpow2.f32 v16;
	v16 =	vperm.xlane v24, v1  }
0x5f: {  	v13 =	vld [tilespmem:s30+$0x0];
	v25 =	vsub.f32 v25, v2;
	v24 =	vpop (erf);
	v27 =	vmul.f32 $1.442695020e+00, v27  }
0x60: {  	v15 =	vld [tilespmem:s30+$0x10];
	v20 =	vperm.xlane v24, v1;
	v28 =	vmul.f32 v19, v16  }
0x61: {  	v25 =	vmul.f32 $1.442695020e+00, v25;
	v24 =	vmul.f32 v18, v16;
	v18 =	vld [tilespmem:s29+$0xFFFFFFD0]  }
0x62: {  	s1 =	simm.s32 $0x52B0;
	s16 =	simm.s32 $0x6;
	v23 =	vadd.f32 v23, v8;
	v19 =	vld [tilespmem:s29+$0xFFFFFFE0];
	v22 =	vmul.f32 v22, v20;
	v26 =	vmul.f32 v20, v26;
	[tilespmem:s31+$0x10] =	vst v28  }
.LBB2_5:
0x63: {  	v28 =	vadd.f32 v21, v5;
	(erf) = vpow2.f32 v27;
	v21 =	vmul.f32 v16, v12  }
0x64: {  	s16 =	sadd.s32 $0x2, s16;
	s0 =	sadd.s32 $0x20, s0;
	[tilespmem:s31+$0x0] =	vst v24;
	v29 =	vmovc v3;
	v3 =	vmovc v5;
	v5 =	vld [tilespmem:s1+$0xFFFFFFF0];
	v12 =	vmov v6;
	v6 =	vmov v4;
	v4 =	vmov v8  }
0x65: {  	v33 =	vmul.f32 v17, v20;
	v30 =	vld [tilespmem:s0+$0x0];
	p0 =	slt.u32 s16, $0x11E;
	v24 =	vmul.f32 $2.000000030e-01, v23;
	v27 =	vpop (erf);
	[tilespmem:s31+$0xFFFFFFE0] =	vst v22;
	v32 =	vsel vm0, v26, v20  }
0x66: {  	v26 =	vmovc v13;
	v8 =	vld [tilespmem:s1+$0x20];
	v22 =	vmul.f32 $2.000000030e-01, v28;
	(erf) = vpow2.f32 v25;
	[tilespmem:s31+$0xFFFFFFF0] =	vst v32;
	v25 =	vsel vm0, v21, v16;
	v31 =	vmovc v15  }
.Ltmp3:
0x67: {  	v16 =	vperm.xlane v27, v1;
	v21 =	vld [tilespmem:s0+$0xFFFFFFF0];
	v15 =	vmax.f32 v23, v24;
	v20 =	vpop (erf);
	[tilespmem:s31+$0xFFFFFFD0] =	vst v33;
	v17 =	vmov v18;
	(pc) =	sbr.rel @p0 .LBB2_5-.Ltmp3, $4  }
0x68: {  	v13 =	vld [tilespmem:s1+$0x0];
	v18 =	vmax.f32 v28, v22;
	v22 =	vsub.f32 v15, v2;
	v20 =	vperm.xlane v20, v1;
	[tilespmem:s31+$0x20] =	vst v25;
	s31 =	smov.u32 s29;
	s29 =	smov.u32 s28;
	s28 =	smov.u32 s30  }
0x69: {  	v24 =	vmul.f32 v10, v16;
	v28 =	vmul.f32 v14, v16;
	v10 =	vmovc v11;
	s30 =	smov.u32 s1;
	v15 =	vld [tilespmem:s1+$0x10];
	v25 =	vsub.f32 v18, v2  }
0x6a: {  	v11 =	vmovc v26;
	v14 =	vmovc v9;
	v9 =	vmov v31;
	v27 =	vmul.f32 $1.442695020e+00, v22;
	v18 =	vld [tilespmem:s29+$0xFFFFFFD0];
	v22 =	vmul.f32 v19, v20  }
0x6b: {  	s1 =	sadd.s32 $0x60, s1;
	v26 =	vmul.f32 v20, v7;
	v7 =	vmovc v29;
	v23 =	vadd.f32 v30, v8;
	v25 =	vmul.f32 $1.442695020e+00, v25;
	v19 =	vld [tilespmem:s29+$0xFFFFFFE0];
	[tilespmem:s31+$0x10] =	vst v28  }
0x6c: {  	_ = 	snop  }
0x6d: {  	v28 =	vmul.f32 $2.000000030e-01, v23;
	_ =	sdelay $0x1  }
0x6e: {  	v21 =	vadd.f32 v21, v5  }
0x6f: {  	(erf) = vpow2.f32 v27  }
0x70: {  	[tilespmem:s31+$0x0] =	vst v24;
	v27 =	vmul.f32 $2.000000030e-01, v21;
	v23 =	vmax.f32 v23, v28;
	v28 =	vpop (erf);
	(erf) = vpow2.f32 v25  }
0x71: {  	v17 =	vmul.f32 v17, v20;
	[tilespmem:s31+$0xFFFFFFE0] =	vst v22;
	v20 =	vsel vm0, v26, v20;
	v23 =	vsub.f32 v23, v2;
	v22 =	vpop (erf)  }
0x72: {  	[tilespmem:s31+$0xFFFFFFF0] =	vst v20;
	v21 =	vmax.f32 v21, v27;
	v24 =	vperm.xlane v28, v1;
	v20 =	vperm.xlane v22, v1  }
0x73: {  	v12 =	vmul.f32 v16, v12;
	v21 =	vsub.f32 v21, v2;
	v23 =	vmul.f32 $1.442695020e+00, v23  }
0x74: {  	v14 =	vmul.f32 v14, v24;
	v7 =	vmul.f32 v20, v7  }
0x75: {  	v12 =	vsel vm0, v12, v16;
	v16 =	vmul.f32 $1.442695020e+00, v21  }
0x76: {  	[tilespmem:s31+$0x20] =	vst v12;
	(erf) = vpow2.f32 v23;
	v12 =	vmul.f32 v19, v20;
	v7 =	vsel vm0, v7, v20  }
0x77: {  	v10 =	vmul.f32 v10, v24;
	[tilespmem:s29+$0x10] =	vst v14  }
0x78: {  	v6 =	vmul.f32 v24, v6;
	(erf) = vpow2.f32 v16;
	[tilespmem:s29+$0xFFFFFFE0] =	vst v12;
	v14 =	vpop (erf)  }
0x79: {  	[tilespmem:s29+$0xFFFFFFF0] =	vst v7;
	v12 =	vperm.xlane v14, v1;
	v7 =	vpop (erf)  }
0x7a: {  	v16 =	vld [tilespmem:s28+$0xFFFFFFE0];
	[tilespmem:s29+$0x0] =	vst v10;
	v6 =	vsel vm0, v6, v24;
	v7 =	vperm.xlane v7, v1  }
0x7b: {  	v10 =	vmul.f32 v18, v20;
	[tilespmem:s29+$0x20] =	vst v6;
	v14 =	vld [tilespmem:s28+$0xFFFFFFD0];
	v6 =	vmul.f32 v11, v12  }
0x7c: {  	[tilespmem:s31+$0xFFFFFFD0] =	vst v17;
	v9 =	vmul.f32 v9, v12;
	v3 =	vmul.f32 v7, v3  }
0x7d: {  	[tilespmem:s29+$0xFFFFFFD0] =	vst v10;
	v4 =	vmul.f32 v12, v4  }
0x7e: {  	[tilespmem:s28+$0x10] =	vst v9;
	v3 =	vsel vm0, v3, v7  }
0x7f: {  	v10 =	vmul.f32 v16, v7;
	v9 =	vld [tilespmem:s30+$0xFFFFFFE0];
	[tilespmem:s28+$0x0] =	vst v6;
	v4 =	vsel vm0, v4, v12;
	v6 =	vpop (erf)  }
0x80: {  	v11 =	vmul.f32 v14, v7;
	[tilespmem:s28+$0x20] =	vst v4;
	v7 =	vld [tilespmem:s30+$0xFFFFFFD0];
	v6 =	vperm.xlane v6, v1  }
0x81: {  	[tilespmem:s28+$0xFFFFFFF0] =	vst v3;
	v3 =	vpop (erf)  }
0x82: {  	[tilespmem:s28+$0xFFFFFFE0] =	vst v10;
	v10 =	vmul.f32 v15, v6;
	v3 =	vperm.xlane v3, v1  }
0x83: {  	[tilespmem:s28+$0xFFFFFFD0] =	vst v11;
	v4 =	vmul.f32 v13, v6  }
0x84: {  	[tilespmem:s30+$0x10] =	vst v10;
	v9 =	vmul.f32 v9, v3  }
0x85: {  	[tilespmem:s30+$0x0] =	vst v4;
	v5 =	vmul.f32 v3, v5;
	v7 =	vmul.f32 v7, v3  }
0x86: {  	v4 =	vmul.f32 v6, v8;
	[tilespmem:s30+$0xFFFFFFE0] =	vst v9  }
0x87: {  	v3 =	vsel vm0, v5, v3;
	[tilespmem:s30+$0xFFFFFFD0] =	vst v7  }
0x88: {  	p0 =	seq.s32 s26, $0x0;
	[tilespmem:s30+$0xFFFFFFF0] =	vst v3;
	v3 =	vsel vm0, v4, v6  }
0x89: {  	s0 =	sshll.u32 s26, $0x1;
	s1 =	simm.s32 @!p0 $0x4;
	[tilespmem:s30+$0x20] =	vst v3  }
0x8a: {  	s28 =	sor.u32 $0x1, s0;
	_ =	swait.ge @!p0 [sflag:s1], $0x3600  }
0x8b: {  	s0 =	smul.u32 $0x120, s28;
	[sflag:s1] =	ssyncset.done @!p0 $0x0  }
0x8c: {  	s16 =	smul.u32 $0x900, s26;
	[sflag:s1] =	ssyncadd.s32 @!p0 $0xFFFFCA00  }
0x8d: {  	[tilespmem:s21], [sflag:$0x2] =	stream.indirect.gather [hbm4b:s4+s18], $0x30, s0, s18, $0xb8;
	[tilespmem:$0x15910] =	vst v63  }
0x8e: {  	s6 =	sshra.s32 s16, $0x2;
	s0 =	sadd.s32 $0x2880, s0  }
0x8f: {  	[tilespmem:s22], [sflag:$0x2] =	stream.indirect.gather [hbm4b:s5+s18], $0x10, s0, s18, $0xb8;
	[tilespmem:$0x15910] =	vst v63  }
0x90: {  	s0 =	sadd.s32 $0x2880, s6  }
0x91: {  	[spmem:s2] =	stream.indirect.scatter.add.f32 [tilespmem:s14], [sflag:$0x3], $0x30, s0, s18, $0xb8;
	[tilespmem:$0x15910] =	vst v63  }
0x92: {  	_ =	swait.ge [sflag:s23], $0x3600  }
0x93: {  	[sflag:s23] =	ssyncset.done $0x0  }
0x94: {  	[sflag:s23] =	ssyncadd.s32 $0xFFFFCA00  }
0x95: {  	_ =	swait.ge [sflag:s23], $0x1200  }
0x96: {  	[sflag:s23] =	ssyncset.done $0x0  }
0x97: {  	s0 =	simm.s32 $0x8730;
	[sflag:s23] =	ssyncadd.s32 $0xFFFFEE00  }
0x98: {  	s16 =	simm.s32 $0xCF10;
	v25 =	vld [tilespmem:s0+$0xFFFFFFF0]  }
0x99: {  	v3 =	vld [tilespmem:s16+$0x0]  }
0x9a: {  	v12 =	vld [tilespmem:s0+$0x20]  }
0x9b: {  	v4 =	vld [tilespmem:s16+$0xFFFFFFF0];
	_ =	sdelay $0x3  }
0x9c: {  	v18 =	vld [tilespmem:s0+$0x0];
	v3 =	vadd.f32 v3, v12  }
0x9d: {  	s6 =	simm.s32 $0xCF30;
	v19 =	vld [tilespmem:s0+$0x10];
	v4 =	vadd.f32 v4, v25  }
0x9e: {  	s30 =	simm.s32 $0x8790;
	v8 =	vld [tilespmem:s6+$0x0];
	v5 =	vmul.f32 $2.000000030e-01, v3  }
0x9f: {  	v6 =	vld [tilespmem:s30+$0x20];
	v9 =	vmul.f32 $2.000000030e-01, v4  }
0xa0: {  	v7 =	vld [tilespmem:s30+$0xFFFFFFF0];
	v3 =	vmax.f32 v3, v5  }
0xa1: {  	s16 =	simm.s32 $0xCF50;
	v5 =	vld [tilespmem:s6+$0xFFFFFFF0];
	v4 =	vmax.f32 v4, v9;
	v3 =	vsub.f32 v3, v2  }
0xa2: {  	v13 =	vld [tilespmem:s16+$0x0];
	v4 =	vsub.f32 v4, v2  }
0xa3: {  	s29 =	simm.s32 $0x87F0;
	v15 =	vld [tilespmem:s16+$0xFFFFFFF0];
	v9 =	vmul.f32 $1.442695020e+00, v3  }
0xa4: {  	v8 =	vadd.f32 v8, v6;
	v11 =	vmul.f32 $1.442695020e+00, v4;
	v4 =	vld [tilespmem:s29+$0x20]  }
0xa5: {  	v3 =	vld [tilespmem:s29+$0xFFFFFFF0];
	(erf) = vpow2.f32 v9  }
0xa6: {  	v10 =	vld [tilespmem:s30+$0x0];
	v5 =	vadd.f32 v5, v7;
	v9 =	vmul.f32 $2.000000030e-01, v8  }
0xa7: {  	v14 =	vld [tilespmem:s30+$0x10];
	(erf) = vpow2.f32 v11  }
0xa8: {  	v17 =	vld [tilespmem:s0+$0xFFFFFFD0];
	v16 =	vmul.f32 $2.000000030e-01, v5;
	v8 =	vmax.f32 v8, v9  }
0xa9: {  	v22 =	vld [tilespmem:s0+$0xFFFFFFE0];
	s16 =	simm.s32 $0xCF70;
	v8 =	vsub.f32 v8, v2;
	v13 =	vadd.f32 v13, v4  }
0xaa: {  	v23 =	vld [tilespmem:s16+$0x0];
	v15 =	vadd.f32 v15, v3;
	v5 =	vmax.f32 v5, v16  }
0xab: {  	v21 =	vld [tilespmem:s16+$0xFFFFFFF0];
	v16 =	vsub.f32 v5, v2;
	v8 =	vmul.f32 $1.442695020e+00, v8;
	v20 =	vmul.f32 $2.000000030e-01, v13  }
0xac: {  	v11 =	vld [tilespmem:s29+$0x0];
	v26 =	vmul.f32 $2.000000030e-01, v15  }
0xad: {  	s31 =	simm.s32 $0x8850;
	v9 =	vld [tilespmem:s29+$0x10];
	v16 =	vmul.f32 $1.442695020e+00, v16;
	(erf) = vpow2.f32 v8;
	v20 =	vmax.f32 v13, v20  }
0xae: {  	v8 =	vld [tilespmem:s31+$0x20];
	v27 =	vsub.f32 v20, v2;
	v24 =	vpop (erf)  }
0xaf: {  	v5 =	vld [tilespmem:s31+$0xFFFFFFF0];
	v26 =	vmax.f32 v15, v26;
	(erf) = vpow2.f32 v16;
	v16 =	vperm.xlane v24, v1  }
0xb0: {  	v13 =	vld [tilespmem:s31+$0x0];
	v26 =	vsub.f32 v26, v2;
	v24 =	vpop (erf);
	v27 =	vmul.f32 $1.442695020e+00, v27  }
0xb1: {  	v15 =	vld [tilespmem:s31+$0x10];
	v20 =	vperm.xlane v24, v1;
	v28 =	vmul.f32 v19, v16  }
0xb2: {  	v26 =	vmul.f32 $1.442695020e+00, v26;
	v24 =	vmul.f32 v18, v16;
	v18 =	vld [tilespmem:s30+$0xFFFFFFD0]  }
0xb3: {  	s1 =	simm.s32 $0x6;
	s6 =	simm.s32 $0x88B0;
	v23 =	vadd.f32 v23, v8;
	v19 =	vld [tilespmem:s30+$0xFFFFFFE0];
	v22 =	vmul.f32 v22, v20;
	v25 =	vmul.f32 v20, v25;
	[tilespmem:s0+$0x10] =	vst v28  }
.LBB2_7:
0xb4: {  	v28 =	vadd.f32 v21, v5;
	(erf) = vpow2.f32 v27;
	v21 =	vmul.f32 v16, v12  }
0xb5: {  	s1 =	sadd.s32 $0x2, s1;
	s16 =	sadd.s32 $0x20, s16;
	[tilespmem:s0+$0x0] =	vst v24;
	v29 =	vmovc v3;
	v3 =	vmovc v5;
	v5 =	vld [tilespmem:s6+$0xFFFFFFF0];
	v12 =	vmov v6;
	v6 =	vmov v4;
	v4 =	vmov v8  }
0xb6: {  	v33 =	vmul.f32 v17, v20;
	v30 =	vld [tilespmem:s16+$0x0];
	p0 =	slt.u32 s1, $0x11E;
	v24 =	vmul.f32 $2.000000030e-01, v23;
	v27 =	vpop (erf);
	[tilespmem:s0+$0xFFFFFFE0] =	vst v22;
	v32 =	vsel vm0, v25, v20  }
0xb7: {  	v8 =	vld [tilespmem:s6+$0x20];
	v22 =	vmul.f32 $2.000000030e-01, v28;
	(erf) = vpow2.f32 v26;
	[tilespmem:s0+$0xFFFFFFF0] =	vst v32;
	v25 =	vsel vm0, v21, v16;
	v26 =	vmovc v13;
	v31 =	vmovc v15  }
.Ltmp4:
0xb8: {  	v16 =	vperm.xlane v27, v1;
	v21 =	vld [tilespmem:s16+$0xFFFFFFF0];
	v15 =	vmax.f32 v23, v24;
	v20 =	vpop (erf);
	[tilespmem:s0+$0xFFFFFFD0] =	vst v33;
	v17 =	vmov v18;
	(pc) =	sbr.rel @p0 .LBB2_7-.Ltmp4, $4  }
0xb9: {  	v13 =	vld [tilespmem:s6+$0x0];
	v18 =	vmax.f32 v28, v22;
	v22 =	vsub.f32 v15, v2;
	v20 =	vperm.xlane v20, v1;
	[tilespmem:s0+$0x20] =	vst v25;
	s0 =	smov.u32 s30;
	s30 =	smov.u32 s29;
	s29 =	smov.u32 s31  }
0xba: {  	v24 =	vmul.f32 v10, v16;
	v28 =	vmul.f32 v14, v16;
	v10 =	vmovc v11;
	s31 =	smov.u32 s6;
	v15 =	vld [tilespmem:s6+$0x10];
	v25 =	vsub.f32 v18, v2  }
0xbb: {  	v11 =	vmovc v26;
	v14 =	vmovc v9;
	v9 =	vmov v31;
	v27 =	vmul.f32 $1.442695020e+00, v22;
	v18 =	vld [tilespmem:s30+$0xFFFFFFD0];
	v22 =	vmul.f32 v19, v20  }
0xbc: {  	s6 =	sadd.s32 $0x60, s6;
	v23 =	vadd.f32 v30, v8;
	v26 =	vmul.f32 $1.442695020e+00, v25;
	v19 =	vld [tilespmem:s30+$0xFFFFFFE0];
	v25 =	vmul.f32 v20, v7;
	[tilespmem:s0+$0x10] =	vst v28;
	v7 =	vmovc v29  }
0xbd: {  	_ = 	snop  }
0xbe: {  	v21 =	vadd.f32 v21, v5;
	(erf) = vpow2.f32 v27;
	v28 =	vmul.f32 $2.000000030e-01, v23  }
0xbf: {  	(erf) = vpow2.f32 v26  }
0xc0: {  	v40 =	vmul.f32 $2.000000030e-01, v21;
	v23 =	vmax.f32 v23, v28  }
0xc1: {  	v12 =	vmul.f32 v16, v12;
	v41 =	vpop (erf);
	v23 =	vsub.f32 v23, v2  }
0xc2: {  	[tilespmem:s0+$0x0] =	vst v24;
	v17 =	vmul.f32 v17, v20;
	v42 =	vperm.xlane v41, v1;
	v21 =	vmax.f32 v21, v40  }
0xc3: {  	[tilespmem:s0+$0xFFFFFFE0] =	vst v22;
	v43 =	vsel vm0, v25, v20;
	v44 =	vpop (erf);
	v21 =	vsub.f32 v21, v2;
	v23 =	vmul.f32 $1.442695020e+00, v23  }
0xc4: {  	[tilespmem:s0+$0xFFFFFFF0] =	vst v43;
	v14 =	vmul.f32 v14, v42;
	v45 =	vperm.xlane v44, v1  }
0xc5: {  	v12 =	vsel vm0, v12, v16;
	[tilespmem:s0+$0xFFFFFFD0] =	vst v17;
	v46 =	vmul.f32 $1.442695020e+00, v21;
	(erf) = vpow2.f32 v23  }
0xc6: {  	[tilespmem:s0+$0x20] =	vst v12;
	v10 =	vmul.f32 v10, v42;
	v7 =	vmul.f32 v45, v7  }
0xc7: {  	v6 =	vmul.f32 v42, v6;
	[tilespmem:s30+$0x10] =	vst v14;
	(erf) = vpow2.f32 v46;
	v48 =	vpop (erf)  }
0xc8: {  	v49 =	vld [tilespmem:s29+$0xFFFFFFE0];
	[tilespmem:s30+$0x0] =	vst v10;
	v47 =	vmul.f32 v19, v45;
	v7 =	vsel vm0, v7, v45;
	v53 =	vpop (erf)  }
0xc9: {  	v6 =	vsel vm0, v6, v42;
	[tilespmem:s30+$0xFFFFFFF0] =	vst v7;
	v51 =	vperm.xlane v48, v1;
	v7 =	vperm.xlane v53, v1  }
0xca: {  	v52 =	vld [tilespmem:s29+$0xFFFFFFD0];
	v50 =	vmul.f32 v18, v45;
	[tilespmem:s30+$0x20] =	vst v6  }
0xcb: {  	[tilespmem:s30+$0xFFFFFFE0] =	vst v47;
	v9 =	vmul.f32 v9, v51;
	v3 =	vmul.f32 v7, v3  }
0xcc: {  	[tilespmem:s30+$0xFFFFFFD0] =	vst v50;
	v54 =	vmul.f32 v11, v51  }
0xcd: {  	v55 =	vmul.f32 v49, v7;
	[tilespmem:s29+$0x10] =	vst v9;
	v3 =	vsel vm0, v3, v7  }
0xce: {  	v56 =	vld [tilespmem:s31+$0xFFFFFFE0];
	v4 =	vmul.f32 v51, v4;
	[tilespmem:s29+$0x0] =	vst v54;
	v57 =	vpop (erf)  }
0xcf: {  	v59 =	vld [tilespmem:s31+$0xFFFFFFD0];
	v58 =	vmul.f32 v52, v7;
	[tilespmem:s29+$0xFFFFFFE0] =	vst v55;
	v6 =	vperm.xlane v57, v1  }
0xd0: {  	[tilespmem:s29+$0xFFFFFFF0] =	vst v3;
	v3 =	vpop (erf)  }
0xd1: {  	v4 =	vsel vm0, v4, v51;
	[tilespmem:s29+$0xFFFFFFD0] =	vst v58;
	v3 =	vperm.xlane v3, v1;
	v60 =	vmul.f32 v15, v6  }
0xd2: {  	[tilespmem:s29+$0x20] =	vst v4;
	v61 =	vmul.f32 v13, v6  }
0xd3: {  	v9 =	vmul.f32 v56, v3;
	[tilespmem:s31+$0x10] =	vst v60  }
0xd4: {  	v62 =	vmul.f32 v3, v5;
	v7 =	vmul.f32 v59, v3;
	[tilespmem:s31+$0x0] =	vst v61  }
0xd5: {  	v63 =	vmul.f32 v6, v8;
	[tilespmem:s31+$0xFFFFFFE0] =	vst v9  }
0xd6: {  	p0 =	seq.s32 s26, $0x11;
	v3 =	vsel vm0, v62, v3;
	[tilespmem:s31+$0xFFFFFFD0] =	vst v7  }
.Ltmp5:
0xd7: {  	[tilespmem:s31+$0xFFFFFFF0] =	vst v3;
	v3 =	vsel vm0, v63, v6;
	(pc) =	sbr.rel @p0 .LBB2_10-.Ltmp5, $4  }
0xd8: {  	[tilespmem:s31+$0x20] =	vst v3  }
0xd9: {  	s31 =	smul.u32 $0x480, s28;
	_ =	swait.ge [sflag:s24], $0x3600  }
0xda: {  	[sflag:s24] =	ssyncset.done $0x0  }
0xdb: {  	s0 =	sshra.s32 s31, $0x2;
	[sflag:s24] =	ssyncadd.s32 $0xFFFFCA00  }
0xdc: {  	s1 =	smul.u32 $0x240, s26;
	_ =	sdelay $0x1  }
0xdd: {  	s6 =	sadd.s32 $0x240, s1  }
0xde: {  	[tilespmem:s14], [sflag:$0x1] =	stream.indirect.gather [hbm4b:s4+s18], $0x30, s6, s18, $0xb8;
	[tilespmem:$0x15910] =	vst v63  }
.Ltmp6:
0xdf: {  	_ = 	snop;
	(pc) =	sbr.rel .LBB2_4-.Ltmp6, $4  }
0xe0: {  	s1 =	sadd.s32 $0x2AC0, s1  }
0xe1: {  	[tilespmem:s19], [sflag:$0x1] =	stream.indirect.gather [hbm4b:s5+s18], $0x10, s1, s18, $0xb8;
	[tilespmem:$0x15910] =	vst v63  }
0xe2: {  	s0 =	sadd.s32 $0x2880, s0;
	s26 =	sadd.s32 $0x1, s26  }
0xe3: {  	[spmem:s2] =	stream.indirect.scatter.add.f32 [tilespmem:s21], [sflag:$0x4], $0x30, s0, s18, $0xb8;
	[tilespmem:$0x15910] =	vst v63  }
.LBB2_11:
0xe4: {  	_ =	sfence.sel $0x180000  }
0xe5: {  	[bflag:$0x0] =	sbarrier.arrive $0xFFFF  }
0xe6: {  	_ =	strace $0x9000004A  }
0xe7: {  	s0 =	stileid.u32;
	[bflag:$0x2] =	sbarrier.arrive $0xFFFF  }
0xe8: {  	p0 =	sne.s32 s0, $0x0;
	s0 =	rddreg [dreg:$0x3]  }
0xe9: {  	s0 =	sadd.s32 @!p0 $0x100000, s0  }
0xea: {  	[sflag:s0] =	ssyncadd.tile.s32 @!p0 $0x1;
	_ =	shalt  }
.Lfunc_end2:
_tile_overlayer_lowered:
.L_overlay_start_2:
0xeb: {  	(tag) =	ssettag $0x2  }
0xec: {  	s0 =	rddreg [dreg:$0x0];
	s2 =	stileid.u32  }
0xed: {  	s1 =	rddreg [dreg:$0x1];
	p0 =	sne.s32 s2, $0x0  }
0xee: {  	s3 =	rddreg [dreg:$0x2];
	[bflag:$0x3] =	sbarrier.arrive $0xFFFF;
	s2 =	simm.s32 @!p0 $0x1C05  }
0xef: {  	[timem:s3], [sflag:s2] =	dma.local @!p0 [hbm:s0], s1  }
0xf0: {  	s0 =	simm.s32 @!p0 $0x5  }
0xf1: {  	_ =	swait.ge @!p0 [sflag:s0], s1  }
0xf2: {  	s1 =	ssub.s32 @!p0 $0x0, s1;
	[sflag:s0] =	ssyncset.done @!p0 $0x0  }
0xf3: {  	[sflag:s0] =	ssyncadd.s32 @!p0 s1  }
0xf4: {  	[bflag:$0x3] =	sbarrier.arrive $0xFFFF  }
0xf5: {  	_ =	shalt  }

// kernel: kernel.7.cloned.1.call-start
scs
__scs_entry_jumppad:
0x0: {  	(pc) =	sbr.rel $0x88, $3  }
0x1: {  	(tag) =	ssettag $0x0;
	lr =	simm.s32 $0x1  }
0x2: {  	[smem:$0x3F97] =	sst lr;
	_ =	strace $0xD0000000  }
0x3: {  	_ = 	snop  }
0x4: {  	_ = 	snop  }
0x5: {  	_ = 	snop  }
0x6: {  	_ = 	snop  }
0x7: {  	_ = 	snop  }
__scs_overlays_trampoline_lowered:
0x8: {  	[smem:$0x3FA6] =	sst s0  }
0x9: {  	[smem:$0x3FA7] =	sst s1  }
0xa: {  	[smem:$0x3FA8] =	sst s2  }
0xb: {  	[smem:$0x3FA9] =	sst s3  }
0xc: {  	[smem:$0x3FAA] =	sst s4  }
0xd: {  	[smem:$0x3FAB] =	sst s5  }
0xe: {  	[smem:$0x3FAC] =	sst s6  }
0xf: {  	[smem:$0x3FAD] =	sst s7  }
0x10: {  	[smem:$0x3FAE] =	sst s8  }
0x11: {  	[smem:$0x3FAF] =	sst s9;
	s0 =	simm.s32 @!p0 $0x0  }
0x12: {  	s1 =	sld [smem:$0x3F95];
	s0 =	simm.s32 @p0 $0x1  }
0x13: {  	[smem:$0x3FB0] =	sst s0;
	s0 =	simm.s32 @!p1 $0x0  }
0x14: {  	s2 =	sld [smem:$0x3F94];
	s0 =	simm.s32 @p1 $0x1  }
0x15: {  	[smem:$0x3FB1] =	sst s0;
	s0 =	simm.s32 @!p2 $0x0  }
0x16: {  	s3 =	sld [smem:$0x3FDB];
	s0 =	simm.s32 @p2 $0x1  }
0x17: {  	s4 =	simm.s32 $0x1BF5;
	[smem:$0x3FB3] =	sst s0  }
0x18: {  	s0 =	sld [smem:$0x3F96];
	_ =	swait.ge [sflag:s4], $0x0  }
0x19: {  	s7 =	sld [smem:$0x3F97]  }
0x1a: {  	s8 =	sadd.s32 $0xFFFFE003, lr  }
0x1b: {  	s9 =	sadd.s32 $0xFFFFFEF7, lr;
	s5 =	simm.s32 $0xFFFFFFFF;
	p2 =	slt.u32 s8, $0xFFFFF086  }
0x1c: {  	p1 =	slt.u32 s9, $0xF7A;
	s5 =	simm.s32 @!p2 $0x0  }
0x1d: {  	s5 =	simm.s32 @p1 $0x1;
	p0 =	seq.s32 s7, s2  }
0x1e: {  	s7 =	smul.u32 @!p0 $0xF7A, s2;
	p2 =	seq.s32 @!p0 s5, $0x0  }
0x1f: {  	s9 =	smul.u32 $0xF7A, s1;
	s8 =	simm.s32 @!p0 $0x1BF5;
	p2 =	por !p2, p0  }
0x20: {  	[sflag:s8] =	ssyncset.s32 @!p0 $0xFFFFF086;
	s6 =	sadd.s32 @!p0 s3, s7;
	s7 =	simm.s32 @!p0 $0x108  }
0x21: {  	s3 =	sadd.s32 s3, s9;
	s6 =	sadd.s32 @!p0 $0x88, s6;
	s7 =	simm.s32 @p2 $0x1082  }
0x22: {  	[simem:s7], [sflag:s8] =	dma.local @!p0 [hbm:s6], $0xF7A  }
0x23: {  	s9 =	sor.u32 $0xD0000000, s2;
	s6 =	simm.s32 $0x108;
	_ =	swait.ge @!p0 [sflag:s8], $0x0  }
0x24: {  	s3 =	sadd.s32 $0x88, s3;
	s6 =	simm.s32 @!p1 $0x1082;
	[sflag:s4] =	ssyncset.s32 $0xFFFFF086  }
0x25: {  	[simem:s6], [sflag:s4] =	dma.local [hbm:s3], $0xF7A  }
0x26: {  	[smem:$0x3F97] =	sst s1;
	(tag) =	ssettag s2;
	_ =	strace s9  }
0x27: {  	s1 =	sld [smem:$0x3FA7]  }
0x28: {  	s2 =	sld [smem:$0x3FA8]  }
0x29: {  	s4 =	sld [smem:$0x3FAA]  }
0x2a: {  	p0 =	seq.s32 s5, $0x0;
	s5 =	sld [smem:$0x3FAB]  }
0x2b: {  	s6 =	sld [smem:$0x3FAC]  }
0x2c: {  	s7 =	sld [smem:$0x3FAD]  }
0x2d: {  	s3 =	simm.s32 $0x108;
	s8 =	sld [smem:$0x3FAE]  }
0x2e: {  	s3 =	simm.s32 @!p0 $0x1082;
	s9 =	sld [smem:$0x3FAF]  }
0x2f: {  	lr =	sadd.s32 s0, s3;
	s0 =	sld [smem:$0x3FA6]  }
0x30: {  	s3 =	sld [smem:$0x3FA9]  }
0x31: {  	[smem:$0x3FB2] =	sst s10  }
0x32: {  	s10 =	sld [smem:$0x3FB0];
	_ =	sdelay $0x3  }
0x33: {  	p0 =	seq.s32 s10, $0x1;
	s10 =	sld [smem:$0x3FB2];
	_ =	sdelay $0x3  }
0x34: {  	[smem:$0x3FB2] =	sst s10  }
0x35: {  	s10 =	sld [smem:$0x3FB1];
	_ =	sdelay $0x3  }
0x36: {  	p1 =	seq.s32 s10, $0x1;
	s10 =	sld [smem:$0x3FB2];
	_ =	sdelay $0x3  }
0x37: {  	[smem:$0x3FB2] =	sst s10  }
0x38: {  	s10 =	sld [smem:$0x3FB3]  }
0x39: {  	_ = 	snop;
	(pc) =	sbr.ind lr, $3  }
0x3a: {  	_ = 	snop  }
0x3b: {  	_ = 	snop  }
0x3c: {  	p2 =	seq.s32 s10, $0x1;
	s10 =	sld [smem:$0x3FB2]  }
0x3d: {  	_ =	shalt  }
0x3e: {  	_ =	shalt  }
0x3f: {  	_ =	shalt  }
0x40: {  	_ =	shalt  }
0x41: {  	_ =	shalt  }
0x42: {  	_ =	shalt  }
0x43: {  	_ =	shalt  }
0x44: {  	_ =	shalt  }
0x45: {  	_ =	shalt  }
0x46: {  	_ =	shalt  }
0x47: {  	_ =	shalt  }
0x48: {  	_ =	shalt  }
0x49: {  	_ =	shalt  }
0x4a: {  	_ =	shalt  }
0x4b: {  	_ =	shalt  }
0x4c: {  	_ =	shalt  }
0x4d: {  	_ =	shalt  }
0x4e: {  	_ =	shalt  }
0x4f: {  	_ =	shalt  }
0x50: {  	_ =	shalt  }
0x51: {  	_ =	shalt  }
0x52: {  	_ =	shalt  }
0x53: {  	_ =	shalt  }
0x54: {  	_ =	shalt  }
0x55: {  	_ =	shalt  }
0x56: {  	_ =	shalt  }
0x57: {  	_ =	shalt  }
0x58: {  	_ =	shalt  }
0x59: {  	_ =	shalt  }
0x5a: {  	_ =	shalt  }
0x5b: {  	_ =	shalt  }
0x5c: {  	_ =	shalt  }
0x5d: {  	_ =	shalt  }
0x5e: {  	_ =	shalt  }
0x5f: {  	_ =	shalt  }
0x60: {  	_ =	shalt  }
0x61: {  	_ =	shalt  }
0x62: {  	_ =	shalt  }
0x63: {  	_ =	shalt  }
0x64: {  	_ =	shalt  }
0x65: {  	_ =	shalt  }
0x66: {  	_ =	shalt  }
0x67: {  	_ =	shalt  }
0x68: {  	_ =	shalt  }
0x69: {  	_ =	shalt  }
0x6a: {  	_ =	shalt  }
0x6b: {  	_ =	shalt  }
0x6c: {  	_ =	shalt  }
0x6d: {  	_ =	shalt  }
0x6e: {  	_ =	shalt  }
0x6f: {  	_ =	shalt  }
0x70: {  	_ =	shalt  }
0x71: {  	_ =	shalt  }
0x72: {  	_ =	shalt  }
0x73: {  	_ =	shalt  }
0x74: {  	_ =	shalt  }
0x75: {  	_ =	shalt  }
0x76: {  	_ =	shalt  }
0x77: {  	_ =	shalt  }
0x78: {  	_ =	shalt  }
0x79: {  	_ =	shalt  }
0x7a: {  	_ =	shalt  }
0x7b: {  	_ =	shalt  }
0x7c: {  	_ =	shalt  }
0x7d: {  	_ =	shalt  }
0x7e: {  	_ =	shalt  }
0x7f: {  	_ =	shalt  }
0x80: {  	_ =	shalt  }
0x81: {  	_ =	shalt  }
0x82: {  	_ =	shalt  }
0x83: {  	_ =	shalt  }
0x84: {  	_ =	shalt  }
0x85: {  	_ =	shalt  }
0x86: {  	_ =	shalt  }
0x87: {  	_ =	shalt  }
.Lfunc_end0:
.L_simem_size_0:
called_computation_lowered:
.L_overlay_start_0:
0x88: {  	s2 =	sld [smem:$0x3FD9]  }
0x89: {  	s3 =	sld [smem:$0x3FFE];
	_ =	sdelay $0x1  }
0x8a: {  	s1 =	srdreg.scid  }
0x8b: {  	s0 =	sand.u32 $0x1, s1  }
0x8c: {  	s17 =	sshll.u32 s0, $0xA;
	s2 =	sadd.s32 s3, s2  }
0x8d: {  	s2 =	sadd.s32 s2, s17  }
0x8e: {  	[smem:$0x3FBE] =	sst s2  }
0x8f: {  	_ = 	snop  }
0x90: {  	s2 =	sld [smem:$0x3FD0];
	(tm) =	ssettm $0x1  }
0x91: {  	s18 =	sld [smem:$0x3FFB];
	_ =	sdelay $0x3  }
0x92: {  	_ =	strace s18  }
0x93: {  	s3 =	sld [smem:$0x3FFC];
	_ =	sdelay $0x3  }
0x94: {  	_ =	strace s3  }
0x95: {  	s3 =	sld [smem:$0x3FFD];
	_ =	sdelay $0x3  }
0x96: {  	_ =	strace s3  }
0x97: {  	_ =	strace $0x8FFFFFFF  }
0x98: {  	s19 =	sld [smem:$0x3FDB];
	_ =	sdelay $0x1  }
0x99: {  	s4 =	simm.s32 $_scs_section_size  }
0x9a: {  	s5 =	simm.s32 $_size__tile_overlayer_lowered;
	s6 =	simm.s32 $_tile_overlayer_lowered  }
0x9b: {  	s22 =	simm.s32 $0x1BFF;
	s21 =	sshll.u32 s6, $0x1;
	s3 =	sadd.s32 s4, s19  }
0x9c: {  	s7 =	simm.s32 $0x0;
	s20 =	sshll.u32 s5, $0x1;
	s5 =	sadd.s32 s21, s3  }
0x9d: {  	[timem:s7], [sflag:s22] =	dma.local [hbm:s5], s20  }
0x9e: {  	_ =	swait.ge [sflag:s22], s20  }
0x9f: {  	s4 =	ssub.s32 $0x0, s20;
	[sflag:s22] =	ssyncset.done $0x0  }
0xa0: {  	[sflag:s22] =	ssyncadd.s32 s4;
	_ =	sdelay $0x1  }
0xa1: {  	s23 =	simm.s32 $0x1B8B  }
0xa2: {  	_ =	swait.ge [sflag:s23], $0x1  }
0xa3: {  	[sflag:s23] =	ssyncset.done $0x0  }
0xa4: {  	s25 =	simm.s32 $0x1B8E;
	s24 =	sld [smem:$0x3FFE];
	[sflag:s23] =	ssyncadd.s32 $0xFFFFFFFF  }
0xa5: {  	s26 =	simm.s32 $execute0_lowered;
	[smem:$0x3FD2] =	sst s25  }
0xa6: {  	s5 =	sshll.u32 s26, $0x1;
	_ =	strace $0x80000046;
	[dreg:$0x1] =	wrdreg $0xFFFFFFFF  }
0xa7: {  	s28 =	simm.s32 $_size_execute0_lowered;
	s3 =	sadd.s32 s3, s5;
	[dreg:$0x0] =	wrdreg $0x0  }
0xa8: {  	s5 =	sshll.u32 s28, $0x1;
	[dreg:$0x2] =	wrdreg s3  }
0xa9: {  	[dreg:$0x3] =	wrdreg s5  }
0xaa: {  	[dreg:$0x4] =	wrdreg $0xC0  }
0xab: {  	_ =	task [dreg:s7], $0x5FFFF  }
0xac: {  	[dreg:$0x1] =	wrdreg $0xFFFFFFFF  }
0xad: {  	[dreg:$0x0] =	wrdreg $0x60  }
0xae: {  	[dreg:$0x2] =	wrdreg s24  }
0xaf: {  	[dreg:$0x3] =	wrdreg s2  }
0xb0: {  	[dreg:$0x4] =	wrdreg $0x129100  }
0xb1: {  	[dreg:$0x5] =	wrdreg $0x9  }
0xb2: {  	_ =	task.clear_ibuf [dreg:s7], $0x6FFFF;
	_ =	strace $0x90000046  }
0xb3: {  	s29 =	simm.s32 $0x9;
	_ =	strace $0x80000048  }
0xb4: {  	_ =	swait.ge [sflag:s29], $0x1  }
0xb5: {  	[sflag:s29] =	ssyncadd.s32 $0xFFFFFFFF  }
0xb6: {  	_ =	strace $0x90000048  }
0xb7: {  	_ =	sfence  }
0xb8: {  	s30 =	sld [smem:$0x0];
	_ =	sdelay $0x2  }
0xb9: {  	s31 =	sshll.u32 s1, $0xD;
	s1 =	sshrl.u32 s1, $0x2  }
0xba: {  	s3 =	sand.u32 $0x4000, s31;
	s1 =	sadd.s32 s1, s30  }
0xbb: {  	s0 =	sor.u32 s3, s0;
	s1 =	sshll.u32 s1, $0x11  }
0xbc: {  	s0 =	sor.u32 s1, s0  }
0xbd: {  	s0 =	sadd.s32 $0x8F2B, s0  }
0xbe: {  	[sflag:s0] =	ssyncadd.remote.s32 $0x1  }
0xbf: {  	_ =	sfence.sel $0xFFFF  }
0xc0: {  	[dreg:$0x0] =	wrdreg $0xFFFFFFFF;
	(pc) =	sbr.abs _section_cstart, $3  }
0xc1: {  	[dreg:$0x1] =	wrdreg $0xFFFFFFFF  }
0xc2: {  	_ =	task.clear_ibuf [dreg:s7], $0x2FFFF;
	_ =	strace $0x9FFFFFFF  }
0xc3: {  	(tm) =	ssettm $0x7FFFFFFF  }
tec
execute0_lowered:
.L_overlay_start_1:
0x0: {  	(tag) =	ssettag $0x1  }
0x1: {  	s0 =	rddreg [dreg:$0x0]  }
0x2: {  	s1 =	rddreg [dreg:$0x1]  }
0x3: {  	s2 =	rddreg [dreg:$0x2]  }
0x4: {  	s12 =	stileid.u32;
	s3 =	simm.s32 $0x0;
	s4 =	srdreg.scid  }
0x5: {  	s14 =	simm.s32 $0x5100;
	s15 =	simm.s32 $0x5;
	s17 =	simm.s32 $0x2880  }
0x6: {  	s18 =	simm.s32 $0x120;
	s19 =	simm.s32 $0x10500;
	s20 =	simm.s32 $0x1  }
0x7: {  	s21 =	simm.s32 $0xAB00;
	s22 =	simm.s32 $0x11700;
	s23 =	simm.s32 $0x2  }
0x8: {  	s24 =	simm.s32 $0x3;
	s25 =	simm.s32 $0x4;
	s5 =	smul.u32 $0x2880, s12  }
0x9: {  	[smem:$0x7FF] =	sst s3;
	s7 =	sand.u32 $0x1, s4;
	s8 =	smul.u32 $0xC800, s12  }
0xa: {  	s4 =	sadd.s32 $0xAA00, s0;
	s12 =	smul.u32 $0x32000, s12;
	p0 =	seq.s32 s7, $0x0  }
0xb: {  	_ =	strace $0x80000047;
	s9 =	smul.u32 $0xC8000, s7;
	s7 =	ssub.s32 $0x2, s7  }
0xc: {  	s6 =	sadd.s32 $0x28800, s5;
	s30 =	sshrl.u32 s7, $0x1;
	s12 =	sshrl.u32 s12, $0x2  }
0xd: {  	s6 =	smov.u32 @p0 s5;
	s5 =	sadd.s32 $0x23E00, s0;
	s9 =	sadd.s32 s8, s9  }
.Ltmp0:
0xe: {  	s13 =	ssub.s32 s7, s30;
	s7 =	sadd.s32 s8, s2;
	(pc) =	sbr.rel .LBB2_1-.Ltmp0, $4  }
0xf: {  	s31 =	sadd.s32 s12, s2;
	s10 =	sshrl.u32 s6, $0x3;
	s6 =	sadd.s32 $0x23A00, s0  }
0x10: {  	v1 =	vlaneseq.u32;
	s9 =	sshrl.u32 s9, $0x3;
	s8 =	sadd.s32 $0x5A00, s31;
	s13 =	smax.u32 s13, $0x1  }
0x11: {  	v0 =	vimm.f32 $0.0e+00;
	v1 =	vshrl.u32 v1, $0x3;
	s11 =	sadd.s32 s10, s0;
	s0 =	sadd.s32 s9, s0;
	s9 =	sadd.s32 $0xB400, s31  }
0x12: {  	v2 =	vor.u32 $0x2, v1;
	v3 =	vor.u32 $0x4, v1;
	v4 =	vor.u32 $0x6, v1;
	s10 =	sadd.s32 s1, s10;
	s11 =	sadd.s32 $0x200, s11;
	s12 =	sadd.s32 $0x28E00, s0  }
.LBB2_10:
0x13: {  	s0 =	sadd.s32 $0x2880, s0  }
0x14: {  	[spmem:s2] =	stream.indirect.scatter.add.f32 [tilespmem:s21], [sflag:$0x4], $0x50, s0, s18, $0xb8;
	[tilespmem:$0x1F110] =	vst v63  }
0x15: {  	s31 =	stileid.u32;
	_ =	swait.ge [sflag:s25], $0x5A00  }
0x16: {  	s1 =	sshrl.u32 s7, $0x3;
	s3 =	sadd.s32 $0x1, s3;
	[sflag:s25] =	ssyncset.done $0x0  }
0x17: {  	s0 =	sshll.u32 s31, $0x6;
	p0 =	sne.s32 s3, s13;
	[sflag:s25] =	ssyncadd.s32 $0xFFFFA600  }
.Ltmp1:
0x18: {  	s0 =	sor.u32 $0x1C05, s0;
	[bflag:$0x0] =	sbarrier.arrive $0xFFFF;
	(pc) =	sbr.rel @!p0 .LBB2_11-.Ltmp1, $4  }
0x19: {  	[hbm:s12], [sflag:s0] =	dma.local [spmem:s1], $0x1900  }
0x1a: {  	_ =	swait.ge [sflag:s15], $0x1900  }
0x1b: {  	[sflag:s15] =	ssyncset.done $0x0  }
0x1c: {  	[sflag:s15] =	ssyncadd.s32 $0xFFFFE700  }
.LBB2_1:
0x1d: {  	s1 =	simm.s32 $0x140;
	s0 =	simm.s32 $0x0  }
.LBB2_2:
0x1e: {  	p0 =	sne.s32 s1, $0x166C0;
	[tilespmem:s0+$0x5140] =	vst v0;
	s16 =	smov.u32 s1;
	s1 =	sadd.s32 $0x140, s1  }
.Ltmp2:
0x1f: {  	[tilespmem:s0+$0x5130] =	vst v0;
	(pc) =	sbr.rel @p0 .LBB2_2-.Ltmp2, $4  }
0x20: {  	[tilespmem:s0+$0x5120] =	vst v0  }
0x21: {  	[tilespmem:s0+$0x5100] =	vst v0  }
0x22: {  	[tilespmem:s0+$0x5110] =	vst v0  }
0x23: {  	s0 =	sshra.s32 s16, $0x2  }
0x24: {  	[tilespmem:s0+$0x5140] =	vst v0  }
0x25: {  	[tilespmem:s0+$0x5130] =	vst v0  }
0x26: {  	[tilespmem:s0+$0x5120] =	vst v0  }
0x27: {  	[tilespmem:s0+$0x5100] =	vst v0  }
0x28: {  	[tilespmem:s0+$0x5110] =	vst v0  }
0x29: {  	[spmem:s7] =	stream.linear.scatter [tilespmem:s14], [sflag:$0x5], $0x5A00, $0x38;
	[tilespmem:$0x1F110] =	vst v63  }
0x2a: {  	_ =	swait.ge [sflag:s15], $0x5A00  }
0x2b: {  	[sflag:s15] =	ssyncset.done $0x0  }
0x2c: {  	[sflag:s15] =	ssyncadd.s32 $0xFFFFA600  }
0x2d: {  	[spmem:s8] =	stream.linear.scatter [tilespmem:s14], [sflag:$0x5], $0x5A00, $0x38;
	[tilespmem:$0x1F110] =	vst v63  }
0x2e: {  	_ =	swait.ge [sflag:s15], $0x5A00  }
0x2f: {  	[sflag:s15] =	ssyncset.done $0x0  }
0x30: {  	[sflag:s15] =	ssyncadd.s32 $0xFFFFA600  }
0x31: {  	[spmem:s9] =	stream.linear.scatter [tilespmem:s14], [sflag:$0x5], $0x1400, $0x38;
	[tilespmem:$0x1F110] =	vst v63  }
0x32: {  	_ =	swait.ge [sflag:s15], $0x1400  }
0x33: {  	[sflag:s15] =	ssyncset.done $0x0  }
0x34: {  	s26 =	simm.s32 $0x0;
	s31 =	simm.s32 $0x12900;
	[sflag:s15] =	ssyncadd.s32 $0xFFFFEC00  }
0x35: {  	[tilespmem:s31], [sflag:$0x5] =	stream.linear.gather [hbm4b:s6+s26], $0x10, $0x38;
	[tilespmem:$0x1F110] =	vst v63  }
0x36: {  	_ =	swait.ge [sflag:s15], $0x10  }
0x37: {  	[sflag:s15] =	ssyncset.done $0x0  }
0x38: {  	[sflag:s15] =	ssyncadd.s32 $0xFFFFFFF0  }
0x39: {  	[tilespmem:s26], [sflag:$0x5] =	stream.linear.gather [hbm4b:s10+s26], $0x2880, $0x38;
	[tilespmem:$0x1F110] =	vst v63  }
0x3a: {  	_ =	swait.ge [sflag:s15], $0x2880  }
0x3b: {  	[sflag:s15] =	ssyncset.done $0x0  }
0x3c: {  	[sflag:s15] =	ssyncadd.s32 $0xFFFFD780  }
0x3d: {  	[tilespmem:s17], [sflag:$0x5] =	stream.linear.gather [hbm4b:s11+s26], $0x2880, $0x38;
	[tilespmem:$0x1F110] =	vst v63  }
0x3e: {  	_ =	swait.ge [sflag:s15], $0x2880  }
0x3f: {  	[sflag:s15] =	ssyncset.done $0x0  }
0x40: {  	[sflag:s15] =	ssyncadd.s32 $0xFFFFD780  }
0x41: {  	[bflag:$0x0] =	sbarrier.arrive $0xFFFF  }
0x42: {  	v5 =	vld [tilespmem:$0x12900]  }
0x43: {  	[tilespmem:s14], [sflag:$0x1] =	stream.indirect.gather [hbm4b:s4+s18], $0x50, s26, s18, $0xb8;
	[tilespmem:$0x1F110] =	vst v63  }
0x44: {  	_ = 	snop  }
0x45: {  	[tilespmem:s19], [sflag:$0x1] =	stream.indirect.gather [hbm4b:s5+s18], $0x10, s17, s18, $0xb8;
	[tilespmem:$0x1F110] =	vst v63  }
.LBB2_4:
0x46: {  	_ =	swait.ge [sflag:s20], $0x5A00  }
0x47: {  	[sflag:s20] =	ssyncset.done $0x0  }
0x48: {  	[sflag:s20] =	ssyncadd.s32 $0xFFFFA600  }
0x49: {  	_ =	swait.ge [sflag:s20], $0x1200  }
0x4a: {  	[sflag:s20] =	ssyncset.done $0x0  }
0x4b: {  	s30 =	simm.s32 $0x5150;
	[sflag:s20] =	ssyncadd.s32 $0xFFFFEE00  }
0x4c: {  	s0 =	simm.s32 $0x10510;
	v6 =	vld [tilespmem:s30+$0x40]  }
0x4d: {  	v7 =	vld [tilespmem:s0+$0x0]  }
0x4e: {  	v8 =	vld [tilespmem:s0+$0xFFFFFFF0]  }
0x4f: {  	v9 =	vld [tilespmem:s30+$0xFFFFFFF0]  }
0x50: {  	v15 =	vld [tilespmem:s30+$0xFFFFFFB0]  }
0x51: {  	v19 =	vld [tilespmem:s30+$0xFFFFFFC0]  }
0x52: {  	v20 =	vld [tilespmem:s30+$0xFFFFFFD0];
	v6 =	vadd.f32 v7, v6  }
0x53: {  	v22 =	vld [tilespmem:s30+$0xFFFFFFE0]  }
0x54: {  	s28 =	simm.s32 $0x51F0;
	v24 =	vld [tilespmem:s30+$0x0];
	v8 =	vadd.f32 v8, v9;
	v7 =	vmul.f32 $2.000000030e-01, v6  }
0x55: {  	s16 =	simm.s32 $0x10530;
	v11 =	vld [tilespmem:s28+$0x40]  }
0x56: {  	v12 =	vld [tilespmem:s16+$0x0];
	v6 =	vmax.f32 v6, v7;
	v7 =	vmul.f32 $2.000000030e-01, v8  }
0x57: {  	v25 =	vld [tilespmem:s30+$0x10];
	v6 =	vsub.f32 v6, v5  }
0x58: {  	v13 =	vld [tilespmem:s16+$0xFFFFFFF0];
	v7 =	vmax.f32 v8, v7  }
0x59: {  	v14 =	vld [tilespmem:s28+$0xFFFFFFF0];
	v6 =	vmul.f32 $1.442695020e+00, v6;
	v7 =	vsub.f32 v7, v5  }
0x5a: {  	v28 =	vld [tilespmem:s30+$0x20]  }
0x5b: {  	s29 =	simm.s32 $0x5290;
	v10 =	vld [tilespmem:s28+$0xFFFFFFB0];
	(erf) = vpow2.f32 v6;
	v6 =	vmul.f32 $1.442695020e+00, v7;
	v7 =	vadd.f32 v12, v11  }
0x5c: {  	s31 =	simm.s32 $0x10550;
	v18 =	vld [tilespmem:s29+$0x40]  }
0x5d: {  	v27 =	vld [tilespmem:s31+$0xFFFFFFF0];
	v16 =	vmul.f32 $2.000000030e-01, v7  }
0x5e: {  	v31 =	vld [tilespmem:s29+$0xFFFFFFF0];
	v13 =	vadd.f32 v13, v14;
	(erf) = vpow2.f32 v6  }
0x5f: {  	v9 =	vld [tilespmem:s28+$0xFFFFFFD0];
	v7 =	vmax.f32 v7, v16  }
0x60: {  	v14 =	vld [tilespmem:s30+$0x30];
	v16 =	vmul.f32 $2.000000030e-01, v13;
	v17 =	vsub.f32 v7, v5  }
0x61: {  	v8 =	vld [tilespmem:s28+$0xFFFFFFC0]  }
0x62: {  	v12 =	vld [tilespmem:s28+$0xFFFFFFE0];
	v13 =	vmax.f32 v13, v16;
	v17 =	vmul.f32 $1.442695020e+00, v17  }
0x63: {  	v11 =	vld [tilespmem:s28+$0x10];
	v26 =	vsub.f32 v13, v5  }
0x64: {  	v16 =	vld [tilespmem:s31+$0x0];
	v21 =	vpop (erf);
	(erf) = vpow2.f32 v17  }
0x65: {  	v6 =	vld [tilespmem:s28+$0x0];
	v26 =	vmul.f32 $1.442695020e+00, v26;
	v23 =	vperm.xlane v21, v4  }
0x66: {  	v7 =	vld [tilespmem:s28+$0x20];
	v29 =	vperm.xlane v21, v1;
	v30 =	vperm.xlane v21, v2  }
0x67: {  	v13 =	vld [tilespmem:s29+$0xFFFFFFB0];
	v62 =	vperm.xlane v21, v3;
	v32 =	vpop (erf);
	(erf) = vpow2.f32 v26  }
0x68: {  	v17 =	vld [tilespmem:s29+$0xFFFFFFD0];
	v23 =	vmul.f32 v14, v23;
	v33 =	vperm.xlane v32, v1  }
0x69: {  	[tilespmem:s30+$0x40] =	vst v21;
	v36 =	vadd.f32 v16, v18;
	v16 =	vld [tilespmem:s29+$0xFFFFFFE0];
	v34 =	vperm.xlane v32, v2;
	v35 =	vperm.xlane v32, v3  }
0x6a: {  	v18 =	vld [tilespmem:s29+$0x0];
	v26 =	vperm.xlane v32, v4;
	[tilespmem:s30+$0x30] =	vst v23;
	v23 =	vmul.f32 v15, v33  }
0x6b: {  	v21 =	vadd.f32 v27, v31;
	v14 =	vld [tilespmem:s29+$0xFFFFFFC0];
	[tilespmem:s30+$0xFFFFFFF0] =	vst v32;
	v27 =	vmul.f32 $2.000000030e-01, v36;
	v19 =	vmul.f32 v19, v34  }
0x6c: {  	v24 =	vmul.f32 v24, v29;
	v15 =	vld [tilespmem:s29+$0x10];
	v63 =	vmul.f32 v20, v35;
	[tilespmem:s30+$0xFFFFFFB0] =	vst v23  }
0x6d: {  	v20 =	vld [tilespmem:s28+$0x30];
	v23 =	vmul.f32 v22, v26;
	v26 =	vmul.f32 $2.000000030e-01, v21;
	v22 =	vmax.f32 v36, v27;
	[tilespmem:s30+$0xFFFFFFC0] =	vst v19  }
0x6e: {  	s0 =	simm.s32 $0x4;
	s16 =	simm.s32 $0x5330;
	v25 =	vmul.f32 v25, v30;
	v19 =	vld [tilespmem:s29+$0x20];
	[tilespmem:s30+$0xFFFFFFD0] =	vst v63;
	v27 =	vsub.f32 v22, v5;
	v22 =	vmul.f32 v28, v62  }
.LBB2_5:
0x6f: {  	v28 =	vld [tilespmem:s16+$0x40];
	v21 =	vmax.f32 v21, v26;
	s31 =	sadd.s32 $0x20, s31;
	v26 =	vpop (erf);
	[tilespmem:s30+$0xFFFFFFE0] =	vst v23;
	v29 =	vmov v17;
	v23 =	vmov v12  }
0x70: {  	s0 =	sadd.s32 $0x2, s0;
	v12 =	vmovc v16;
	v30 =	vld [tilespmem:s31+$0x0];
	v17 =	vsub.f32 v21, v5;
	v21 =	vmul.f32 $1.442695020e+00, v27;
	v27 =	vperm.xlane v26, v4;
	[tilespmem:s30+$0x0] =	vst v24  }
0x71: {  	p0 =	slt.u32 s0, $0x11E;
	v31 =	vperm.xlane v26, v1;
	v32 =	vperm.xlane v26, v2;
	v24 =	vld [tilespmem:s31+$0xFFFFFFF0];
	[tilespmem:s30+$0x10] =	vst v25;
	v25 =	vmovc v6;
	v6 =	vmov v18  }
0x72: {  	v18 =	vld [tilespmem:s16+$0xFFFFFFF0];
	(erf) = vpow2.f32 v21;
	v16 =	vmul.f32 v20, v27;
	v20 =	vpop (erf);
	[tilespmem:s30+$0x20] =	vst v22;
	v22 =	vmov v11;
	s30 =	smov.u32 s28;
	s28 =	smov.u32 s29;
	s29 =	smov.u32 s16  }
0x73: {  	v34 =	vmovc v7;
	v21 =	vmul.f32 $1.442695020e+00, v17;
	v11 =	vmovc v15;
	v27 =	vld [tilespmem:s16+$0xFFFFFFB0];
	v33 =	vperm.xlane v20, v1;
	[tilespmem:s30+$0xFFFFFFF0] =	vst v20;
	v7 =	vmov v19  }
0x74: {  	v15 =	vperm.xlane v20, v2;
	v35 =	vperm.xlane v20, v3;
	v19 =	vld [tilespmem:s16+$0xFFFFFFC0];
	[tilespmem:s30+$0x30] =	vst v16  }
0x75: {  	v20 =	vperm.xlane v20, v4;
	v17 =	vld [tilespmem:s16+$0xFFFFFFD0];
	v28 =	vadd.f32 v30, v28;
	(erf) = vpow2.f32 v21;
	[tilespmem:s30+$0x40] =	vst v26  }
.Ltmp3:
0x76: {  	v30 =	vmul.f32 v10, v33;
	v33 =	vperm.xlane v26, v3;
	v10 =	vmov v13;
	v16 =	vld [tilespmem:s16+$0xFFFFFFE0];
	(pc) =	sbr.rel @p0 .LBB2_5-.Ltmp3, $4  }
0x77: {  	v36 =	vmul.f32 v8, v15;
	v8 =	vmovc v14;
	v21 =	vadd.f32 v24, v18;
	v24 =	vmul.f32 $2.000000030e-01, v28;
	v18 =	vld [tilespmem:s16+$0x0]  }
0x78: {  	v23 =	vmul.f32 v23, v20;
	v15 =	vld [tilespmem:s16+$0x10];
	[tilespmem:s30+$0xFFFFFFB0] =	vst v30;
	v30 =	vmul.f32 v9, v35;
	v13 =	vmovc v27;
	v9 =	vmov v29  }
0x79: {  	v26 =	vmul.f32 $2.000000030e-01, v21;
	v27 =	vmax.f32 v28, v24;
	v20 =	vld [tilespmem:s28+$0x30];
	[tilespmem:s30+$0xFFFFFFC0] =	vst v36;
	v24 =	vmul.f32 v25, v31;
	v14 =	vmovc v19  }
0x7a: {  	s16 =	sadd.s32 $0xA0, s16;
	v25 =	vmul.f32 v22, v32;
	v22 =	vmul.f32 v34, v33;
	v27 =	vsub.f32 v27, v5;
	v19 =	vld [tilespmem:s29+$0x20];
	[tilespmem:s30+$0xFFFFFFD0] =	vst v30  }
0x7b: {  	v21 =	vmax.f32 v21, v26;
	v26 =	vpop (erf)  }
0x7c: {  	[tilespmem:s30+$0xFFFFFFE0] =	vst v23;
	v23 =	vperm.xlane v26, v4  }
0x7d: {  	v21 =	vsub.f32 v21, v5  }
0x7e: {  	v27 =	vmul.f32 $1.442695020e+00, v27  }
0x7f: {  	v21 =	vmul.f32 $1.442695020e+00, v21  }
0x80: {  	[tilespmem:s30+$0x0] =	vst v24;
	(erf) = vpow2.f32 v27;
	v20 =	vmul.f32 v20, v23;
	v23 =	vpop (erf)  }
0x81: {  	[tilespmem:s30+$0x20] =	vst v22;
	(erf) = vpow2.f32 v21;
	v22 =	vperm.xlane v23, v1  }
0x82: {  	[tilespmem:s30+$0x10] =	vst v25;
	v21 =	vperm.xlane v23, v2  }
0x83: {  	[tilespmem:s28+$0x40] =	vst v26;
	v24 =	vperm.xlane v23, v3;
	v10 =	vmul.f32 v10, v22  }
0x84: {  	[tilespmem:s28+$0x30] =	vst v20;
	v8 =	vmul.f32 v8, v21;
	v21 =	vperm.xlane v26, v1  }
0x85: {  	v20 =	vperm.xlane v23, v4;
	[tilespmem:s28+$0xFFFFFFB0] =	vst v10;
	v10 =	vperm.xlane v26, v2  }
0x86: {  	[tilespmem:s28+$0xFFFFFFF0] =	vst v23;
	v9 =	vmul.f32 v9, v24;
	v6 =	vmul.f32 v6, v21  }
0x87: {  	v12 =	vmul.f32 v12, v20;
	[tilespmem:s28+$0xFFFFFFC0] =	vst v8;
	v8 =	vperm.xlane v26, v3  }
0x88: {  	v20 =	vld [tilespmem:s29+$0x30];
	[tilespmem:s28+$0xFFFFFFD0] =	vst v9  }
0x89: {  	[tilespmem:s28+$0xFFFFFFE0] =	vst v12;
	v9 =	vmul.f32 v11, v10;
	v7 =	vmul.f32 v7, v8;
	v10 =	vpop (erf)  }
0x8a: {  	[tilespmem:s28+$0x0] =	vst v6;
	v6 =	vpop (erf)  }
0x8b: {  	[tilespmem:s28+$0x20] =	vst v7;
	v8 =	vperm.xlane v10, v4;
	v7 =	vperm.xlane v6, v1  }
0x8c: {  	[tilespmem:s28+$0x10] =	vst v9;
	v9 =	vperm.xlane v6, v2;
	v11 =	vperm.xlane v6, v3  }
0x8d: {  	[tilespmem:s29+$0xFFFFFFF0] =	vst v6;
	v6 =	vperm.xlane v6, v4;
	v8 =	vmul.f32 v20, v8  }
0x8e: {  	[tilespmem:s29+$0x40] =	vst v10;
	v7 =	vmul.f32 v13, v7  }
0x8f: {  	v6 =	vmul.f32 v16, v6;
	[tilespmem:s29+$0x30] =	vst v8  }
0x90: {  	v8 =	vmul.f32 v14, v9;
	v9 =	vperm.xlane v10, v1;
	[tilespmem:s29+$0xFFFFFFB0] =	vst v7  }
0x91: {  	v7 =	vmul.f32 v17, v11;
	v11 =	vperm.xlane v10, v2;
	[tilespmem:s29+$0xFFFFFFE0] =	vst v6  }
0x92: {  	[tilespmem:s29+$0xFFFFFFC0] =	vst v8;
	v8 =	vperm.xlane v10, v3;
	v9 =	vmul.f32 v18, v9  }
0x93: {  	[tilespmem:s29+$0xFFFFFFD0] =	vst v7;
	v7 =	vmul.f32 v15, v11  }
0x94: {  	v6 =	vmul.f32 v19, v8;
	[tilespmem:s29+$0x0] =	vst v9  }
0x95: {  	p0 =	seq.s32 s26, $0x0;
	[tilespmem:s29+$0x10] =	vst v7  }
0x96: {  	s0 =	sshll.u32 s26, $0x1;
	s1 =	simm.s32 @!p0 $0x4;
	[tilespmem:s29+$0x20] =	vst v6  }
0x97: {  	s28 =	sor.u32 $0x1, s0;
	_ =	swait.ge @!p0 [sflag:s1], $0x5A00  }
0x98: {  	s0 =	smul.u32 $0x120, s28;
	[sflag:s1] =	ssyncset.done @!p0 $0x0  }
0x99: {  	s16 =	smul.u32 $0x900, s26;
	[sflag:s1] =	ssyncadd.s32 @!p0 $0xFFFFA600  }
0x9a: {  	[tilespmem:s21], [sflag:$0x2] =	stream.indirect.gather [hbm4b:s4+s18], $0x50, s0, s18, $0xb8;
	[tilespmem:$0x1F110] =	vst v63  }
0x9b: {  	s16 =	sshra.s32 s16, $0x2;
	s0 =	sadd.s32 $0x2880, s0  }
0x9c: {  	[tilespmem:s22], [sflag:$0x2] =	stream.indirect.gather [hbm4b:s5+s18], $0x10, s0, s18, $0xb8;
	[tilespmem:$0x1F110] =	vst v63  }
0x9d: {  	s0 =	sadd.s32 $0x2880, s16  }
0x9e: {  	[spmem:s2] =	stream.indirect.scatter.add.f32 [tilespmem:s14], [sflag:$0x3], $0x50, s0, s18, $0xb8;
	[tilespmem:$0x1F110] =	vst v63  }
0x9f: {  	_ =	swait.ge [sflag:s23], $0x5A00  }
0xa0: {  	[sflag:s23] =	ssyncset.done $0x0  }
0xa1: {  	[sflag:s23] =	ssyncadd.s32 $0xFFFFA600  }
0xa2: {  	_ =	swait.ge [sflag:s23], $0x1200  }
0xa3: {  	[sflag:s23] =	ssyncset.done $0x0  }
0xa4: {  	s31 =	simm.s32 $0xAB50;
	[sflag:s23] =	ssyncadd.s32 $0xFFFFEE00  }
0xa5: {  	s1 =	simm.s32 $0x11710;
	v6 =	vld [tilespmem:s31+$0x40]  }
0xa6: {  	v7 =	vld [tilespmem:s1+$0x0]  }
0xa7: {  	v8 =	vld [tilespmem:s1+$0xFFFFFFF0]  }
0xa8: {  	v9 =	vld [tilespmem:s31+$0xFFFFFFF0]  }
0xa9: {  	v15 =	vld [tilespmem:s31+$0xFFFFFFB0]  }
0xaa: {  	v19 =	vld [tilespmem:s31+$0xFFFFFFC0]  }
0xab: {  	v20 =	vld [tilespmem:s31+$0xFFFFFFD0];
	v6 =	vadd.f32 v7, v6  }
0xac: {  	v22 =	vld [tilespmem:s31+$0xFFFFFFE0]  }
0xad: {  	s29 =	simm.s32 $0xABF0;
	v24 =	vld [tilespmem:s31+$0x0];
	v8 =	vadd.f32 v8, v9;
	v7 =	vmul.f32 $2.000000030e-01, v6  }
0xae: {  	s16 =	simm.s32 $0x11730;
	v11 =	vld [tilespmem:s29+$0x40]  }
0xaf: {  	v12 =	vld [tilespmem:s16+$0x0];
	v6 =	vmax.f32 v6, v7;
	v7 =	vmul.f32 $2.000000030e-01, v8  }
0xb0: {  	v25 =	vld [tilespmem:s31+$0x10];
	v6 =	vsub.f32 v6, v5  }
0xb1: {  	v13 =	vld [tilespmem:s16+$0xFFFFFFF0];
	v7 =	vmax.f32 v8, v7  }
0xb2: {  	v14 =	vld [tilespmem:s29+$0xFFFFFFF0];
	v6 =	vmul.f32 $1.442695020e+00, v6;
	v7 =	vsub.f32 v7, v5  }
0xb3: {  	v28 =	vld [tilespmem:s31+$0x20]  }
0xb4: {  	s30 =	simm.s32 $0xAC90;
	v10 =	vld [tilespmem:s29+$0xFFFFFFB0];
	(erf) = vpow2.f32 v6;
	v6 =	vmul.f32 $1.442695020e+00, v7;
	v7 =	vadd.f32 v12, v11  }
0xb5: {  	s0 =	simm.s32 $0x11750;
	v18 =	vld [tilespmem:s30+$0x40]  }
0xb6: {  	v27 =	vld [tilespmem:s0+$0xFFFFFFF0];
	v16 =	vmul.f32 $2.000000030e-01, v7  }
0xb7: {  	v31 =	vld [tilespmem:s30+$0xFFFFFFF0];
	v13 =	vadd.f32 v13, v14;
	(erf) = vpow2.f32 v6  }
0xb8: {  	v9 =	vld [tilespmem:s29+$0xFFFFFFD0];
	v7 =	vmax.f32 v7, v16  }
0xb9: {  	v14 =	vld [tilespmem:s31+$0x30];
	v16 =	vmul.f32 $2.000000030e-01, v13;
	v17 =	vsub.f32 v7, v5  }
0xba: {  	v8 =	vld [tilespmem:s29+$0xFFFFFFC0]  }
0xbb: {  	v12 =	vld [tilespmem:s29+$0xFFFFFFE0];
	v13 =	vmax.f32 v13, v16;
	v17 =	vmul.f32 $1.442695020e+00, v17  }
0xbc: {  	v11 =	vld [tilespmem:s29+$0x10];
	v26 =	vsub.f32 v13, v5  }
0xbd: {  	v16 =	vld [tilespmem:s0+$0x0];
	v21 =	vpop (erf);
	(erf) = vpow2.f32 v17  }
0xbe: {  	v6 =	vld [tilespmem:s29+$0x0];
	v26 =	vmul.f32 $1.442695020e+00, v26;
	v23 =	vperm.xlane v21, v4  }
0xbf: {  	v7 =	vld [tilespmem:s29+$0x20];
	v29 =	vperm.xlane v21, v1;
	v30 =	vperm.xlane v21, v2  }
0xc0: {  	v13 =	vld [tilespmem:s30+$0xFFFFFFB0];
	v62 =	vperm.xlane v21, v3;
	v32 =	vpop (erf);
	(erf) = vpow2.f32 v26  }
0xc1: {  	v17 =	vld [tilespmem:s30+$0xFFFFFFD0];
	v23 =	vmul.f32 v14, v23;
	v33 =	vperm.xlane v32, v1  }
0xc2: {  	[tilespmem:s31+$0x40] =	vst v21;
	v36 =	vadd.f32 v16, v18;
	v16 =	vld [tilespmem:s30+$0xFFFFFFE0];
	v34 =	vperm.xlane v32, v2;
	v35 =	vperm.xlane v32, v3  }
0xc3: {  	v18 =	vld [tilespmem:s30+$0x0];
	v26 =	vperm.xlane v32, v4;
	[tilespmem:s31+$0x30] =	vst v23;
	v23 =	vmul.f32 v15, v33  }
0xc4: {  	v21 =	vadd.f32 v27, v31;
	v14 =	vld [tilespmem:s30+$0xFFFFFFC0];
	[tilespmem:s31+$0xFFFFFFF0] =	vst v32;
	v27 =	vmul.f32 $2.000000030e-01, v36;
	v19 =	vmul.f32 v19, v34  }
0xc5: {  	v24 =	vmul.f32 v24, v29;
	v15 =	vld [tilespmem:s30+$0x10];
	v63 =	vmul.f32 v20, v35;
	[tilespmem:s31+$0xFFFFFFB0] =	vst v23  }
0xc6: {  	v20 =	vld [tilespmem:s29+$0x30];
	v23 =	vmul.f32 v22, v26;
	v26 =	vmul.f32 $2.000000030e-01, v21;
	v22 =	vmax.f32 v36, v27;
	[tilespmem:s31+$0xFFFFFFC0] =	vst v19  }
0xc7: {  	s16 =	simm.s32 $0x4;
	s1 =	simm.s32 $0xAD30;
	v25 =	vmul.f32 v25, v30;
	v19 =	vld [tilespmem:s30+$0x20];
	[tilespmem:s31+$0xFFFFFFD0] =	vst v63;
	v27 =	vsub.f32 v22, v5;
	v22 =	vmul.f32 v28, v62  }
.LBB2_7:
0xc8: {  	v28 =	vld [tilespmem:s1+$0x40];
	v21 =	vmax.f32 v21, v26;
	s0 =	sadd.s32 $0x20, s0;
	v26 =	vpop (erf);
	[tilespmem:s31+$0xFFFFFFE0] =	vst v23;
	v29 =	vmov v17;
	v23 =	vmov v12  }
0xc9: {  	s16 =	sadd.s32 $0x2, s16;
	v12 =	vmovc v16;
	v30 =	vld [tilespmem:s0+$0x0];
	v17 =	vsub.f32 v21, v5;
	v21 =	vmul.f32 $1.442695020e+00, v27;
	v27 =	vperm.xlane v26, v4;
	[tilespmem:s31+$0x0] =	vst v24  }
0xca: {  	p0 =	slt.u32 s16, $0x11E;
	v31 =	vperm.xlane v26, v1;
	v32 =	vperm.xlane v26, v2;
	v24 =	vld [tilespmem:s0+$0xFFFFFFF0];
	[tilespmem:s31+$0x10] =	vst v25;
	v25 =	vmovc v6;
	v6 =	vmov v18  }
0xcb: {  	v18 =	vld [tilespmem:s1+$0xFFFFFFF0];
	(erf) = vpow2.f32 v21;
	v16 =	vmul.f32 v20, v27;
	v20 =	vpop (erf);
	[tilespmem:s31+$0x20] =	vst v22;
	v22 =	vmov v11;
	s31 =	smov.u32 s29;
	s29 =	smov.u32 s30;
	s30 =	smov.u32 s1  }
0xcc: {  	v34 =	vmovc v7;
	v21 =	vmul.f32 $1.442695020e+00, v17;
	v11 =	vmovc v15;
	v27 =	vld [tilespmem:s1+$0xFFFFFFB0];
	v33 =	vperm.xlane v20, v1;
	[tilespmem:s31+$0xFFFFFFF0] =	vst v20;
	v7 =	vmov v19  }
0xcd: {  	v15 =	vperm.xlane v20, v2;
	v35 =	vperm.xlane v20, v3;
	v19 =	vld [tilespmem:s1+$0xFFFFFFC0];
	[tilespmem:s31+$0x30] =	vst v16  }
0xce: {  	v20 =	vperm.xlane v20, v4;
	v17 =	vld [tilespmem:s1+$0xFFFFFFD0];
	v28 =	vadd.f32 v30, v28;
	(erf) = vpow2.f32 v21;
	[tilespmem:s31+$0x40] =	vst v26  }
.Ltmp4:
0xcf: {  	v30 =	vmul.f32 v10, v33;
	v33 =	vperm.xlane v26, v3;
	v10 =	vmov v13;
	v16 =	vld [tilespmem:s1+$0xFFFFFFE0];
	(pc) =	sbr.rel @p0 .LBB2_7-.Ltmp4, $4  }
0xd0: {  	v36 =	vmul.f32 v8, v15;
	v8 =	vmovc v14;
	v21 =	vadd.f32 v24, v18;
	v24 =	vmul.f32 $2.000000030e-01, v28;
	v18 =	vld [tilespmem:s1+$0x0]  }
0xd1: {  	v23 =	vmul.f32 v23, v20;
	v15 =	vld [tilespmem:s1+$0x10];
	[tilespmem:s31+$0xFFFFFFB0] =	vst v30;
	v30 =	vmul.f32 v9, v35;
	v13 =	vmovc v27;
	v9 =	vmov v29  }
0xd2: {  	v26 =	vmul.f32 $2.000000030e-01, v21;
	v27 =	vmax.f32 v28, v24;
	v20 =	vld [tilespmem:s29+$0x30];
	[tilespmem:s31+$0xFFFFFFC0] =	vst v36;
	v24 =	vmul.f32 v25, v31;
	v14 =	vmovc v19  }
0xd3: {  	s1 =	sadd.s32 $0xA0, s1;
	v25 =	vmul.f32 v22, v32;
	v22 =	vmul.f32 v34, v33;
	v27 =	vsub.f32 v27, v5;
	v19 =	vld [tilespmem:s30+$0x20];
	[tilespmem:s31+$0xFFFFFFD0] =	vst v30  }
0xd4: {  	_ = 	snop  }
0xd5: {  	v21 =	vmax.f32 v21, v26;
	v27 =	vmul.f32 $1.442695020e+00, v27  }
0xd6: {  	[tilespmem:s31+$0xFFFFFFE0] =	vst v23;
	v21 =	vsub.f32 v21, v5  }
0xd7: {  	v44 =	vpop (erf);
	[tilespmem:s31+$0x0] =	vst v24;
	(erf) = vpow2.f32 v27  }
0xd8: {  	v45 =	vperm.xlane v44, v4;
	[tilespmem:s31+$0x10] =	vst v25;
	v21 =	vmul.f32 $1.442695020e+00, v21  }
0xd9: {  	[tilespmem:s31+$0x20] =	vst v22;
	v51 =	vperm.xlane v44, v1;
	v52 =	vperm.xlane v44, v2  }
0xda: {  	[tilespmem:s29+$0x40] =	vst v44;
	v20 =	vmul.f32 v20, v45;
	v46 =	vpop (erf);
	(erf) = vpow2.f32 v21  }
0xdb: {  	v54 =	vperm.xlane v44, v3;
	v6 =	vmul.f32 v6, v51;
	[tilespmem:s29+$0xFFFFFFF0] =	vst v46  }
0xdc: {  	v55 =	vmul.f32 v11, v52;
	v47 =	vperm.xlane v46, v1;
	[tilespmem:s29+$0x30] =	vst v20  }
0xdd: {  	v7 =	vmul.f32 v7, v54;
	v48 =	vperm.xlane v46, v2;
	[tilespmem:s29+$0x0] =	vst v6  }
0xde: {  	v53 =	vld [tilespmem:s30+$0x30];
	v49 =	vperm.xlane v46, v3;
	[tilespmem:s29+$0x10] =	vst v55;
	v10 =	vmul.f32 v10, v47  }
0xdf: {  	v50 =	vperm.xlane v46, v4;
	[tilespmem:s29+$0x20] =	vst v7;
	v8 =	vmul.f32 v8, v48  }
0xe0: {  	v9 =	vmul.f32 v9, v49;
	[tilespmem:s29+$0xFFFFFFB0] =	vst v10;
	v56 =	vpop (erf)  }
0xe1: {  	v12 =	vmul.f32 v12, v50;
	[tilespmem:s29+$0xFFFFFFC0] =	vst v8;
	v57 =	vperm.xlane v56, v4  }
0xe2: {  	[tilespmem:s29+$0xFFFFFFD0] =	vst v9  }
0xe3: {  	[tilespmem:s29+$0xFFFFFFE0] =	vst v12;
	v61 =	vperm.xlane v56, v1;
	v6 =	vpop (erf);
	v8 =	vmul.f32 v53, v57  }
0xe4: {  	[tilespmem:s30+$0x40] =	vst v56;
	v7 =	vperm.xlane v6, v1;
	v58 =	vperm.xlane v6, v2  }
0xe5: {  	[tilespmem:s30+$0xFFFFFFF0] =	vst v6;
	v59 =	vperm.xlane v6, v3;
	v9 =	vmul.f32 v18, v61  }
0xe6: {  	v6 =	vperm.xlane v6, v4;
	[tilespmem:s30+$0x30] =	vst v8;
	v7 =	vmul.f32 v13, v7  }
0xe7: {  	v60 =	vmul.f32 v14, v58;
	[tilespmem:s30+$0x0] =	vst v9  }
0xe8: {  	v63 =	vperm.xlane v56, v3;
	v6 =	vmul.f32 v16, v6;
	[tilespmem:s30+$0xFFFFFFB0] =	vst v7  }
0xe9: {  	v62 =	vperm.xlane v56, v2;
	v7 =	vmul.f32 v17, v59;
	[tilespmem:s30+$0xFFFFFFC0] =	vst v60  }
0xea: {  	[tilespmem:s30+$0xFFFFFFE0] =	vst v6;
	v6 =	vmul.f32 v19, v63  }
0xeb: {  	p0 =	seq.s32 s26, $0x11;
	[tilespmem:s30+$0xFFFFFFD0] =	vst v7;
	v7 =	vmul.f32 v15, v62  }
.Ltmp5:
0xec: {  	[tilespmem:s30+$0x20] =	vst v6;
	(pc) =	sbr.rel @p0 .LBB2_10-.Ltmp5, $4  }
0xed: {  	[tilespmem:s30+$0x10] =	vst v7  }
0xee: {  	s0 =	smul.u32 $0x480, s28;
	_ =	swait.ge [sflag:s24], $0x5A00  }
0xef: {  	[sflag:s24] =	ssyncset.done $0x0  }
0xf0: {  	s0 =	sshra.s32 s0, $0x2;
	[sflag:s24] =	ssyncadd.s32 $0xFFFFA600  }
0xf1: {  	s1 =	smul.u32 $0x240, s26;
	_ =	sdelay $0x1  }
0xf2: {  	s16 =	sadd.s32 $0x240, s1  }
0xf3: {  	[tilespmem:s14], [sflag:$0x1] =	stream.indirect.gather [hbm4b:s4+s18], $0x50, s16, s18, $0xb8;
	[tilespmem:$0x1F110] =	vst v63  }
.Ltmp6:
0xf4: {  	_ = 	snop;
	(pc) =	sbr.rel .LBB2_4-.Ltmp6, $4  }
0xf5: {  	s1 =	sadd.s32 $0x2AC0, s1  }
0xf6: {  	[tilespmem:s19], [sflag:$0x1] =	stream.indirect.gather [hbm4b:s5+s18], $0x10, s1, s18, $0xb8;
	[tilespmem:$0x1F110] =	vst v63  }
0xf7: {  	s0 =	sadd.s32 $0x2880, s0;
	s26 =	sadd.s32 $0x1, s26  }
0xf8: {  	[spmem:s2] =	stream.indirect.scatter.add.f32 [tilespmem:s21], [sflag:$0x4], $0x50, s0, s18, $0xb8;
	[tilespmem:$0x1F110] =	vst v63  }
.LBB2_11:
0xf9: {  	_ =	sfence.sel $0x180000  }
0xfa: {  	[bflag:$0x0] =	sbarrier.arrive $0xFFFF  }
0xfb: {  	_ =	strace $0x90000047  }
0xfc: {  	s0 =	stileid.u32;
	[bflag:$0x2] =	sbarrier.arrive $0xFFFF  }
0xfd: {  	p0 =	sne.s32 s0, $0x0;
	s0 =	rddreg [dreg:$0x3]  }
0xfe: {  	s0 =	sadd.s32 @!p0 $0x100000, s0  }
0xff: {  	[sflag:s0] =	ssyncadd.tile.s32 @!p0 $0x1;
	_ =	shalt  }
.Lfunc_end2:
_tile_overlayer_lowered:
.L_overlay_start_2:
0x100: {  	(tag) =	ssettag $0x2  }
0x101: {  	s0 =	rddreg [dreg:$0x0];
	s2 =	stileid.u32  }
0x102: {  	s1 =	rddreg [dreg:$0x1];
	p0 =	sne.s32 s2, $0x0  }
0x103: {  	s3 =	rddreg [dreg:$0x2];
	[bflag:$0x3] =	sbarrier.arrive $0xFFFF;
	s2 =	simm.s32 @!p0 $0x1C05  }
0x104: {  	[timem:s3], [sflag:s2] =	dma.local @!p0 [hbm:s0], s1  }
0x105: {  	s0 =	simm.s32 @!p0 $0x5  }
0x106: {  	_ =	swait.ge @!p0 [sflag:s0], s1  }
0x107: {  	s1 =	ssub.s32 @!p0 $0x0, s1;
	[sflag:s0] =	ssyncset.done @!p0 $0x0  }
0x108: {  	[sflag:s0] =	ssyncadd.s32 @!p0 s1  }
0x109: {  	[bflag:$0x3] =	sbarrier.arrive $0xFFFF  }
0x10a: {  	_ =	shalt  }

</sc_bundles>
